<compile_context>
chip_gen: v7x
topology: tpu7x:2x2x1
jax: 0.10.2.dev20260603
libtpu: 0.0.44.dev20260713+nightly
codegen_flags: <defaults>
</compile_context>

<pallas_src>
import jax
import jax.numpy as jnp
from jax import lax
from jax.experimental import pallas as pl
from jax.experimental.pallas import tpu as pltpu
from jax.experimental.pallas import tpu_sc as plsc

N = 10000
E = 320000
D = 128
H = 256
G = 16
C = 10

NC = 2
NS = 16
NW = NC * NS
NP = 10240
STRIPE = NP // NS
K = 80
NBUF = 4
AI = 3
AG = 2
LAG = 1

_mesh = plsc.VectorSubcoreMesh(core_axis_name="c", subcore_axis_name="s")
_sc_params = pltpu.CompilerParams(needs_layout_passes=False)


def _zero_rows(rowsv):
    def body(i, _):
        r = i // (D // 16)
        j = i % (D // 16)
        rowsv[r, pl.ds(j * 16, 16)] = jnp.zeros((16,), jnp.float32)
        return 0
    lax.fori_loop(0, K * (D // 16), body, 0)


def _zero_acc_stripe(acc, rowsv, sid):
    def body(j, _):
        pltpu.sync_copy(rowsv, acc.at[pl.ds(sid * STRIPE + j * K, K)])
        return 0
    lax.fori_loop(0, STRIPE // K, body, 0)


def _agg_pass(table_hbm, src_hbm, src_base, dst_hbm, dst_base, acc,
              srcvs, dstvs, bufs, xsems, dsems, gsems, ssems, nch):
    def i_start(i, b):
        pltpu.async_copy(src_hbm.at[pl.ds(src_base + i * K, K)],
                         srcvs[b], xsems[b])
        pltpu.async_copy(dst_hbm.at[pl.ds(dst_base + i * K, K)],
                         dstvs[b], dsems[b])

    def x_wait(i, b):
        pltpu.make_async_copy(src_hbm.at[pl.ds(src_base + i * K, K)],
                              srcvs[b], xsems[b]).wait()

    def d_wait(i, b):
        pltpu.make_async_copy(dst_hbm.at[pl.ds(dst_base + i * K, K)],
                              dstvs[b], dsems[b]).wait()

    def g_start(i, b):
        pltpu.async_copy(table_hbm.at[srcvs[b]], bufs[b], gsems[b])

    def g_wait(i, b):
        pltpu.make_async_copy(table_hbm.at[srcvs[b]], bufs[b],
                              gsems[b]).wait()

    def s_start(i, b):
        pltpu.async_copy(bufs[b], acc.at[dstvs[b]], ssems[b], add=True)

    def s_wait(i, b):
        pltpu.make_async_copy(bufs[b], acc.at[dstvs[b]], ssems[b]).wait()

    for j in range(AI):
        i_start(j, j)
    for j in range(AG):
        x_wait(j, j)
        g_start(j, j)

    def substep(i, b, static=False):
        g_wait(i, b)
        d_wait(i, b)
        s_start(i, b)
        bi = (b + AI) % NBUF
        bg = (b + AG) % NBUF

        def waits():
            s_wait(i - LAG, (b + NBUF - LAG) % NBUF)
        if static:
            if i >= LAG:
                waits()
            if i + AI < nch:
                i_start(i + AI, bi)
            if i + AG < nch:
                x_wait(i + AG, bg)
                g_start(i + AG, bg)
        else:
            pl.when(i >= LAG)(waits)
            pl.when(i + AI < nch)(lambda: i_start(i + AI, bi))

            def adv_g():
                x_wait(i + AG, bg)
                g_start(i + AG, bg)
            pl.when(i + AG < nch)(adv_g)

    def step(g, _):
        for b in range(NBUF):
            substep(g * NBUF + b, b)
        return 0
    lax.fori_loop(0, nch // NBUF, step, 0)

    for i in range((nch // NBUF) * NBUF, nch):
        substep(i, i % NBUF, static=True)

    for i in range(nch - LAG, nch):
        s_wait(i, i % NBUF)


_NCH1 = E // NW // K
_NCH2 = E // NS // K


def _agg1_body(x_hbm, src_hbm, dst_hbm, sum1_hbm, *scr):
    srcvs, dstvs, bufs = scr[0:NBUF], scr[NBUF:2 * NBUF], scr[2 * NBUF:3 * NBUF]
    sems = scr[3 * NBUF:7 * NBUF]
    acc = scr[7 * NBUF]
    xsems, dsems = sems[0:NBUF], sems[NBUF:2 * NBUF]
    gsems, ssems = sems[2 * NBUF:3 * NBUF], sems[3 * NBUF:4 * NBUF]

    cid = lax.axis_index("c")
    sid = lax.axis_index("s")
    wid = sid * NC + cid

    _zero_rows(bufs[0])
    _zero_acc_stripe(acc, bufs[0], sid)
    plsc.subcore_barrier()

    base = wid * _NCH1 * K
    _agg_pass(x_hbm, src_hbm, base, dst_hbm, base, acc,
              srcvs, dstvs, bufs, xsems, dsems, gsems, ssems, _NCH1)

    plsc.subcore_barrier()
    pltpu.sync_copy(acc.at[pl.ds(sid * STRIPE, STRIPE)],
                    sum1_hbm.at[cid, pl.ds(sid * STRIPE, STRIPE)])


def _agg2_body(h0_hbm, h1_hbm, src_hbm, dst_hbm, sum2_hbm, *scr):
    srcvs, dstvs, bufs = scr[0:NBUF], scr[NBUF:2 * NBUF], scr[2 * NBUF:3 * NBUF]
    sems = scr[3 * NBUF:7 * NBUF]
    acc = scr[7 * NBUF]
    xsems, dsems = sems[0:NBUF], sems[NBUF:2 * NBUF]
    gsems, ssems = sems[2 * NBUF:3 * NBUF], sems[3 * NBUF:4 * NBUF]

    cid = lax.axis_index("c")
    sid = lax.axis_index("s")

    _zero_rows(bufs[0])
    _zero_acc_stripe(acc, bufs[0], sid)
    plsc.subcore_barrier()

    base = sid * _NCH2 * K

    @pl.when(cid == 0)
    def _():
        _agg_pass(h0_hbm, src_hbm, base, dst_hbm, base, acc,
                  srcvs, dstvs, bufs, xsems, dsems, gsems, ssems, _NCH2)

    @pl.when(cid == 1)
    def _():
        _agg_pass(h1_hbm, src_hbm, base, dst_hbm, base, acc,
                  srcvs, dstvs, bufs, xsems, dsems, gsems, ssems, _NCH2)

    plsc.subcore_barrier()
    pltpu.sync_copy(acc.at[pl.ds(sid * STRIPE, STRIPE)],
                    sum2_hbm.at[cid, pl.ds(sid * STRIPE, STRIPE)])


def _cnt_body(dst_hbm, cnt_hbm, dstv, cntv):
    cid = lax.axis_index("c")
    sid = lax.axis_index("s")
    wid = sid * NC + cid
    epw = E // NW

    def zcnt(i, _):
        cntv[pl.ds(i * 16, 16)] = jnp.zeros((16,), jnp.float32)
        return 0
    lax.fori_loop(0, NP // 16, zcnt, 0)

    pltpu.sync_copy(dst_hbm.at[pl.ds(wid * epw, epw)], dstv)
    ones16 = jnp.ones((16,), jnp.float32)

    def h16(j, _):
        idx16 = dstv[pl.ds(j * 16, 16)]
        plsc.addupdate_scatter(cntv, [idx16], ones16)
        return 0
    lax.fori_loop(0, epw // 16, h16, 0)

    pltpu.sync_copy(cntv, cnt_hbm.at[pl.ds(wid * NP, NP)])


def _sc_scratch():
    s = [pltpu.VMEM((K,), jnp.int32)] * (2 * NBUF)
    s += [pltpu.VMEM((K, D), jnp.float32)] * NBUF
    s += [pltpu.SemaphoreType.DMA] * (4 * NBUF)
    s += [pltpu.VMEM_SHARED((NP, D), jnp.float32)]
    return s


_agg1 = pl.kernel(
    _agg1_body,
    out_type=jax.ShapeDtypeStruct((NC, NP, D), jnp.float32),
    mesh=_mesh,
    scratch_types=_sc_scratch(),
    compiler_params=_sc_params,
)

_agg2 = pl.kernel(
    _agg2_body,
    out_type=jax.ShapeDtypeStruct((NC, NP, D), jnp.float32),
    mesh=_mesh,
    scratch_types=_sc_scratch(),
    compiler_params=_sc_params,
)

_cnt_kernel = pl.kernel(
    _cnt_body,
    out_type=jax.ShapeDtypeStruct((NW * NP,), jnp.float32),
    mesh=_mesh,
    scratch_types=[
        pltpu.VMEM((E // NW,), jnp.int32),
        pltpu.VMEM((NP,), jnp.float32),
    ],
    compiler_params=_sc_params,
)

NB = 400
NBLK = N // NB

_HI = jax.lax.Precision.DEFAULT


def _dotT(a, b):
    return lax.dot_general(a, b, (((1,), (1,)), ((), ())), precision=_HI)


def _tc1_body(x_ref, sum1_ref, cnt_ref, wl1_ref, wr1_ref, b1_ref,
              out0_ref, out1_ref):
    cnt = jnp.sum(cnt_ref[...], axis=1)
    invc = 1.0 / jnp.maximum(cnt, 1.0)
    s = sum1_ref[0] + sum1_ref[1]
    mean1 = s * invc[:, None]
    h = _dotT(mean1, wl1_ref[...]) + _dotT(x_ref[...], wr1_ref[...]) \
        + b1_ref[0][None, :]
    h = jnp.maximum(h, 0.0)
    out0_ref[...] = h[:, :D]
    out1_ref[...] = h[:, D:]


def _tc2_body(sum2_ref, h0_ref, h1_ref, cnt_ref, batch_ref,
              wl2_ref, wr2_ref, b2_ref, wm1_ref, bm1_ref, wm2_ref, bm2_ref,
              out_ref, am2_ref, ah_ref, gcnt_ref):
    i = pl.program_id(0)

    @pl.when(i == 0)
    def _init():
        am2_ref[...] = jnp.zeros_like(am2_ref)
        ah_ref[...] = jnp.zeros_like(ah_ref)
        gcnt_ref[...] = jnp.zeros_like(gcnt_ref)

    b2d = batch_ref[...]
    gids = lax.broadcasted_iota(jnp.int32, (NB, G), 1)
    Pt = (b2d == gids).astype(jnp.float32)

    cnt = jnp.sum(cnt_ref[...], axis=1)
    invc = 1.0 / jnp.maximum(cnt, 1.0)

    def _poolT(m):
        return lax.dot_general(Pt, m, (((0,), (0,)), ((), ())), precision=_HI)

    am2_ref[0] += _poolT(sum2_ref[0] * invc[:, None])
    am2_ref[1] += _poolT(sum2_ref[1] * invc[:, None])
    ah_ref[0] += _poolT(h0_ref[...])
    ah_ref[1] += _poolT(h1_ref[...])
    gcnt_ref[0] += jnp.sum(Pt, axis=0)

    @pl.when(i == NBLK - 1)
    def _fin():
        ginv = 1.0 / jnp.maximum(gcnt_ref[0], 1.0)
        wl2 = wl2_ref[...]
        wr2 = wr2_ref[...]
        g = (_dotT(am2_ref[0] * ginv[:, None], wl2[:, :D])
             + _dotT(am2_ref[1] * ginv[:, None], wl2[:, D:])
             + _dotT(ah_ref[0] * ginv[:, None], wr2[:, :D])
             + _dotT(ah_ref[1] * ginv[:, None], wr2[:, D:])
             + b2_ref[0][None, :])
        m = jnp.maximum(_dotT(g, wm1_ref[...]) + bm1_ref[0][None, :], 0.0)
        out_ref[...] = _dotT(m, wm2_ref[...]) + bm2_ref[0][None, :]


def kernel(x, edge_index, batch, Wl1, Wr1, b1, Wl2, Wr2, b2, Wm1, bm1, Wm2, bm2):
    src = edge_index[0]
    dst = edge_index[1]

    cnt_flat = _cnt_kernel(dst)
    sum1 = _agg1(x, src, dst)
    cnt = cnt_flat.reshape(NW, NP).T

    h0, h1 = pl.pallas_call(
        _tc1_body,
        grid=(NBLK,),
        in_specs=[
            pl.BlockSpec((NB, D), lambda i: (i, 0)),
            pl.BlockSpec((NC, NB, D), lambda i: (0, i, 0)),
            pl.BlockSpec((NB, NW), lambda i: (i, 0)),
            pl.BlockSpec((H, D), lambda i: (0, 0)),
            pl.BlockSpec((H, D), lambda i: (0, 0)),
            pl.BlockSpec((1, H), lambda i: (0, 0)),
        ],
        out_specs=[pl.BlockSpec((NB, D), lambda i: (i, 0)),
                   pl.BlockSpec((NB, D), lambda i: (i, 0))],
        out_shape=[jax.ShapeDtypeStruct((N, D), jnp.float32),
                   jax.ShapeDtypeStruct((N, D), jnp.float32)],
    )(x, sum1, cnt, Wl1, Wr1, b1.reshape(1, H))

    sum2 = _agg2(h0, h1, src, dst)

    out = pl.pallas_call(
        _tc2_body,
        grid=(NBLK,),
        in_specs=[
            pl.BlockSpec((NC, NB, D), lambda i: (0, i, 0)),
            pl.BlockSpec((NB, D), lambda i: (i, 0)),
            pl.BlockSpec((NB, D), lambda i: (i, 0)),
            pl.BlockSpec((NB, NW), lambda i: (i, 0)),
            pl.BlockSpec((NB, 1), lambda i: (i, 0)),
            pl.BlockSpec((H, H), lambda i: (0, 0)),
            pl.BlockSpec((H, H), lambda i: (0, 0)),
            pl.BlockSpec((1, H), lambda i: (0, 0)),
            pl.BlockSpec((H, H), lambda i: (0, 0)),
            pl.BlockSpec((1, H), lambda i: (0, 0)),
            pl.BlockSpec((C, H), lambda i: (0, 0)),
            pl.BlockSpec((1, C), lambda i: (0, 0)),
        ],
        out_specs=pl.BlockSpec((G, C), lambda i: (0, 0)),
        out_shape=jax.ShapeDtypeStruct((G, C), jnp.float32),
        scratch_shapes=[
            pltpu.VMEM((NC, G, D), jnp.float32),
            pltpu.VMEM((NC, G, D), jnp.float32),
            pltpu.VMEM((1, G), jnp.float32),
        ],
    )(sum2, h0, h1, cnt, batch.reshape(N, 1),
      Wl2, Wr2, b2.reshape(1, H), Wm1, bm1.reshape(1, H),
      Wm2, bm2.reshape(1, C))

    return out

# --- scband reference (transcript-rebuilt; emitter-appended) ---
"""Pipeline reference for scband-gnn-plus-mpl-35631048688257 (READ-ONLY COPY).

The authoritative reference and input builder live on the scoring server;
editing this copy changes nothing except your own understanding.
"""

import jax, jax.numpy as jnp
import numpy as np

N = 10000
E = 320000
D = 128
H = 256
G = 16
C = 10


def setup_inputs(seed: int = 0) -> dict:
    key = jax.random.key(seed)
    ks = jax.random.split(key, 16)
    x = jax.random.normal(ks[0], (N, D), dtype=jnp.float32)
    edge_index = jax.random.randint(ks[1], (2, E), 0, N, dtype=jnp.int32)
    batch = jnp.sort(jax.random.randint(ks[2], (N,), 0, G, dtype=jnp.int32))
    s = 0.05
    # SAGEConv layer 1: in=D, out=H (hidden_channels = in_channels * scaler = 256)
    Wl1 = jax.random.normal(ks[3], (H, D), dtype=jnp.float32) * s
    Wr1 = jax.random.normal(ks[4], (H, D), dtype=jnp.float32) * s
    b1 = jnp.zeros((H,), dtype=jnp.float32)
    # SAGEConv layer 2: in=H, out=H
    Wl2 = jax.random.normal(ks[5], (H, H), dtype=jnp.float32) * s
    Wr2 = jax.random.normal(ks[6], (H, H), dtype=jnp.float32) * s
    b2 = jnp.zeros((H,), dtype=jnp.float32)
    # MLP: H -> H -> C (norm=None, plain last layer)
    Wm1 = jax.random.normal(ks[7], (H, H), dtype=jnp.float32) * s
    bm1 = jnp.zeros((H,), dtype=jnp.float32)
    Wm2 = jax.random.normal(ks[8], (C, H), dtype=jnp.float32) * s
    bm2 = jnp.zeros((C,), dtype=jnp.float32)
    return {"x": x, "edge_index": edge_index, "batch": batch,
            "Wl1": Wl1, "Wr1": Wr1, "b1": b1,
            "Wl2": Wl2, "Wr2": Wr2, "b2": b2,
            "Wm1": Wm1, "bm1": bm1, "Wm2": Wm2, "bm2": bm2}


def _sage_conv(x, src, dst, Wl, Wr, b):
    # SAGEConv (mean aggr): out = lin_l(mean_{j in N(i)} x_j) + lin_r(x_i) + bias
    msg = x[src]
    summed = jax.ops.segment_sum(msg, dst, num_segments=N)
    cnt = jax.ops.segment_sum(jnp.ones((dst.shape[0],), x.dtype), dst, num_segments=N)
    mean = summed / jnp.clip(cnt, 1.0)[:, None]
    return mean @ Wl.T + x @ Wr.T + b


def reference(x, edge_index, batch, Wl1, Wr1, b1, Wl2, Wr2, b2, Wm1, bm1, Wm2, bm2):
    src = edge_index[0]
    dst = edge_index[1]
    # GraphSAGE (BasicGNN): conv -> relu -> conv (no act after last layer)
    h = _sage_conv(x, src, dst, Wl1, Wr1, b1)
    h = jax.nn.relu(h)
    h = _sage_conv(h, src, dst, Wl2, Wr2, b2)
    # global_mean_pool over batch assignment
    gs = jax.ops.segment_sum(h, batch, num_segments=G)
    gc = jax.ops.segment_sum(jnp.ones((N,), h.dtype), batch, num_segments=G)
    g = gs / jnp.clip(gc, 1.0)[:, None]
    # MLP head: Linear -> ReLU -> Linear (norm=None, dropout=0)
    m = jax.nn.relu(g @ Wm1.T + bm1)
    return m @ Wm2.T + bm2

if __name__ == "__main__":
    import jax
    _d = setup_inputs()
    print(jax.jit(kernel)(*tuple(_d.values())))

</pallas_src>

<mosaic_0001>
#map = affine_map<(d0, d1) -> (0, 0)>
#map1 = affine_map<(d0, d1) -> (0)>
#map2 = affine_map<(d0, d1) -> (0, 0, 0)>
module attributes {stable_mosaic.version = 14 : i64} {
  func.func @_agg2_body(%arg0: i32, %arg1: i32, %arg2: memref<10000x128xf32, #tpu.memory_space<hbm>>, %arg3: memref<10000x128xf32, #tpu.memory_space<hbm>>, %arg4: memref<320000xi32, #tpu.memory_space<hbm>>, %arg5: memref<320000xi32, #tpu.memory_space<hbm>>, %arg6: memref<2x10240x128xf32, #tpu.memory_space<hbm>>, %arg7: memref<80xi32, #tpu.memory_space<vmem>>, %arg8: memref<80xi32, #tpu.memory_space<vmem>>, %arg9: memref<80xi32, #tpu.memory_space<vmem>>, %arg10: memref<80xi32, #tpu.memory_space<vmem>>, %arg11: memref<80xi32, #tpu.memory_space<vmem>>, %arg12: memref<80xi32, #tpu.memory_space<vmem>>, %arg13: memref<80xi32, #tpu.memory_space<vmem>>, %arg14: memref<80xi32, #tpu.memory_space<vmem>>, %arg15: memref<80x128xf32, #tpu.memory_space<vmem>>, %arg16: memref<80x128xf32, #tpu.memory_space<vmem>>, %arg17: memref<80x128xf32, #tpu.memory_space<vmem>>, %arg18: memref<80x128xf32, #tpu.memory_space<vmem>>, %arg19: memref<!tpu.dma_semaphore, #tpu.memory_space<semaphore_mem>>, %arg20: memref<!tpu.dma_semaphore, #tpu.memory_space<semaphore_mem>>, %arg21: memref<!tpu.dma_semaphore, #tpu.memory_space<semaphore_mem>>, %arg22: memref<!tpu.dma_semaphore, #tpu.memory_space<semaphore_mem>>, %arg23: memref<!tpu.dma_semaphore, #tpu.memory_space<semaphore_mem>>, %arg24: memref<!tpu.dma_semaphore, #tpu.memory_space<semaphore_mem>>, %arg25: memref<!tpu.dma_semaphore, #tpu.memory_space<semaphore_mem>>, %arg26: memref<!tpu.dma_semaphore, #tpu.memory_space<semaphore_mem>>, %arg27: memref<!tpu.dma_semaphore, #tpu.memory_space<semaphore_mem>>, %arg28: memref<!tpu.dma_semaphore, #tpu.memory_space<semaphore_mem>>, %arg29: memref<!tpu.dma_semaphore, #tpu.memory_space<semaphore_mem>>, %arg30: memref<!tpu.dma_semaphore, #tpu.memory_space<semaphore_mem>>, %arg31: memref<!tpu.dma_semaphore, #tpu.memory_space<semaphore_mem>>, %arg32: memref<!tpu.dma_semaphore, #tpu.memory_space<semaphore_mem>>, %arg33: memref<!tpu.dma_semaphore, #tpu.memory_space<semaphore_mem>>, %arg34: memref<!tpu.dma_semaphore, #tpu.memory_space<semaphore_mem>>, %arg35: memref<10240x128xf32, #tpu.memory_space<vmem_shared>>) attributes {dimension_semantics = [#tpu.dimension_semantics<core_parallel>, #tpu.dimension_semantics<subcore_parallel>], iteration_bounds = array<i64: 2, 16>, scalar_prefetch = 0 : i64, scratch_operands = 29 : i64, tpu.core_type = #tpu.core_type<sc_vector_subcore>, window_params = [{transform_indices = #map}, {transform_indices = #map}, {transform_indices = #map1}, {transform_indices = #map1}, {transform_indices = #map2}]} {
    %scan3A = arith.constant 0 : i32
    %scan3A_0 = arith.constant 0 : i32
    %scan3A_1 = arith.constant 640 : i32
    %scan3A_2 = arith.addi %scan3A_0, %scan3A_1 : i32
    %scan3A_3 = arith.constant 1 : i32
    %scan3A_4 = scf.for %scan3A_28 = %scan3A_0 to %scan3A_2 step %scan3A_3 iter_args(%scan3A_29 = %scan3A) -> (i32)  : i32 {
      %jit3A = arith.constant 8 : i32
      %div3A = arith.divsi %scan3A_28, %jit3A : i32
      %sign3A = arith.constant 0 : i32
      %sign3A_30 = arith.cmpi sgt, %scan3A_28, %sign3A : i32
      %sign3A_31 = arith.extui %sign3A_30 : i1 to i32
      %sign3A_32 = arith.constant 0 : i32
      %sign3A_33 = arith.cmpi slt, %scan3A_28, %sign3A_32 : i32
      %sign3A_34 = arith.extui %sign3A_33 : i1 to i32
      %sign3A_35 = arith.subi %sign3A_31, %sign3A_34 : i32
      %sign3A_36 = arith.constant 0 : i32
      %sign3A_37 = arith.cmpi sgt, %jit3A, %sign3A_36 : i32
      %sign3A_38 = arith.extui %sign3A_37 : i1 to i32
      %sign3A_39 = arith.constant 0 : i32
      %sign3A_40 = arith.cmpi slt, %jit3A, %sign3A_39 : i32
      %sign3A_41 = arith.extui %sign3A_40 : i1 to i32
      %sign3A_42 = arith.subi %sign3A_38, %sign3A_41 : i32
      %ne3A = arith.cmpi ne, %sign3A_35, %sign3A_42 : i32
      %rem3A = arith.remsi %scan3A_28, %jit3A : i32
      %ne3A_43 = arith.constant 0 : i32
      %ne3A_44 = arith.cmpi ne, %rem3A, %ne3A_43 : i32
      %and3A = arith.andi %ne3A, %ne3A_44 : i1
      %sub3A = arith.constant 1 : i32
      %sub3A_45 = arith.subi %div3A, %sub3A : i32
      %select_n3A = arith.select %and3A, %sub3A_45, %div3A : i32
      %jit3A_46 = arith.constant 8 : i32
      %eq3A_47 = arith.constant 0 : i32
      %eq3A_48 = arith.cmpi eq, %jit3A_46, %eq3A_47 : i32
      %jit3A_49 = arith.constant 1 : i32
      %select_n3A_50 = arith.select %eq3A_48, %jit3A_49, %jit3A_46 : i32
      %rem3A_51 = arith.remsi %scan3A_28, %select_n3A_50 : i32
      %ne3A_52 = arith.constant 0 : i32
      %ne3A_53 = arith.cmpi ne, %rem3A_51, %ne3A_52 : i32
      %lt3A = arith.constant 0 : i32
      %lt3A_54 = arith.cmpi slt, %rem3A_51, %lt3A : i32
      %lt3A_55 = arith.constant 0 : i32
      %lt3A_56 = arith.cmpi slt, %select_n3A_50, %lt3A_55 : i32
      %ne3A_57 = arith.xori %lt3A_54, %lt3A_56 : i1
      %and3A_58 = arith.andi %ne3A_57, %ne3A_53 : i1
      %add3A = arith.addi %rem3A_51, %select_n3A_50 : i32
      %select_n3A_59 = arith.select %and3A_58, %add3A, %rem3A_51 : i32
      %broadcast_in_dim3A = arith.constant 0.000000e+00 : f32
      %broadcast_in_dim3A_60 = vector.broadcast %broadcast_in_dim3A : f32 to vector<16xf32>
      %mul3A_61 = arith.constant 16 : i32
      %mul3A_62 = arith.muli %select_n3A_59, %mul3A_61 : i32
      %swap3A = arith.index_cast %select_n3A : i32 to index
      %swap3A_63 = arith.index_cast %mul3A_62 : i32 to index
      %swap3A_64 = tpu.vector_load %arg15[%swap3A, %swap3A_63] {strides = array<i32>} : memref<80x128xf32, #tpu.memory_space<vmem>>, vector<16xf32>,
      tpu.vector_store %arg15[%swap3A, %swap3A_63], %broadcast_in_dim3A_60 {strides = array<i32>} : memref<80x128xf32, #tpu.memory_space<vmem>>, vector<16xf32>,
      %scan3A_65 = arith.constant 0 : i32
      scf.yield %scan3A_65 : i32
    }
    %scan3A_5 = arith.constant 640 : i32
    %scan3A_6 = arith.constant 0 : i32
    %scan3A_7 = arith.constant 0 : i32
    %scan3A_8 = arith.constant 8 : i32
    %scan3A_9 = arith.addi %scan3A_7, %scan3A_8 : i32
    %scan3A_10 = arith.constant 1 : i32
    %scan3A_11 = scf.for %scan3A_28 = %scan3A_7 to %scan3A_9 step %scan3A_10 iter_args(%scan3A_29 = %scan3A_6) -> (i32)  : i32 {
      %mul3A_30 = arith.constant 640 : i32
      %mul3A_31 = arith.muli %arg1, %mul3A_30 : i32
      %mul3A_32 = arith.constant 80 : i32
      %mul3A_33 = arith.muli %scan3A_28, %mul3A_32 : i32
      %add3A = arith.addi %mul3A_31, %mul3A_33 : i32
      "tpu.region"() ({
        %run_scoped3A = tpu.sem_alloc : memref<!tpu.dma_semaphore, #tpu.memory_space<semaphore_mem>>
        %dma_start3A = arith.constant 0 : i32
        %dma_start3A_35 = tpu.memref_slice %arg35[%add3A, %dma_start3A] : memref<10240x128xf32, #tpu.memory_space<vmem_shared>> -> memref<80x128xf32, #tpu.memory_space<vmem_shared>>
        %dma_start3A_36 = arith.constant 0 : i32
        %dma_start3A_37 = tpu.memref_slice %arg35[%add3A, %dma_start3A_36] : memref<10240x128xf32, #tpu.memory_space<vmem_shared>> -> memref<80x128xf32, #tpu.memory_space<vmem_shared>>
        tpu.enqueue_dma source(%arg15 : memref<80x128xf32, #tpu.memory_space<vmem>>) target(%dma_start3A_37 : memref<80x128xf32, #tpu.memory_space<vmem_shared>>) target_semaphore(%run_scoped3A : memref<!tpu.dma_semaphore, #tpu.memory_space<semaphore_mem>>)
        %dma_wait3A = arith.constant 0 : i32
        %dma_wait3A_38 = tpu.memref_slice %arg35[%add3A, %dma_wait3A] : memref<10240x128xf32, #tpu.memory_space<vmem_shared>> -> memref<80x128xf32, #tpu.memory_space<vmem_shared>>
        %dma_wait3A_39 = arith.constant 0 : i32
        %dma_wait3A_40 = tpu.memref_slice %arg35[%add3A, %dma_wait3A_39] : memref<10240x128xf32, #tpu.memory_space<vmem_shared>> -> memref<80x128xf32, #tpu.memory_space<vmem_shared>>
        tpu.wait_dma2 semaphore(%run_scoped3A : memref<!tpu.dma_semaphore, #tpu.memory_space<semaphore_mem>>) src(%arg15 : memref<80x128xf32, #tpu.memory_space<vmem>>) dst(%dma_wait3A_40 : memref<80x128xf32, #tpu.memory_space<vmem_shared>>)
        tpu.yield
      }) : () -> ()
      %scan3A_34 = arith.constant 0 : i32
      scf.yield %scan3A_34 : i32
    }
    %scan3A_12 = arith.constant 8 : i32
    %barrier3A = arith.constant 0 : index
    tpu.barrier barrier_id(%barrier3A)
    %mul3A = arith.constant 250 : i32
    %mul3A_13 = arith.muli %arg1, %mul3A : i32
    %mul3A_14 = arith.constant 80 : i32
    %mul3A_15 = arith.muli %mul3A_13, %mul3A_14 : i32
    %eq3A = arith.constant 0 : i32
    %eq3A_16 = arith.cmpi eq, %arg0, %eq3A : i32
    %convert_element_type3A = arith.extui %eq3A_16 : i1 to i32
    %cond3A = arith.constant 0 : i32
    %cond3A_17 = arith.cmpi ne, %convert_element_type3A, %cond3A : i32
    scf.if %cond3A_17 {
      %add3A = arith.constant 0 : i32
      %add3A_28 = arith.addi %mul3A_15, %add3A : i32
      %dma_start3A = tpu.memref_slice %arg4[%add3A_28] : memref<320000xi32, #tpu.memory_space<hbm>> -> memref<80xi32, #tpu.memory_space<hbm>>
      %dma_start3A_29 = tpu.memref_slice %arg4[%add3A_28] : memref<320000xi32, #tpu.memory_space<hbm>> -> memref<80xi32, #tpu.memory_space<hbm>>
      tpu.enqueue_dma source(%dma_start3A_29 : memref<80xi32, #tpu.memory_space<hbm>>) target(%arg7 : memref<80xi32, #tpu.memory_space<vmem>>) target_semaphore(%arg19 : memref<!tpu.dma_semaphore, #tpu.memory_space<semaphore_mem>>)
      %add3A_30 = arith.constant 0 : i32
      %add3A_31 = arith.addi %mul3A_15, %add3A_30 : i32
      %dma_start3A_32 = tpu.memref_slice %arg5[%add3A_31] : memref<320000xi32, #tpu.memory_space<hbm>> -> memref<80xi32, #tpu.memory_space<hbm>>
      %dma_start3A_33 = tpu.memref_slice %arg5[%add3A_31] : memref<320000xi32, #tpu.memory_space<hbm>> -> memref<80xi32, #tpu.memory_space<hbm>>
      tpu.enqueue_dma source(%dma_start3A_33 : memref<80xi32, #tpu.memory_space<hbm>>) target(%arg11 : memref<80xi32, #tpu.memory_space<vmem>>) target_semaphore(%arg23 : memref<!tpu.dma_semaphore, #tpu.memory_space<semaphore_mem>>)
      %add3A_34 = arith.constant 80 : i32
      %add3A_35 = arith.addi %mul3A_15, %add3A_34 : i32
      %dma_start3A_36 = tpu.memref_slice %arg4[%add3A_35] : memref<320000xi32, #tpu.memory_space<hbm>> -> memref<80xi32, #tpu.memory_space<hbm>>
      %dma_start3A_37 = tpu.memref_slice %arg4[%add3A_35] : memref<320000xi32, #tpu.memory_space<hbm>> -> memref<80xi32, #tpu.memory_space<hbm>>
      tpu.enqueue_dma source(%dma_start3A_37 : memref<80xi32, #tpu.memory_space<hbm>>) target(%arg8 : memref<80xi32, #tpu.memory_space<vmem>>) target_semaphore(%arg20 : memref<!tpu.dma_semaphore, #tpu.memory_space<semaphore_mem>>)
      %add3A_38 = arith.constant 80 : i32
      %add3A_39 = arith.addi %mul3A_15, %add3A_38 : i32
      %dma_start3A_40 = tpu.memref_slice %arg5[%add3A_39] : memref<320000xi32, #tpu.memory_space<hbm>> -> memref<80xi32, #tpu.memory_space<hbm>>
      %dma_start3A_41 = tpu.memref_slice %arg5[%add3A_39] : memref<320000xi32, #tpu.memory_space<hbm>> -> memref<80xi32, #tpu.memory_space<hbm>>
      tpu.enqueue_dma source(%dma_start3A_41 : memref<80xi32, #tpu.memory_space<hbm>>) target(%arg12 : memref<80xi32, #tpu.memory_space<vmem>>) target_semaphore(%arg24 : memref<!tpu.dma_semaphore, #tpu.memory_space<semaphore_mem>>)
      %add3A_42 = arith.constant 160 : i32
      %add3A_43 = arith.addi %mul3A_15, %add3A_42 : i32
      %dma_start3A_44 = tpu.memref_slice %arg4[%add3A_43] : memref<320000xi32, #tpu.memory_space<hbm>> -> memref<80xi32, #tpu.memory_space<hbm>>
      %dma_start3A_45 = tpu.memref_slice %arg4[%add3A_43] : memref<320000xi32, #tpu.memory_space<hbm>> -> memref<80xi32, #tpu.memory_space<hbm>>
      tpu.enqueue_dma source(%dma_start3A_45 : memref<80xi32, #tpu.memory_space<hbm>>) target(%arg9 : memref<80xi32, #tpu.memory_space<vmem>>) target_semaphore(%arg21 : memref<!tpu.dma_semaphore, #tpu.memory_space<semaphore_mem>>)
      %add3A_46 = arith.constant 160 : i32
      %add3A_47 = arith.addi %mul3A_15, %add3A_46 : i32
      %dma_start3A_48 = tpu.memref_slice %arg5[%add3A_47] : memref<320000xi32, #tpu.memory_space<hbm>> -> memref<80xi32, #tpu.memory_space<hbm>>
      %dma_start3A_49 = tpu.memref_slice %arg5[%add3A_47] : memref<320000xi32, #tpu.memory_space<hbm>> -> memref<80xi32, #tpu.memory_space<hbm>>
      tpu.enqueue_dma source(%dma_start3A_49 : memref<80xi32, #tpu.memory_space<hbm>>) target(%arg13 : memref<80xi32, #tpu.memory_space<vmem>>) target_semaphore(%arg25 : memref<!tpu.dma_semaphore, #tpu.memory_space<semaphore_mem>>)
      %add3A_50 = arith.constant 0 : i32
      %add3A_51 = arith.addi %mul3A_15, %add3A_50 : i32
      %dma_wait3A = tpu.memref_slice %arg4[%add3A_51] : memref<320000xi32, #tpu.memory_space<hbm>> -> memref<80xi32, #tpu.memory_space<hbm>>
      %dma_wait3A_52 = tpu.memref_slice %arg4[%add3A_51] : memref<320000xi32, #tpu.memory_space<hbm>> -> memref<80xi32, #tpu.memory_space<hbm>>
      tpu.wait_dma2 semaphore(%arg19 : memref<!tpu.dma_semaphore, #tpu.memory_space<semaphore_mem>>) src(%dma_wait3A_52 : memref<80xi32, #tpu.memory_space<hbm>>) dst(%arg7 : memref<80xi32, #tpu.memory_space<vmem>>)
      %dma_start3A_53 = arith.constant 0 : i32
      %dma_start3A_54 = arith.constant 0 : i32
      %dma_start3A_55 = tpu.memref_slice %arg2[%dma_start3A_53, %dma_start3A_54] : memref<10000x128xf32, #tpu.memory_space<hbm>> -> memref<10000x128xf32, #tpu.memory_space<hbm>>
      tpu.enqueue_indirect_dma source(%dma_start3A_55 : memref<10000x128xf32, #tpu.memory_space<hbm>>) target(%arg15 : memref<80x128xf32, #tpu.memory_space<vmem>>) offsets(%arg7 : memref<80xi32, #tpu.memory_space<vmem>>) semaphore(%arg27 : memref<!tpu.dma_semaphore, #tpu.memory_space<semaphore_mem>>)
      %add3A_56 = arith.constant 80 : i32
      %add3A_57 = arith.addi %mul3A_15, %add3A_56 : i32
      %dma_wait3A_58 = tpu.memref_slice %arg4[%add3A_57] : memref<320000xi32, #tpu.memory_space<hbm>> -> memref<80xi32, #tpu.memory_space<hbm>>
      %dma_wait3A_59 = tpu.memref_slice %arg4[%add3A_57] : memref<320000xi32, #tpu.memory_space<hbm>> -> memref<80xi32, #tpu.memory_space<hbm>>
      tpu.wait_dma2 semaphore(%arg20 : memref<!tpu.dma_semaphore, #tpu.memory_space<semaphore_mem>>) src(%dma_wait3A_59 : memref<80xi32, #tpu.memory_space<hbm>>) dst(%arg8 : memref<80xi32, #tpu.memory_space<vmem>>)
      %dma_start3A_60 = arith.constant 0 : i32
      %dma_start3A_61 = arith.constant 0 : i32
      %dma_start3A_62 = tpu.memref_slice %arg2[%dma_start3A_60, %dma_start3A_61] : memref<10000x128xf32, #tpu.memory_space<hbm>> -> memref<10000x128xf32, #tpu.memory_space<hbm>>
      tpu.enqueue_indirect_dma source(%dma_start3A_62 : memref<10000x128xf32, #tpu.memory_space<hbm>>) target(%arg16 : memref<80x128xf32, #tpu.memory_space<vmem>>) offsets(%arg8 : memref<80xi32, #tpu.memory_space<vmem>>) semaphore(%arg28 : memref<!tpu.dma_semaphore, #tpu.memory_space<semaphore_mem>>)
      %scan3A_63 = arith.constant 0 : i32
      %scan3A_64 = arith.constant 0 : i32
      %scan3A_65 = arith.constant 62 : i32
      %scan3A_66 = arith.addi %scan3A_64, %scan3A_65 : i32
      %scan3A_67 = arith.constant 1 : i32
      %scan3A_68 = scf.for %scan3A_99 = %scan3A_64 to %scan3A_66 step %scan3A_67 iter_args(%scan3A_100 = %scan3A_63) -> (i32)  : i32 {
        %mul3A_101 = arith.constant 4 : i32
        %mul3A_102 = arith.muli %scan3A_99, %mul3A_101 : i32
        %add3A_103 = arith.constant 0 : i32
        %add3A_104 = arith.addi %mul3A_102, %add3A_103 : i32
        %dma_wait3A_105 = arith.constant 0 : i32
        %dma_wait3A_106 = arith.constant 0 : i32
        %dma_wait3A_107 = tpu.memref_slice %arg2[%dma_wait3A_105, %dma_wait3A_106] : memref<10000x128xf32, #tpu.memory_space<hbm>> -> memref<10000x128xf32, #tpu.memory_space<hbm>>
        tpu.wait_indirect_dma semaphore(%arg27 : memref<!tpu.dma_semaphore, #tpu.memory_space<semaphore_mem>>) src(%dma_wait3A_107 : memref<10000x128xf32, #tpu.memory_space<hbm>>) dst(%arg15 : memref<80x128xf32, #tpu.memory_space<vmem>>)
        %mul3A_108 = arith.constant 80 : i32
        %mul3A_109 = arith.muli %add3A_104, %mul3A_108 : i32
        %add3A_110 = arith.addi %mul3A_15, %mul3A_109 : i32
        %dma_wait3A_111 = tpu.memref_slice %arg5[%add3A_110] : memref<320000xi32, #tpu.memory_space<hbm>> -> memref<80xi32, #tpu.memory_space<hbm>>
        %dma_wait3A_112 = tpu.memref_slice %arg5[%add3A_110] : memref<320000xi32, #tpu.memory_space<hbm>> -> memref<80xi32, #tpu.memory_space<hbm>>
        tpu.wait_dma2 semaphore(%arg23 : memref<!tpu.dma_semaphore, #tpu.memory_space<semaphore_mem>>) src(%dma_wait3A_112 : memref<80xi32, #tpu.memory_space<hbm>>) dst(%arg11 : memref<80xi32, #tpu.memory_space<vmem>>)
        %dma_start3A_113 = arith.constant 0 : i32
        %dma_start3A_114 = arith.constant 0 : i32
        %dma_start3A_115 = tpu.memref_slice %arg35[%dma_start3A_113, %dma_start3A_114] : memref<10240x128xf32, #tpu.memory_space<vmem_shared>> -> memref<10240x128xf32, #tpu.memory_space<vmem_shared>>
        tpu.enqueue_indirect_dma source(%arg15 : memref<80x128xf32, #tpu.memory_space<vmem>>) target(%dma_start3A_115 : memref<10240x128xf32, #tpu.memory_space<vmem_shared>>) offsets(%arg11 : memref<80xi32, #tpu.memory_space<vmem>>) semaphore(%arg31 : memref<!tpu.dma_semaphore, #tpu.memory_space<semaphore_mem>>) {add = true}
        %ge3A = arith.constant 1 : i32
        %ge3A_116 = arith.cmpi sge, %add3A_104, %ge3A : i32
        %convert_element_type3A_117 = arith.extui %ge3A_116 : i1 to i32
        %cond3A_118 = arith.constant 0 : i32
        %cond3A_119 = arith.cmpi ne, %convert_element_type3A_117, %cond3A_118 : i32
        scf.if %cond3A_119 {
          %sub3A = arith.constant 1 : i32
          %sub3A_236 = arith.subi %add3A_104, %sub3A : i32
          %dma_wait3A_237 = arith.constant 0 : i32
          %dma_wait3A_238 = arith.constant 0 : i32
          %dma_wait3A_239 = tpu.memref_slice %arg35[%dma_wait3A_237, %dma_wait3A_238] : memref<10240x128xf32, #tpu.memory_space<vmem_shared>> -> memref<10240x128xf32, #tpu.memory_space<vmem_shared>>
          tpu.wait_indirect_dma semaphore(%arg34 : memref<!tpu.dma_semaphore, #tpu.memory_space<semaphore_mem>>) src(%arg18 : memref<80x128xf32, #tpu.memory_space<vmem>>) dst(%dma_wait3A_239 : memref<10240x128xf32, #tpu.memory_space<vmem_shared>>)
        } else {
        }
        %add3A_120 = arith.constant 3 : i32
        %add3A_121 = arith.addi %add3A_104, %add3A_120 : i32
        %lt3A = arith.constant 250 : i32
        %lt3A_122 = arith.cmpi slt, %add3A_121, %lt3A : i32
        %convert_element_type3A_123 = arith.extui %lt3A_122 : i1 to i32
        %cond3A_124 = arith.constant 0 : i32
        %cond3A_125 = arith.cmpi ne, %convert_element_type3A_123, %cond3A_124 : i32
        scf.if %cond3A_125 {
          %add3A_236 = arith.constant 3 : i32
          %add3A_237 = arith.addi %add3A_104, %add3A_236 : i32
          %mul3A_238 = arith.constant 80 : i32
          %mul3A_239 = arith.muli %add3A_237, %mul3A_238 : i32
          %add3A_240 = arith.addi %mul3A_15, %mul3A_239 : i32
          %dma_start3A_241 = tpu.memref_slice %arg4[%add3A_240] : memref<320000xi32, #tpu.memory_space<hbm>> -> memref<80xi32, #tpu.memory_space<hbm>>
          %dma_start3A_242 = tpu.memref_slice %arg4[%add3A_240] : memref<320000xi32, #tpu.memory_space<hbm>> -> memref<80xi32, #tpu.memory_space<hbm>>
          tpu.enqueue_dma source(%dma_start3A_242 : memref<80xi32, #tpu.memory_space<hbm>>) target(%arg10 : memref<80xi32, #tpu.memory_space<vmem>>) target_semaphore(%arg22 : memref<!tpu.dma_semaphore, #tpu.memory_space<semaphore_mem>>)
          %mul3A_243 = arith.constant 80 : i32
          %mul3A_244 = arith.muli %add3A_237, %mul3A_243 : i32
          %add3A_245 = arith.addi %mul3A_15, %mul3A_244 : i32
          %dma_start3A_246 = tpu.memref_slice %arg5[%add3A_245] : memref<320000xi32, #tpu.memory_space<hbm>> -> memref<80xi32, #tpu.memory_space<hbm>>
          %dma_start3A_247 = tpu.memref_slice %arg5[%add3A_245] : memref<320000xi32, #tpu.memory_space<hbm>> -> memref<80xi32, #tpu.memory_space<hbm>>
          tpu.enqueue_dma source(%dma_start3A_247 : memref<80xi32, #tpu.memory_space<hbm>>) target(%arg14 : memref<80xi32, #tpu.memory_space<vmem>>) target_semaphore(%arg26 : memref<!tpu.dma_semaphore, #tpu.memory_space<semaphore_mem>>)
        } else {
        }
        %add3A_126 = arith.constant 2 : i32
        %add3A_127 = arith.addi %add3A_104, %add3A_126 : i32
        %lt3A_128 = arith.constant 250 : i32
        %lt3A_129 = arith.cmpi slt, %add3A_127, %lt3A_128 : i32
        %convert_element_type3A_130 = arith.extui %lt3A_129 : i1 to i32
        %cond3A_131 = arith.constant 0 : i32
        %cond3A_132 = arith.cmpi ne, %convert_element_type3A_130, %cond3A_131 : i32
        scf.if %cond3A_132 {
          %add3A_236 = arith.constant 2 : i32
          %add3A_237 = arith.addi %add3A_104, %add3A_236 : i32
          %mul3A_238 = arith.constant 80 : i32
          %mul3A_239 = arith.muli %add3A_237, %mul3A_238 : i32
          %add3A_240 = arith.addi %mul3A_15, %mul3A_239 : i32
          %dma_wait3A_241 = tpu.memref_slice %arg4[%add3A_240] : memref<320000xi32, #tpu.memory_space<hbm>> -> memref<80xi32, #tpu.memory_space<hbm>>
          %dma_wait3A_242 = tpu.memref_slice %arg4[%add3A_240] : memref<320000xi32, #tpu.memory_space<hbm>> -> memref<80xi32, #tpu.memory_space<hbm>>
          tpu.wait_dma2 semaphore(%arg21 : memref<!tpu.dma_semaphore, #tpu.memory_space<semaphore_mem>>) src(%dma_wait3A_242 : memref<80xi32, #tpu.memory_space<hbm>>) dst(%arg9 : memref<80xi32, #tpu.memory_space<vmem>>)
          %add3A_243 = arith.constant 2 : i32
          %add3A_244 = arith.addi %add3A_104, %add3A_243 : i32
          %dma_start3A_245 = arith.constant 0 : i32
          %dma_start3A_246 = arith.constant 0 : i32
          %dma_start3A_247 = tpu.memref_slice %arg2[%dma_start3A_245, %dma_start3A_246] : memref<10000x128xf32, #tpu.memory_space<hbm>> -> memref<10000x128xf32, #tpu.memory_space<hbm>>
          tpu.enqueue_indirect_dma source(%dma_start3A_247 : memref<10000x128xf32, #tpu.memory_space<hbm>>) target(%arg17 : memref<80x128xf32, #tpu.memory_space<vmem>>) offsets(%arg9 : memref<80xi32, #tpu.memory_space<vmem>>) semaphore(%arg29 : memref<!tpu.dma_semaphore, #tpu.memory_space<semaphore_mem>>)
        } else {
        }
        %mul3A_133 = arith.constant 4 : i32
        %mul3A_134 = arith.muli %scan3A_99, %mul3A_133 : i32
        %add3A_135 = arith.constant 1 : i32
        %add3A_136 = arith.addi %mul3A_134, %add3A_135 : i32
        %dma_wait3A_137 = arith.constant 0 : i32
        %dma_wait3A_138 = arith.constant 0 : i32
        %dma_wait3A_139 = tpu.memref_slice %arg2[%dma_wait3A_137, %dma_wait3A_138] : memref<10000x128xf32, #tpu.memory_space<hbm>> -> memref<10000x128xf32, #tpu.memory_space<hbm>>
        tpu.wait_indirect_dma semaphore(%arg28 : memref<!tpu.dma_semaphore, #tpu.memory_space<semaphore_mem>>) src(%dma_wait3A_139 : memref<10000x128xf32, #tpu.memory_space<hbm>>) dst(%arg16 : memref<80x128xf32, #tpu.memory_space<vmem>>)
        %mul3A_140 = arith.constant 80 : i32
        %mul3A_141 = arith.muli %add3A_136, %mul3A_140 : i32
        %add3A_142 = arith.addi %mul3A_15, %mul3A_141 : i32
        %dma_wait3A_143 = tpu.memref_slice %arg5[%add3A_142] : memref<320000xi32, #tpu.memory_space<hbm>> -> memref<80xi32, #tpu.memory_space<hbm>>
        %dma_wait3A_144 = tpu.memref_slice %arg5[%add3A_142] : memref<320000xi32, #tpu.memory_space<hbm>> -> memref<80xi32, #tpu.memory_space<hbm>>
        tpu.wait_dma2 semaphore(%arg24 : memref<!tpu.dma_semaphore, #tpu.memory_space<semaphore_mem>>) src(%dma_wait3A_144 : memref<80xi32, #tpu.memory_space<hbm>>) dst(%arg12 : memref<80xi32, #tpu.memory_space<vmem>>)
        %dma_start3A_145 = arith.constant 0 : i32
        %dma_start3A_146 = arith.constant 0 : i32
        %dma_start3A_147 = tpu.memref_slice %arg35[%dma_start3A_145, %dma_start3A_146] : memref<10240x128xf32, #tpu.memory_space<vmem_shared>> -> memref<10240x128xf32, #tpu.memory_space<vmem_shared>>
        tpu.enqueue_indirect_dma source(%arg16 : memref<80x128xf32, #tpu.memory_space<vmem>>) target(%dma_start3A_147 : memref<10240x128xf32, #tpu.memory_space<vmem_shared>>) offsets(%arg12 : memref<80xi32, #tpu.memory_space<vmem>>) semaphore(%arg32 : memref<!tpu.dma_semaphore, #tpu.memory_space<semaphore_mem>>) {add = true}
        %ge3A_148 = arith.constant 1 : i32
        %ge3A_149 = arith.cmpi sge, %add3A_136, %ge3A_148 : i32
        %convert_element_type3A_150 = arith.extui %ge3A_149 : i1 to i32
        %cond3A_151 = arith.constant 0 : i32
        %cond3A_152 = arith.cmpi ne, %convert_element_type3A_150, %cond3A_151 : i32
        scf.if %cond3A_152 {
          %sub3A = arith.constant 1 : i32
          %sub3A_236 = arith.subi %add3A_136, %sub3A : i32
          %dma_wait3A_237 = arith.constant 0 : i32
          %dma_wait3A_238 = arith.constant 0 : i32
          %dma_wait3A_239 = tpu.memref_slice %arg35[%dma_wait3A_237, %dma_wait3A_238] : memref<10240x128xf32, #tpu.memory_space<vmem_shared>> -> memref<10240x128xf32, #tpu.memory_space<vmem_shared>>
          tpu.wait_indirect_dma semaphore(%arg31 : memref<!tpu.dma_semaphore, #tpu.memory_space<semaphore_mem>>) src(%arg15 : memref<80x128xf32, #tpu.memory_space<vmem>>) dst(%dma_wait3A_239 : memref<10240x128xf32, #tpu.memory_space<vmem_shared>>)
        } else {
        }
        %add3A_153 = arith.constant 3 : i32
        %add3A_154 = arith.addi %add3A_136, %add3A_153 : i32
        %lt3A_155 = arith.constant 250 : i32
        %lt3A_156 = arith.cmpi slt, %add3A_154, %lt3A_155 : i32
        %convert_element_type3A_157 = arith.extui %lt3A_156 : i1 to i32
        %cond3A_158 = arith.constant 0 : i32
        %cond3A_159 = arith.cmpi ne, %convert_element_type3A_157, %cond3A_158 : i32
        scf.if %cond3A_159 {
          %add3A_236 = arith.constant 3 : i32
          %add3A_237 = arith.addi %add3A_136, %add3A_236 : i32
          %mul3A_238 = arith.constant 80 : i32
          %mul3A_239 = arith.muli %add3A_237, %mul3A_238 : i32
          %add3A_240 = arith.addi %mul3A_15, %mul3A_239 : i32
          %dma_start3A_241 = tpu.memref_slice %arg4[%add3A_240] : memref<320000xi32, #tpu.memory_space<hbm>> -> memref<80xi32, #tpu.memory_space<hbm>>
          %dma_start3A_242 = tpu.memref_slice %arg4[%add3A_240] : memref<320000xi32, #tpu.memory_space<hbm>> -> memref<80xi32, #tpu.memory_space<hbm>>
          tpu.enqueue_dma source(%dma_start3A_242 : memref<80xi32, #tpu.memory_space<hbm>>) target(%arg7 : memref<80xi32, #tpu.memory_space<vmem>>) target_semaphore(%arg19 : memref<!tpu.dma_semaphore, #tpu.memory_space<semaphore_mem>>)
          %mul3A_243 = arith.constant 80 : i32
          %mul3A_244 = arith.muli %add3A_237, %mul3A_243 : i32
          %add3A_245 = arith.addi %mul3A_15, %mul3A_244 : i32
          %dma_start3A_246 = tpu.memref_slice %arg5[%add3A_245] : memref<320000xi32, #tpu.memory_space<hbm>> -> memref<80xi32, #tpu.memory_space<hbm>>
          %dma_start3A_247 = tpu.memref_slice %arg5[%add3A_245] : memref<320000xi32, #tpu.memory_space<hbm>> -> memref<80xi32, #tpu.memory_space<hbm>>
          tpu.enqueue_dma source(%dma_start3A_247 : memref<80xi32, #tpu.memory_space<hbm>>) target(%arg11 : memref<80xi32, #tpu.memory_space<vmem>>) target_semaphore(%arg23 : memref<!tpu.dma_semaphore, #tpu.memory_space<semaphore_mem>>)
        } else {
        }
        %add3A_160 = arith.constant 2 : i32
        %add3A_161 = arith.addi %add3A_136, %add3A_160 : i32
        %lt3A_162 = arith.constant 250 : i32
        %lt3A_163 = arith.cmpi slt, %add3A_161, %lt3A_162 : i32
        %convert_element_type3A_164 = arith.extui %lt3A_163 : i1 to i32
        %cond3A_165 = arith.constant 0 : i32
        %cond3A_166 = arith.cmpi ne, %convert_element_type3A_164, %cond3A_165 : i32
        scf.if %cond3A_166 {
          %add3A_236 = arith.constant 2 : i32
          %add3A_237 = arith.addi %add3A_136, %add3A_236 : i32
          %mul3A_238 = arith.constant 80 : i32
          %mul3A_239 = arith.muli %add3A_237, %mul3A_238 : i32
          %add3A_240 = arith.addi %mul3A_15, %mul3A_239 : i32
          %dma_wait3A_241 = tpu.memref_slice %arg4[%add3A_240] : memref<320000xi32, #tpu.memory_space<hbm>> -> memref<80xi32, #tpu.memory_space<hbm>>
          %dma_wait3A_242 = tpu.memref_slice %arg4[%add3A_240] : memref<320000xi32, #tpu.memory_space<hbm>> -> memref<80xi32, #tpu.memory_space<hbm>>
          tpu.wait_dma2 semaphore(%arg22 : memref<!tpu.dma_semaphore, #tpu.memory_space<semaphore_mem>>) src(%dma_wait3A_242 : memref<80xi32, #tpu.memory_space<hbm>>) dst(%arg10 : memref<80xi32, #tpu.memory_space<vmem>>)
          %add3A_243 = arith.constant 2 : i32
          %add3A_244 = arith.addi %add3A_136, %add3A_243 : i32
          %dma_start3A_245 = arith.constant 0 : i32
          %dma_start3A_246 = arith.constant 0 : i32
          %dma_start3A_247 = tpu.memref_slice %arg2[%dma_start3A_245, %dma_start3A_246] : memref<10000x128xf32, #tpu.memory_space<hbm>> -> memref<10000x128xf32, #tpu.memory_space<hbm>>
          tpu.enqueue_indirect_dma source(%dma_start3A_247 : memref<10000x128xf32, #tpu.memory_space<hbm>>) target(%arg18 : memref<80x128xf32, #tpu.memory_space<vmem>>) offsets(%arg10 : memref<80xi32, #tpu.memory_space<vmem>>) semaphore(%arg30 : memref<!tpu.dma_semaphore, #tpu.memory_space<semaphore_mem>>)
        } else {
        }
        %mul3A_167 = arith.constant 4 : i32
        %mul3A_168 = arith.muli %scan3A_99, %mul3A_167 : i32
        %add3A_169 = arith.constant 2 : i32
        %add3A_170 = arith.addi %mul3A_168, %add3A_169 : i32
        %dma_wait3A_171 = arith.constant 0 : i32
        %dma_wait3A_172 = arith.constant 0 : i32
        %dma_wait3A_173 = tpu.memref_slice %arg2[%dma_wait3A_171, %dma_wait3A_172] : memref<10000x128xf32, #tpu.memory_space<hbm>> -> memref<10000x128xf32, #tpu.memory_space<hbm>>
        tpu.wait_indirect_dma semaphore(%arg29 : memref<!tpu.dma_semaphore, #tpu.memory_space<semaphore_mem>>) src(%dma_wait3A_173 : memref<10000x128xf32, #tpu.memory_space<hbm>>) dst(%arg17 : memref<80x128xf32, #tpu.memory_space<vmem>>)
        %mul3A_174 = arith.constant 80 : i32
        %mul3A_175 = arith.muli %add3A_170, %mul3A_174 : i32
        %add3A_176 = arith.addi %mul3A_15, %mul3A_175 : i32
        %dma_wait3A_177 = tpu.memref_slice %arg5[%add3A_176] : memref<320000xi32, #tpu.memory_space<hbm>> -> memref<80xi32, #tpu.memory_space<hbm>>
        %dma_wait3A_178 = tpu.memref_slice %arg5[%add3A_176] : memref<320000xi32, #tpu.memory_space<hbm>> -> memref<80xi32, #tpu.memory_space<hbm>>
        tpu.wait_dma2 semaphore(%arg25 : memref<!tpu.dma_semaphore, #tpu.memory_space<semaphore_mem>>) src(%dma_wait3A_178 : memref<80xi32, #tpu.memory_space<hbm>>) dst(%arg13 : memref<80xi32, #tpu.memory_space<vmem>>)
        %dma_start3A_179 = arith.constant 0 : i32
        %dma_start3A_180 = arith.constant 0 : i32
        %dma_start3A_181 = tpu.memref_slice %arg35[%dma_start3A_179, %dma_start3A_180] : memref<10240x128xf32, #tpu.memory_space<vmem_shared>> -> memref<10240x128xf32, #tpu.memory_space<vmem_shared>>
        tpu.enqueue_indirect_dma source(%arg17 : memref<80x128xf32, #tpu.memory_space<vmem>>) target(%dma_start3A_181 : memref<10240x128xf32, #tpu.memory_space<vmem_shared>>) offsets(%arg13 : memref<80xi32, #tpu.memory_space<vmem>>) semaphore(%arg33 : memref<!tpu.dma_semaphore, #tpu.memory_space<semaphore_mem>>) {add = true}
        %ge3A_182 = arith.constant 1 : i32
        %ge3A_183 = arith.cmpi sge, %add3A_170, %ge3A_182 : i32
        %convert_element_type3A_184 = arith.extui %ge3A_183 : i1 to i32
        %cond3A_185 = arith.constant 0 : i32
        %cond3A_186 = arith.cmpi ne, %convert_element_type3A_184, %cond3A_185 : i32
        scf.if %cond3A_186 {
          %sub3A = arith.constant 1 : i32
          %sub3A_236 = arith.subi %add3A_170, %sub3A : i32
          %dma_wait3A_237 = arith.constant 0 : i32
          %dma_wait3A_238 = arith.constant 0 : i32
          %dma_wait3A_239 = tpu.memref_slice %arg35[%dma_wait3A_237, %dma_wait3A_238] : memref<10240x128xf32, #tpu.memory_space<vmem_shared>> -> memref<10240x128xf32, #tpu.memory_space<vmem_shared>>
          tpu.wait_indirect_dma semaphore(%arg32 : memref<!tpu.dma_semaphore, #tpu.memory_space<semaphore_mem>>) src(%arg16 : memref<80x128xf32, #tpu.memory_space<vmem>>) dst(%dma_wait3A_239 : memref<10240x128xf32, #tpu.memory_space<vmem_shared>>)
        } else {
        }
        %add3A_187 = arith.constant 3 : i32
        %add3A_188 = arith.addi %add3A_170, %add3A_187 : i32
        %lt3A_189 = arith.constant 250 : i32
        %lt3A_190 = arith.cmpi slt, %add3A_188, %lt3A_189 : i32
        %convert_element_type3A_191 = arith.extui %lt3A_190 : i1 to i32
        %cond3A_192 = arith.constant 0 : i32
        %cond3A_193 = arith.cmpi ne, %convert_element_type3A_191, %cond3A_192 : i32
        scf.if %cond3A_193 {
          %add3A_236 = arith.constant 3 : i32
          %add3A_237 = arith.addi %add3A_170, %add3A_236 : i32
          %mul3A_238 = arith.constant 80 : i32
          %mul3A_239 = arith.muli %add3A_237, %mul3A_238 : i32
          %add3A_240 = arith.addi %mul3A_15, %mul3A_239 : i32
          %dma_start3A_241 = tpu.memref_slice %arg4[%add3A_240] : memref<320000xi32, #tpu.memory_space<hbm>> -> memref<80xi32, #tpu.memory_space<hbm>>
          %dma_start3A_242 = tpu.memref_slice %arg4[%add3A_240] : memref<320000xi32, #tpu.memory_space<hbm>> -> memref<80xi32, #tpu.memory_space<hbm>>
          tpu.enqueue_dma source(%dma_start3A_242 : memref<80xi32, #tpu.memory_space<hbm>>) target(%arg8 : memref<80xi32, #tpu.memory_space<vmem>>) target_semaphore(%arg20 : memref<!tpu.dma_semaphore, #tpu.memory_space<semaphore_mem>>)
          %mul3A_243 = arith.constant 80 : i32
          %mul3A_244 = arith.muli %add3A_237, %mul3A_243 : i32
          %add3A_245 = arith.addi %mul3A_15, %mul3A_244 : i32
          %dma_start3A_246 = tpu.memref_slice %arg5[%add3A_245] : memref<320000xi32, #tpu.memory_space<hbm>> -> memref<80xi32, #tpu.memory_space<hbm>>
          %dma_start3A_247 = tpu.memref_slice %arg5[%add3A_245] : memref<320000xi32, #tpu.memory_space<hbm>> -> memref<80xi32, #tpu.memory_space<hbm>>
          tpu.enqueue_dma source(%dma_start3A_247 : memref<80xi32, #tpu.memory_space<hbm>>) target(%arg12 : memref<80xi32, #tpu.memory_space<vmem>>) target_semaphore(%arg24 : memref<!tpu.dma_semaphore, #tpu.memory_space<semaphore_mem>>)
        } else {
        }
        %add3A_194 = arith.constant 2 : i32
        %add3A_195 = arith.addi %add3A_170, %add3A_194 : i32
        %lt3A_196 = arith.constant 250 : i32
        %lt3A_197 = arith.cmpi slt, %add3A_195, %lt3A_196 : i32
        %convert_element_type3A_198 = arith.extui %lt3A_197 : i1 to i32
        %cond3A_199 = arith.constant 0 : i32
        %cond3A_200 = arith.cmpi ne, %convert_element_type3A_198, %cond3A_199 : i32
        scf.if %cond3A_200 {
          %add3A_236 = arith.constant 2 : i32
          %add3A_237 = arith.addi %add3A_170, %add3A_236 : i32
          %mul3A_238 = arith.constant 80 : i32
          %mul3A_239 = arith.muli %add3A_237, %mul3A_238 : i32
          %add3A_240 = arith.addi %mul3A_15, %mul3A_239 : i32
          %dma_wait3A_241 = tpu.memref_slice %arg4[%add3A_240] : memref<320000xi32, #tpu.memory_space<hbm>> -> memref<80xi32, #tpu.memory_space<hbm>>
          %dma_wait3A_242 = tpu.memref_slice %arg4[%add3A_240] : memref<320000xi32, #tpu.memory_space<hbm>> -> memref<80xi32, #tpu.memory_space<hbm>>
          tpu.wait_dma2 semaphore(%arg19 : memref<!tpu.dma_semaphore, #tpu.memory_space<semaphore_mem>>) src(%dma_wait3A_242 : memref<80xi32, #tpu.memory_space<hbm>>) dst(%arg7 : memref<80xi32, #tpu.memory_space<vmem>>)
          %add3A_243 = arith.constant 2 : i32
          %add3A_244 = arith.addi %add3A_170, %add3A_243 : i32
          %dma_start3A_245 = arith.constant 0 : i32
          %dma_start3A_246 = arith.constant 0 : i32
          %dma_start3A_247 = tpu.memref_slice %arg2[%dma_start3A_245, %dma_start3A_246] : memref<10000x128xf32, #tpu.memory_space<hbm>> -> memref<10000x128xf32, #tpu.memory_space<hbm>>
          tpu.enqueue_indirect_dma source(%dma_start3A_247 : memref<10000x128xf32, #tpu.memory_space<hbm>>) target(%arg15 : memref<80x128xf32, #tpu.memory_space<vmem>>) offsets(%arg7 : memref<80xi32, #tpu.memory_space<vmem>>) semaphore(%arg27 : memref<!tpu.dma_semaphore, #tpu.memory_space<semaphore_mem>>)
        } else {
        }
        %mul3A_201 = arith.constant 4 : i32
        %mul3A_202 = arith.muli %scan3A_99, %mul3A_201 : i32
        %add3A_203 = arith.constant 3 : i32
        %add3A_204 = arith.addi %mul3A_202, %add3A_203 : i32
        %dma_wait3A_205 = arith.constant 0 : i32
        %dma_wait3A_206 = arith.constant 0 : i32
        %dma_wait3A_207 = tpu.memref_slice %arg2[%dma_wait3A_205, %dma_wait3A_206] : memref<10000x128xf32, #tpu.memory_space<hbm>> -> memref<10000x128xf32, #tpu.memory_space<hbm>>
        tpu.wait_indirect_dma semaphore(%arg30 : memref<!tpu.dma_semaphore, #tpu.memory_space<semaphore_mem>>) src(%dma_wait3A_207 : memref<10000x128xf32, #tpu.memory_space<hbm>>) dst(%arg18 : memref<80x128xf32, #tpu.memory_space<vmem>>)
        %mul3A_208 = arith.constant 80 : i32
        %mul3A_209 = arith.muli %add3A_204, %mul3A_208 : i32
        %add3A_210 = arith.addi %mul3A_15, %mul3A_209 : i32
        %dma_wait3A_211 = tpu.memref_slice %arg5[%add3A_210] : memref<320000xi32, #tpu.memory_space<hbm>> -> memref<80xi32, #tpu.memory_space<hbm>>
        %dma_wait3A_212 = tpu.memref_slice %arg5[%add3A_210] : memref<320000xi32, #tpu.memory_space<hbm>> -> memref<80xi32, #tpu.memory_space<hbm>>
        tpu.wait_dma2 semaphore(%arg26 : memref<!tpu.dma_semaphore, #tpu.memory_space<semaphore_mem>>) src(%dma_wait3A_212 : memref<80xi32, #tpu.memory_space<hbm>>) dst(%arg14 : memref<80xi32, #tpu.memory_space<vmem>>)
        %dma_start3A_213 = arith.constant 0 : i32
        %dma_start3A_214 = arith.constant 0 : i32
        %dma_start3A_215 = tpu.memref_slice %arg35[%dma_start3A_213, %dma_start3A_214] : memref<10240x128xf32, #tpu.memory_space<vmem_shared>> -> memref<10240x128xf32, #tpu.memory_space<vmem_shared>>
        tpu.enqueue_indirect_dma source(%arg18 : memref<80x128xf32, #tpu.memory_space<vmem>>) target(%dma_start3A_215 : memref<10240x128xf32, #tpu.memory_space<vmem_shared>>) offsets(%arg14 : memref<80xi32, #tpu.memory_space<vmem>>) semaphore(%arg34 : memref<!tpu.dma_semaphore, #tpu.memory_space<semaphore_mem>>) {add = true}
        %ge3A_216 = arith.constant 1 : i32
        %ge3A_217 = arith.cmpi sge, %add3A_204, %ge3A_216 : i32
        %convert_element_type3A_218 = arith.extui %ge3A_217 : i1 to i32
        %cond3A_219 = arith.constant 0 : i32
        %cond3A_220 = arith.cmpi ne, %convert_element_type3A_218, %cond3A_219 : i32
        scf.if %cond3A_220 {
          %sub3A = arith.constant 1 : i32
          %sub3A_236 = arith.subi %add3A_204, %sub3A : i32
          %dma_wait3A_237 = arith.constant 0 : i32
          %dma_wait3A_238 = arith.constant 0 : i32
          %dma_wait3A_239 = tpu.memref_slice %arg35[%dma_wait3A_237, %dma_wait3A_238] : memref<10240x128xf32, #tpu.memory_space<vmem_shared>> -> memref<10240x128xf32, #tpu.memory_space<vmem_shared>>
          tpu.wait_indirect_dma semaphore(%arg33 : memref<!tpu.dma_semaphore, #tpu.memory_space<semaphore_mem>>) src(%arg17 : memref<80x128xf32, #tpu.memory_space<vmem>>) dst(%dma_wait3A_239 : memref<10240x128xf32, #tpu.memory_space<vmem_shared>>)
        } else {
        }
        %add3A_221 = arith.constant 3 : i32
        %add3A_222 = arith.addi %add3A_204, %add3A_221 : i32
        %lt3A_223 = arith.constant 250 : i32
        %lt3A_224 = arith.cmpi slt, %add3A_222, %lt3A_223 : i32
        %convert_element_type3A_225 = arith.extui %lt3A_224 : i1 to i32
        %cond3A_226 = arith.constant 0 : i32
        %cond3A_227 = arith.cmpi ne, %convert_element_type3A_225, %cond3A_226 : i32
        scf.if %cond3A_227 {
          %add3A_236 = arith.constant 3 : i32
          %add3A_237 = arith.addi %add3A_204, %add3A_236 : i32
          %mul3A_238 = arith.constant 80 : i32
          %mul3A_239 = arith.muli %add3A_237, %mul3A_238 : i32
          %add3A_240 = arith.addi %mul3A_15, %mul3A_239 : i32
          %dma_start3A_241 = tpu.memref_slice %arg4[%add3A_240] : memref<320000xi32, #tpu.memory_space<hbm>> -> memref<80xi32, #tpu.memory_space<hbm>>
          %dma_start3A_242 = tpu.memref_slice %arg4[%add3A_240] : memref<320000xi32, #tpu.memory_space<hbm>> -> memref<80xi32, #tpu.memory_space<hbm>>
          tpu.enqueue_dma source(%dma_start3A_242 : memref<80xi32, #tpu.memory_space<hbm>>) target(%arg9 : memref<80xi32, #tpu.memory_space<vmem>>) target_semaphore(%arg21 : memref<!tpu.dma_semaphore, #tpu.memory_space<semaphore_mem>>)
          %mul3A_243 = arith.constant 80 : i32
          %mul3A_244 = arith.muli %add3A_237, %mul3A_243 : i32
          %add3A_245 = arith.addi %mul3A_15, %mul3A_244 : i32
          %dma_start3A_246 = tpu.memref_slice %arg5[%add3A_245] : memref<320000xi32, #tpu.memory_space<hbm>> -> memref<80xi32, #tpu.memory_space<hbm>>
          %dma_start3A_247 = tpu.memref_slice %arg5[%add3A_245] : memref<320000xi32, #tpu.memory_space<hbm>> -> memref<80xi32, #tpu.memory_space<hbm>>
          tpu.enqueue_dma source(%dma_start3A_247 : memref<80xi32, #tpu.memory_space<hbm>>) target(%arg13 : memref<80xi32, #tpu.memory_space<vmem>>) target_semaphore(%arg25 : memref<!tpu.dma_semaphore, #tpu.memory_space<semaphore_mem>>)
        } else {
        }
        %add3A_228 = arith.constant 2 : i32
        %add3A_229 = arith.addi %add3A_204, %add3A_228 : i32
        %lt3A_230 = arith.constant 250 : i32
        %lt3A_231 = arith.cmpi slt, %add3A_229, %lt3A_230 : i32
        %convert_element_type3A_232 = arith.extui %lt3A_231 : i1 to i32
        %cond3A_233 = arith.constant 0 : i32
        %cond3A_234 = arith.cmpi ne, %convert_element_type3A_232, %cond3A_233 : i32
        scf.if %cond3A_234 {
          %add3A_236 = arith.constant 2 : i32
          %add3A_237 = arith.addi %add3A_204, %add3A_236 : i32
          %mul3A_238 = arith.constant 80 : i32
          %mul3A_239 = arith.muli %add3A_237, %mul3A_238 : i32
          %add3A_240 = arith.addi %mul3A_15, %mul3A_239 : i32
          %dma_wait3A_241 = tpu.memref_slice %arg4[%add3A_240] : memref<320000xi32, #tpu.memory_space<hbm>> -> memref<80xi32, #tpu.memory_space<hbm>>
          %dma_wait3A_242 = tpu.memref_slice %arg4[%add3A_240] : memref<320000xi32, #tpu.memory_space<hbm>> -> memref<80xi32, #tpu.memory_space<hbm>>
          tpu.wait_dma2 semaphore(%arg20 : memref<!tpu.dma_semaphore, #tpu.memory_space<semaphore_mem>>) src(%dma_wait3A_242 : memref<80xi32, #tpu.memory_space<hbm>>) dst(%arg8 : memref<80xi32, #tpu.memory_space<vmem>>)
          %add3A_243 = arith.constant 2 : i32
          %add3A_244 = arith.addi %add3A_204, %add3A_243 : i32
          %dma_start3A_245 = arith.constant 0 : i32
          %dma_start3A_246 = arith.constant 0 : i32
          %dma_start3A_247 = tpu.memref_slice %arg2[%dma_start3A_245, %dma_start3A_246] : memref<10000x128xf32, #tpu.memory_space<hbm>> -> memref<10000x128xf32, #tpu.memory_space<hbm>>
          tpu.enqueue_indirect_dma source(%dma_start3A_247 : memref<10000x128xf32, #tpu.memory_space<hbm>>) target(%arg16 : memref<80x128xf32, #tpu.memory_space<vmem>>) offsets(%arg8 : memref<80xi32, #tpu.memory_space<vmem>>) semaphore(%arg28 : memref<!tpu.dma_semaphore, #tpu.memory_space<semaphore_mem>>)
        } else {
        }
        %scan3A_235 = arith.constant 0 : i32
        scf.yield %scan3A_235 : i32
      }
      %scan3A_69 = arith.constant 62 : i32
      %dma_wait3A_70 = arith.constant 0 : i32
      %dma_wait3A_71 = arith.constant 0 : i32
      %dma_wait3A_72 = tpu.memref_slice %arg2[%dma_wait3A_70, %dma_wait3A_71] : memref<10000x128xf32, #tpu.memory_space<hbm>> -> memref<10000x128xf32, #tpu.memory_space<hbm>>
      tpu.wait_indirect_dma semaphore(%arg27 : memref<!tpu.dma_semaphore, #tpu.memory_space<semaphore_mem>>) src(%dma_wait3A_72 : memref<10000x128xf32, #tpu.memory_space<hbm>>) dst(%arg15 : memref<80x128xf32, #tpu.memory_space<vmem>>)
      %add3A_73 = arith.constant 19840 : i32
      %add3A_74 = arith.addi %mul3A_15, %add3A_73 : i32
      %dma_wait3A_75 = tpu.memref_slice %arg5[%add3A_74] : memref<320000xi32, #tpu.memory_space<hbm>> -> memref<80xi32, #tpu.memory_space<hbm>>
      %dma_wait3A_76 = tpu.memref_slice %arg5[%add3A_74] : memref<320000xi32, #tpu.memory_space<hbm>> -> memref<80xi32, #tpu.memory_space<hbm>>
      tpu.wait_dma2 semaphore(%arg23 : memref<!tpu.dma_semaphore, #tpu.memory_space<semaphore_mem>>) src(%dma_wait3A_76 : memref<80xi32, #tpu.memory_space<hbm>>) dst(%arg11 : memref<80xi32, #tpu.memory_space<vmem>>)
      %dma_start3A_77 = arith.constant 0 : i32
      %dma_start3A_78 = arith.constant 0 : i32
      %dma_start3A_79 = tpu.memref_slice %arg35[%dma_start3A_77, %dma_start3A_78] : memref<10240x128xf32, #tpu.memory_space<vmem_shared>> -> memref<10240x128xf32, #tpu.memory_space<vmem_shared>>
      tpu.enqueue_indirect_dma source(%arg15 : memref<80x128xf32, #tpu.memory_space<vmem>>) target(%dma_start3A_79 : memref<10240x128xf32, #tpu.memory_space<vmem_shared>>) offsets(%arg11 : memref<80xi32, #tpu.memory_space<vmem>>) semaphore(%arg31 : memref<!tpu.dma_semaphore, #tpu.memory_space<semaphore_mem>>) {add = true}
      %dma_wait3A_80 = arith.constant 0 : i32
      %dma_wait3A_81 = arith.constant 0 : i32
      %dma_wait3A_82 = tpu.memref_slice %arg35[%dma_wait3A_80, %dma_wait3A_81] : memref<10240x128xf32, #tpu.memory_space<vmem_shared>> -> memref<10240x128xf32, #tpu.memory_space<vmem_shared>>
      tpu.wait_indirect_dma semaphore(%arg34 : memref<!tpu.dma_semaphore, #tpu.memory_space<semaphore_mem>>) src(%arg18 : memref<80x128xf32, #tpu.memory_space<vmem>>) dst(%dma_wait3A_82 : memref<10240x128xf32, #tpu.memory_space<vmem_shared>>)
      %dma_wait3A_83 = arith.constant 0 : i32
      %dma_wait3A_84 = arith.constant 0 : i32
      %dma_wait3A_85 = tpu.memref_slice %arg2[%dma_wait3A_83, %dma_wait3A_84] : memref<10000x128xf32, #tpu.memory_space<hbm>> -> memref<10000x128xf32, #tpu.memory_space<hbm>>
      tpu.wait_indirect_dma semaphore(%arg28 : memref<!tpu.dma_semaphore, #tpu.memory_space<semaphore_mem>>) src(%dma_wait3A_85 : memref<10000x128xf32, #tpu.memory_space<hbm>>) dst(%arg16 : memref<80x128xf32, #tpu.memory_space<vmem>>)
      %add3A_86 = arith.constant 19920 : i32
      %add3A_87 = arith.addi %mul3A_15, %add3A_86 : i32
      %dma_wait3A_88 = tpu.memref_slice %arg5[%add3A_87] : memref<320000xi32, #tpu.memory_space<hbm>> -> memref<80xi32, #tpu.memory_space<hbm>>
      %dma_wait3A_89 = tpu.memref_slice %arg5[%add3A_87] : memref<320000xi32, #tpu.memory_space<hbm>> -> memref<80xi32, #tpu.memory_space<hbm>>
      tpu.wait_dma2 semaphore(%arg24 : memref<!tpu.dma_semaphore, #tpu.memory_space<semaphore_mem>>) src(%dma_wait3A_89 : memref<80xi32, #tpu.memory_space<hbm>>) dst(%arg12 : memref<80xi32, #tpu.memory_space<vmem>>)
      %dma_start3A_90 = arith.constant 0 : i32
      %dma_start3A_91 = arith.constant 0 : i32
      %dma_start3A_92 = tpu.memref_slice %arg35[%dma_start3A_90, %dma_start3A_91] : memref<10240x128xf32, #tpu.memory_space<vmem_shared>> -> memref<10240x128xf32, #tpu.memory_space<vmem_shared>>
      tpu.enqueue_indirect_dma source(%arg16 : memref<80x128xf32, #tpu.memory_space<vmem>>) target(%dma_start3A_92 : memref<10240x128xf32, #tpu.memory_space<vmem_shared>>) offsets(%arg12 : memref<80xi32, #tpu.memory_space<vmem>>) semaphore(%arg32 : memref<!tpu.dma_semaphore, #tpu.memory_space<semaphore_mem>>) {add = true}
      %dma_wait3A_93 = arith.constant 0 : i32
      %dma_wait3A_94 = arith.constant 0 : i32
      %dma_wait3A_95 = tpu.memref_slice %arg35[%dma_wait3A_93, %dma_wait3A_94] : memref<10240x128xf32, #tpu.memory_space<vmem_shared>> -> memref<10240x128xf32, #tpu.memory_space<vmem_shared>>
      tpu.wait_indirect_dma semaphore(%arg31 : memref<!tpu.dma_semaphore, #tpu.memory_space<semaphore_mem>>) src(%arg15 : memref<80x128xf32, #tpu.memory_space<vmem>>) dst(%dma_wait3A_95 : memref<10240x128xf32, #tpu.memory_space<vmem_shared>>)
      %dma_wait3A_96 = arith.constant 0 : i32
      %dma_wait3A_97 = arith.constant 0 : i32
      %dma_wait3A_98 = tpu.memref_slice %arg35[%dma_wait3A_96, %dma_wait3A_97] : memref<10240x128xf32, #tpu.memory_space<vmem_shared>> -> memref<10240x128xf32, #tpu.memory_space<vmem_shared>>
      tpu.wait_indirect_dma semaphore(%arg32 : memref<!tpu.dma_semaphore, #tpu.memory_space<semaphore_mem>>) src(%arg16 : memref<80x128xf32, #tpu.memory_space<vmem>>) dst(%dma_wait3A_98 : memref<10240x128xf32, #tpu.memory_space<vmem_shared>>)
    } else {
    }
    %eq3A_18 = arith.constant 1 : i32
    %eq3A_19 = arith.cmpi eq, %arg0, %eq3A_18 : i32
    %convert_element_type3A_20 = arith.extui %eq3A_19 : i1 to i32
    %cond3A_21 = arith.constant 0 : i32
    %cond3A_22 = arith.cmpi ne, %convert_element_type3A_20, %cond3A_21 : i32
    scf.if %cond3A_22 {
      %add3A = arith.constant 0 : i32
      %add3A_28 = arith.addi %mul3A_15, %add3A : i32
      %dma_start3A = tpu.memref_slice %arg4[%add3A_28] : memref<320000xi32, #tpu.memory_space<hbm>> -> memref<80xi32, #tpu.memory_space<hbm>>
      %dma_start3A_29 = tpu.memref_slice %arg4[%add3A_28] : memref<320000xi32, #tpu.memory_space<hbm>> -> memref<80xi32, #tpu.memory_space<hbm>>
      tpu.enqueue_dma source(%dma_start3A_29 : memref<80xi32, #tpu.memory_space<hbm>>) target(%arg7 : memref<80xi32, #tpu.memory_space<vmem>>) target_semaphore(%arg19 : memref<!tpu.dma_semaphore, #tpu.memory_space<semaphore_mem>>)
      %add3A_30 = arith.constant 0 : i32
      %add3A_31 = arith.addi %mul3A_15, %add3A_30 : i32
      %dma_start3A_32 = tpu.memref_slice %arg5[%add3A_31] : memref<320000xi32, #tpu.memory_space<hbm>> -> memref<80xi32, #tpu.memory_space<hbm>>
      %dma_start3A_33 = tpu.memref_slice %arg5[%add3A_31] : memref<320000xi32, #tpu.memory_space<hbm>> -> memref<80xi32, #tpu.memory_space<hbm>>
      tpu.enqueue_dma source(%dma_start3A_33 : memref<80xi32, #tpu.memory_space<hbm>>) target(%arg11 : memref<80xi32, #tpu.memory_space<vmem>>) target_semaphore(%arg23 : memref<!tpu.dma_semaphore, #tpu.memory_space<semaphore_mem>>)
      %add3A_34 = arith.constant 80 : i32
      %add3A_35 = arith.addi %mul3A_15, %add3A_34 : i32
      %dma_start3A_36 = tpu.memref_slice %arg4[%add3A_35] : memref<320000xi32, #tpu.memory_space<hbm>> -> memref<80xi32, #tpu.memory_space<hbm>>
      %dma_start3A_37 = tpu.memref_slice %arg4[%add3A_35] : memref<320000xi32, #tpu.memory_space<hbm>> -> memref<80xi32, #tpu.memory_space<hbm>>
      tpu.enqueue_dma source(%dma_start3A_37 : memref<80xi32, #tpu.memory_space<hbm>>) target(%arg8 : memref<80xi32, #tpu.memory_space<vmem>>) target_semaphore(%arg20 : memref<!tpu.dma_semaphore, #tpu.memory_space<semaphore_mem>>)
      %add3A_38 = arith.constant 80 : i32
      %add3A_39 = arith.addi %mul3A_15, %add3A_38 : i32
      %dma_start3A_40 = tpu.memref_slice %arg5[%add3A_39] : memref<320000xi32, #tpu.memory_space<hbm>> -> memref<80xi32, #tpu.memory_space<hbm>>
      %dma_start3A_41 = tpu.memref_slice %arg5[%add3A_39] : memref<320000xi32, #tpu.memory_space<hbm>> -> memref<80xi32, #tpu.memory_space<hbm>>
      tpu.enqueue_dma source(%dma_start3A_41 : memref<80xi32, #tpu.memory_space<hbm>>) target(%arg12 : memref<80xi32, #tpu.memory_space<vmem>>) target_semaphore(%arg24 : memref<!tpu.dma_semaphore, #tpu.memory_space<semaphore_mem>>)
      %add3A_42 = arith.constant 160 : i32
      %add3A_43 = arith.addi %mul3A_15, %add3A_42 : i32
      %dma_start3A_44 = tpu.memref_slice %arg4[%add3A_43] : memref<320000xi32, #tpu.memory_space<hbm>> -> memref<80xi32, #tpu.memory_space<hbm>>
      %dma_start3A_45 = tpu.memref_slice %arg4[%add3A_43] : memref<320000xi32, #tpu.memory_space<hbm>> -> memref<80xi32, #tpu.memory_space<hbm>>
      tpu.enqueue_dma source(%dma_start3A_45 : memref<80xi32, #tpu.memory_space<hbm>>) target(%arg9 : memref<80xi32, #tpu.memory_space<vmem>>) target_semaphore(%arg21 : memref<!tpu.dma_semaphore, #tpu.memory_space<semaphore_mem>>)
      %add3A_46 = arith.constant 160 : i32
      %add3A_47 = arith.addi %mul3A_15, %add3A_46 : i32
      %dma_start3A_48 = tpu.memref_slice %arg5[%add3A_47] : memref<320000xi32, #tpu.memory_space<hbm>> -> memref<80xi32, #tpu.memory_space<hbm>>
      %dma_start3A_49 = tpu.memref_slice %arg5[%add3A_47] : memref<320000xi32, #tpu.memory_space<hbm>> -> memref<80xi32, #tpu.memory_space<hbm>>
      tpu.enqueue_dma source(%dma_start3A_49 : memref<80xi32, #tpu.memory_space<hbm>>) target(%arg13 : memref<80xi32, #tpu.memory_space<vmem>>) target_semaphore(%arg25 : memref<!tpu.dma_semaphore, #tpu.memory_space<semaphore_mem>>)
      %add3A_50 = arith.constant 0 : i32
      %add3A_51 = arith.addi %mul3A_15, %add3A_50 : i32
      %dma_wait3A = tpu.memref_slice %arg4[%add3A_51] : memref<320000xi32, #tpu.memory_space<hbm>> -> memref<80xi32, #tpu.memory_space<hbm>>
      %dma_wait3A_52 = tpu.memref_slice %arg4[%add3A_51] : memref<320000xi32, #tpu.memory_space<hbm>> -> memref<80xi32, #tpu.memory_space<hbm>>
      tpu.wait_dma2 semaphore(%arg19 : memref<!tpu.dma_semaphore, #tpu.memory_space<semaphore_mem>>) src(%dma_wait3A_52 : memref<80xi32, #tpu.memory_space<hbm>>) dst(%arg7 : memref<80xi32, #tpu.memory_space<vmem>>)
      %dma_start3A_53 = arith.constant 0 : i32
      %dma_start3A_54 = arith.constant 0 : i32
      %dma_start3A_55 = tpu.memref_slice %arg3[%dma_start3A_53, %dma_start3A_54] : memref<10000x128xf32, #tpu.memory_space<hbm>> -> memref<10000x128xf32, #tpu.memory_space<hbm>>
      tpu.enqueue_indirect_dma source(%dma_start3A_55 : memref<10000x128xf32, #tpu.memory_space<hbm>>) target(%arg15 : memref<80x128xf32, #tpu.memory_space<vmem>>) offsets(%arg7 : memref<80xi32, #tpu.memory_space<vmem>>) semaphore(%arg27 : memref<!tpu.dma_semaphore, #tpu.memory_space<semaphore_mem>>)
      %add3A_56 = arith.constant 80 : i32
      %add3A_57 = arith.addi %mul3A_15, %add3A_56 : i32
      %dma_wait3A_58 = tpu.memref_slice %arg4[%add3A_57] : memref<320000xi32, #tpu.memory_space<hbm>> -> memref<80xi32, #tpu.memory_space<hbm>>
      %dma_wait3A_59 = tpu.memref_slice %arg4[%add3A_57] : memref<320000xi32, #tpu.memory_space<hbm>> -> memref<80xi32, #tpu.memory_space<hbm>>
      tpu.wait_dma2 semaphore(%arg20 : memref<!tpu.dma_semaphore, #tpu.memory_space<semaphore_mem>>) src(%dma_wait3A_59 : memref<80xi32, #tpu.memory_space<hbm>>) dst(%arg8 : memref<80xi32, #tpu.memory_space<vmem>>)
      %dma_start3A_60 = arith.constant 0 : i32
      %dma_start3A_61 = arith.constant 0 : i32
      %dma_start3A_62 = tpu.memref_slice %arg3[%dma_start3A_60, %dma_start3A_61] : memref<10000x128xf32, #tpu.memory_space<hbm>> -> memref<10000x128xf32, #tpu.memory_space<hbm>>
      tpu.enqueue_indirect_dma source(%dma_start3A_62 : memref<10000x128xf32, #tpu.memory_space<hbm>>) target(%arg16 : memref<80x128xf32, #tpu.memory_space<vmem>>) offsets(%arg8 : memref<80xi32, #tpu.memory_space<vmem>>) semaphore(%arg28 : memref<!tpu.dma_semaphore, #tpu.memory_space<semaphore_mem>>)
      %scan3A_63 = arith.constant 0 : i32
      %scan3A_64 = arith.constant 0 : i32
      %scan3A_65 = arith.constant 62 : i32
      %scan3A_66 = arith.addi %scan3A_64, %scan3A_65 : i32
      %scan3A_67 = arith.constant 1 : i32
      %scan3A_68 = scf.for %scan3A_99 = %scan3A_64 to %scan3A_66 step %scan3A_67 iter_args(%scan3A_100 = %scan3A_63) -> (i32)  : i32 {
        %mul3A_101 = arith.constant 4 : i32
        %mul3A_102 = arith.muli %scan3A_99, %mul3A_101 : i32
        %add3A_103 = arith.constant 0 : i32
        %add3A_104 = arith.addi %mul3A_102, %add3A_103 : i32
        %dma_wait3A_105 = arith.constant 0 : i32
        %dma_wait3A_106 = arith.constant 0 : i32
        %dma_wait3A_107 = tpu.memref_slice %arg3[%dma_wait3A_105, %dma_wait3A_106] : memref<10000x128xf32, #tpu.memory_space<hbm>> -> memref<10000x128xf32, #tpu.memory_space<hbm>>
        tpu.wait_indirect_dma semaphore(%arg27 : memref<!tpu.dma_semaphore, #tpu.memory_space<semaphore_mem>>) src(%dma_wait3A_107 : memref<10000x128xf32, #tpu.memory_space<hbm>>) dst(%arg15 : memref<80x128xf32, #tpu.memory_space<vmem>>)
        %mul3A_108 = arith.constant 80 : i32
        %mul3A_109 = arith.muli %add3A_104, %mul3A_108 : i32
        %add3A_110 = arith.addi %mul3A_15, %mul3A_109 : i32
        %dma_wait3A_111 = tpu.memref_slice %arg5[%add3A_110] : memref<320000xi32, #tpu.memory_space<hbm>> -> memref<80xi32, #tpu.memory_space<hbm>>
        %dma_wait3A_112 = tpu.memref_slice %arg5[%add3A_110] : memref<320000xi32, #tpu.memory_space<hbm>> -> memref<80xi32, #tpu.memory_space<hbm>>
        tpu.wait_dma2 semaphore(%arg23 : memref<!tpu.dma_semaphore, #tpu.memory_space<semaphore_mem>>) src(%dma_wait3A_112 : memref<80xi32, #tpu.memory_space<hbm>>) dst(%arg11 : memref<80xi32, #tpu.memory_space<vmem>>)
        %dma_start3A_113 = arith.constant 0 : i32
        %dma_start3A_114 = arith.constant 0 : i32
        %dma_start3A_115 = tpu.memref_slice %arg35[%dma_start3A_113, %dma_start3A_114] : memref<10240x128xf32, #tpu.memory_space<vmem_shared>> -> memref<10240x128xf32, #tpu.memory_space<vmem_shared>>
        tpu.enqueue_indirect_dma source(%arg15 : memref<80x128xf32, #tpu.memory_space<vmem>>) target(%dma_start3A_115 : memref<10240x128xf32, #tpu.memory_space<vmem_shared>>) offsets(%arg11 : memref<80xi32, #tpu.memory_space<vmem>>) semaphore(%arg31 : memref<!tpu.dma_semaphore, #tpu.memory_space<semaphore_mem>>) {add = true}
        %ge3A = arith.constant 1 : i32
        %ge3A_116 = arith.cmpi sge, %add3A_104, %ge3A : i32
        %convert_element_type3A_117 = arith.extui %ge3A_116 : i1 to i32
        %cond3A_118 = arith.constant 0 : i32
        %cond3A_119 = arith.cmpi ne, %convert_element_type3A_117, %cond3A_118 : i32
        scf.if %cond3A_119 {
          %sub3A = arith.constant 1 : i32
          %sub3A_236 = arith.subi %add3A_104, %sub3A : i32
          %dma_wait3A_237 = arith.constant 0 : i32
          %dma_wait3A_238 = arith.constant 0 : i32
          %dma_wait3A_239 = tpu.memref_slice %arg35[%dma_wait3A_237, %dma_wait3A_238] : memref<10240x128xf32, #tpu.memory_space<vmem_shared>> -> memref<10240x128xf32, #tpu.memory_space<vmem_shared>>
          tpu.wait_indirect_dma semaphore(%arg34 : memref<!tpu.dma_semaphore, #tpu.memory_space<semaphore_mem>>) src(%arg18 : memref<80x128xf32, #tpu.memory_space<vmem>>) dst(%dma_wait3A_239 : memref<10240x128xf32, #tpu.memory_space<vmem_shared>>)
        } else {
        }
        %add3A_120 = arith.constant 3 : i32
        %add3A_121 = arith.addi %add3A_104, %add3A_120 : i32
        %lt3A = arith.constant 250 : i32
        %lt3A_122 = arith.cmpi slt, %add3A_121, %lt3A : i32
        %convert_element_type3A_123 = arith.extui %lt3A_122 : i1 to i32
        %cond3A_124 = arith.constant 0 : i32
        %cond3A_125 = arith.cmpi ne, %convert_element_type3A_123, %cond3A_124 : i32
        scf.if %cond3A_125 {
          %add3A_236 = arith.constant 3 : i32
          %add3A_237 = arith.addi %add3A_104, %add3A_236 : i32
          %mul3A_238 = arith.constant 80 : i32
          %mul3A_239 = arith.muli %add3A_237, %mul3A_238 : i32
          %add3A_240 = arith.addi %mul3A_15, %mul3A_239 : i32
          %dma_start3A_241 = tpu.memref_slice %arg4[%add3A_240] : memref<320000xi32, #tpu.memory_space<hbm>> -> memref<80xi32, #tpu.memory_space<hbm>>
          %dma_start3A_242 = tpu.memref_slice %arg4[%add3A_240] : memref<320000xi32, #tpu.memory_space<hbm>> -> memref<80xi32, #tpu.memory_space<hbm>>
          tpu.enqueue_dma source(%dma_start3A_242 : memref<80xi32, #tpu.memory_space<hbm>>) target(%arg10 : memref<80xi32, #tpu.memory_space<vmem>>) target_semaphore(%arg22 : memref<!tpu.dma_semaphore, #tpu.memory_space<semaphore_mem>>)
          %mul3A_243 = arith.constant 80 : i32
          %mul3A_244 = arith.muli %add3A_237, %mul3A_243 : i32
          %add3A_245 = arith.addi %mul3A_15, %mul3A_244 : i32
          %dma_start3A_246 = tpu.memref_slice %arg5[%add3A_245] : memref<320000xi32, #tpu.memory_space<hbm>> -> memref<80xi32, #tpu.memory_space<hbm>>
          %dma_start3A_247 = tpu.memref_slice %arg5[%add3A_245] : memref<320000xi32, #tpu.memory_space<hbm>> -> memref<80xi32, #tpu.memory_space<hbm>>
          tpu.enqueue_dma source(%dma_start3A_247 : memref<80xi32, #tpu.memory_space<hbm>>) target(%arg14 : memref<80xi32, #tpu.memory_space<vmem>>) target_semaphore(%arg26 : memref<!tpu.dma_semaphore, #tpu.memory_space<semaphore_mem>>)
        } else {
        }
        %add3A_126 = arith.constant 2 : i32
        %add3A_127 = arith.addi %add3A_104, %add3A_126 : i32
        %lt3A_128 = arith.constant 250 : i32
        %lt3A_129 = arith.cmpi slt, %add3A_127, %lt3A_128 : i32
        %convert_element_type3A_130 = arith.extui %lt3A_129 : i1 to i32
        %cond3A_131 = arith.constant 0 : i32
        %cond3A_132 = arith.cmpi ne, %convert_element_type3A_130, %cond3A_131 : i32
        scf.if %cond3A_132 {
          %add3A_236 = arith.constant 2 : i32
          %add3A_237 = arith.addi %add3A_104, %add3A_236 : i32
          %mul3A_238 = arith.constant 80 : i32
          %mul3A_239 = arith.muli %add3A_237, %mul3A_238 : i32
          %add3A_240 = arith.addi %mul3A_15, %mul3A_239 : i32
          %dma_wait3A_241 = tpu.memref_slice %arg4[%add3A_240] : memref<320000xi32, #tpu.memory_space<hbm>> -> memref<80xi32, #tpu.memory_space<hbm>>
          %dma_wait3A_242 = tpu.memref_slice %arg4[%add3A_240] : memref<320000xi32, #tpu.memory_space<hbm>> -> memref<80xi32, #tpu.memory_space<hbm>>
          tpu.wait_dma2 semaphore(%arg21 : memref<!tpu.dma_semaphore, #tpu.memory_space<semaphore_mem>>) src(%dma_wait3A_242 : memref<80xi32, #tpu.memory_space<hbm>>) dst(%arg9 : memref<80xi32, #tpu.memory_space<vmem>>)
          %add3A_243 = arith.constant 2 : i32
          %add3A_244 = arith.addi %add3A_104, %add3A_243 : i32
          %dma_start3A_245 = arith.constant 0 : i32
          %dma_start3A_246 = arith.constant 0 : i32
          %dma_start3A_247 = tpu.memref_slice %arg3[%dma_start3A_245, %dma_start3A_246] : memref<10000x128xf32, #tpu.memory_space<hbm>> -> memref<10000x128xf32, #tpu.memory_space<hbm>>
          tpu.enqueue_indirect_dma source(%dma_start3A_247 : memref<10000x128xf32, #tpu.memory_space<hbm>>) target(%arg17 : memref<80x128xf32, #tpu.memory_space<vmem>>) offsets(%arg9 : memref<80xi32, #tpu.memory_space<vmem>>) semaphore(%arg29 : memref<!tpu.dma_semaphore, #tpu.memory_space<semaphore_mem>>)
        } else {
        }
        %mul3A_133 = arith.constant 4 : i32
        %mul3A_134 = arith.muli %scan3A_99, %mul3A_133 : i32
        %add3A_135 = arith.constant 1 : i32
        %add3A_136 = arith.addi %mul3A_134, %add3A_135 : i32
        %dma_wait3A_137 = arith.constant 0 : i32
        %dma_wait3A_138 = arith.constant 0 : i32
        %dma_wait3A_139 = tpu.memref_slice %arg3[%dma_wait3A_137, %dma_wait3A_138] : memref<10000x128xf32, #tpu.memory_space<hbm>> -> memref<10000x128xf32, #tpu.memory_space<hbm>>
        tpu.wait_indirect_dma semaphore(%arg28 : memref<!tpu.dma_semaphore, #tpu.memory_space<semaphore_mem>>) src(%dma_wait3A_139 : memref<10000x128xf32, #tpu.memory_space<hbm>>) dst(%arg16 : memref<80x128xf32, #tpu.memory_space<vmem>>)
        %mul3A_140 = arith.constant 80 : i32
        %mul3A_141 = arith.muli %add3A_136, %mul3A_140 : i32
        %add3A_142 = arith.addi %mul3A_15, %mul3A_141 : i32
        %dma_wait3A_143 = tpu.memref_slice %arg5[%add3A_142] : memref<320000xi32, #tpu.memory_space<hbm>> -> memref<80xi32, #tpu.memory_space<hbm>>
        %dma_wait3A_144 = tpu.memref_slice %arg5[%add3A_142] : memref<320000xi32, #tpu.memory_space<hbm>> -> memref<80xi32, #tpu.memory_space<hbm>>
        tpu.wait_dma2 semaphore(%arg24 : memref<!tpu.dma_semaphore, #tpu.memory_space<semaphore_mem>>) src(%dma_wait3A_144 : memref<80xi32, #tpu.memory_space<hbm>>) dst(%arg12 : memref<80xi32, #tpu.memory_space<vmem>>)
        %dma_start3A_145 = arith.constant 0 : i32
        %dma_start3A_146 = arith.constant 0 : i32
        %dma_start3A_147 = tpu.memref_slice %arg35[%dma_start3A_145, %dma_start3A_146] : memref<10240x128xf32, #tpu.memory_space<vmem_shared>> -> memref<10240x128xf32, #tpu.memory_space<vmem_shared>>
        tpu.enqueue_indirect_dma source(%arg16 : memref<80x128xf32, #tpu.memory_space<vmem>>) target(%dma_start3A_147 : memref<10240x128xf32, #tpu.memory_space<vmem_shared>>) offsets(%arg12 : memref<80xi32, #tpu.memory_space<vmem>>) semaphore(%arg32 : memref<!tpu.dma_semaphore, #tpu.memory_space<semaphore_mem>>) {add = true}
        %ge3A_148 = arith.constant 1 : i32
        %ge3A_149 = arith.cmpi sge, %add3A_136, %ge3A_148 : i32
        %convert_element_type3A_150 = arith.extui %ge3A_149 : i1 to i32
        %cond3A_151 = arith.constant 0 : i32
        %cond3A_152 = arith.cmpi ne, %convert_element_type3A_150, %cond3A_151 : i32
        scf.if %cond3A_152 {
          %sub3A = arith.constant 1 : i32
          %sub3A_236 = arith.subi %add3A_136, %sub3A : i32
          %dma_wait3A_237 = arith.constant 0 : i32
          %dma_wait3A_238 = arith.constant 0 : i32
          %dma_wait3A_239 = tpu.memref_slice %arg35[%dma_wait3A_237, %dma_wait3A_238] : memref<10240x128xf32, #tpu.memory_space<vmem_shared>> -> memref<10240x128xf32, #tpu.memory_space<vmem_shared>>
          tpu.wait_indirect_dma semaphore(%arg31 : memref<!tpu.dma_semaphore, #tpu.memory_space<semaphore_mem>>) src(%arg15 : memref<80x128xf32, #tpu.memory_space<vmem>>) dst(%dma_wait3A_239 : memref<10240x128xf32, #tpu.memory_space<vmem_shared>>)
        } else {
        }
        %add3A_153 = arith.constant 3 : i32
        %add3A_154 = arith.addi %add3A_136, %add3A_153 : i32
        %lt3A_155 = arith.constant 250 : i32
        %lt3A_156 = arith.cmpi slt, %add3A_154, %lt3A_155 : i32
        %convert_element_type3A_157 = arith.extui %lt3A_156 : i1 to i32
        %cond3A_158 = arith.constant 0 : i32
        %cond3A_159 = arith.cmpi ne, %convert_element_type3A_157, %cond3A_158 : i32
        scf.if %cond3A_159 {
          %add3A_236 = arith.constant 3 : i32
          %add3A_237 = arith.addi %add3A_136, %add3A_236 : i32
          %mul3A_238 = arith.constant 80 : i32
          %mul3A_239 = arith.muli %add3A_237, %mul3A_238 : i32
          %add3A_240 = arith.addi %mul3A_15, %mul3A_239 : i32
          %dma_start3A_241 = tpu.memref_slice %arg4[%add3A_240] : memref<320000xi32, #tpu.memory_space<hbm>> -> memref<80xi32, #tpu.memory_space<hbm>>
          %dma_start3A_242 = tpu.memref_slice %arg4[%add3A_240] : memref<320000xi32, #tpu.memory_space<hbm>> -> memref<80xi32, #tpu.memory_space<hbm>>
          tpu.enqueue_dma source(%dma_start3A_242 : memref<80xi32, #tpu.memory_space<hbm>>) target(%arg7 : memref<80xi32, #tpu.memory_space<vmem>>) target_semaphore(%arg19 : memref<!tpu.dma_semaphore, #tpu.memory_space<semaphore_mem>>)
          %mul3A_243 = arith.constant 80 : i32
          %mul3A_244 = arith.muli %add3A_237, %mul3A_243 : i32
          %add3A_245 = arith.addi %mul3A_15, %mul3A_244 : i32
          %dma_start3A_246 = tpu.memref_slice %arg5[%add3A_245] : memref<320000xi32, #tpu.memory_space<hbm>> -> memref<80xi32, #tpu.memory_space<hbm>>
          %dma_start3A_247 = tpu.memref_slice %arg5[%add3A_245] : memref<320000xi32, #tpu.memory_space<hbm>> -> memref<80xi32, #tpu.memory_space<hbm>>
          tpu.enqueue_dma source(%dma_start3A_247 : memref<80xi32, #tpu.memory_space<hbm>>) target(%arg11 : memref<80xi32, #tpu.memory_space<vmem>>) target_semaphore(%arg23 : memref<!tpu.dma_semaphore, #tpu.memory_space<semaphore_mem>>)
        } else {
        }
        %add3A_160 = arith.constant 2 : i32
        %add3A_161 = arith.addi %add3A_136, %add3A_160 : i32
        %lt3A_162 = arith.constant 250 : i32
        %lt3A_163 = arith.cmpi slt, %add3A_161, %lt3A_162 : i32
        %convert_element_type3A_164 = arith.extui %lt3A_163 : i1 to i32
        %cond3A_165 = arith.constant 0 : i32
        %cond3A_166 = arith.cmpi ne, %convert_element_type3A_164, %cond3A_165 : i32
        scf.if %cond3A_166 {
          %add3A_236 = arith.constant 2 : i32
          %add3A_237 = arith.addi %add3A_136, %add3A_236 : i32
          %mul3A_238 = arith.constant 80 : i32
          %mul3A_239 = arith.muli %add3A_237, %mul3A_238 : i32
          %add3A_240 = arith.addi %mul3A_15, %mul3A_239 : i32
          %dma_wait3A_241 = tpu.memref_slice %arg4[%add3A_240] : memref<320000xi32, #tpu.memory_space<hbm>> -> memref<80xi32, #tpu.memory_space<hbm>>
          %dma_wait3A_242 = tpu.memref_slice %arg4[%add3A_240] : memref<320000xi32, #tpu.memory_space<hbm>> -> memref<80xi32, #tpu.memory_space<hbm>>
          tpu.wait_dma2 semaphore(%arg22 : memref<!tpu.dma_semaphore, #tpu.memory_space<semaphore_mem>>) src(%dma_wait3A_242 : memref<80xi32, #tpu.memory_space<hbm>>) dst(%arg10 : memref<80xi32, #tpu.memory_space<vmem>>)
          %add3A_243 = arith.constant 2 : i32
          %add3A_244 = arith.addi %add3A_136, %add3A_243 : i32
          %dma_start3A_245 = arith.constant 0 : i32
          %dma_start3A_246 = arith.constant 0 : i32
          %dma_start3A_247 = tpu.memref_slice %arg3[%dma_start3A_245, %dma_start3A_246] : memref<10000x128xf32, #tpu.memory_space<hbm>> -> memref<10000x128xf32, #tpu.memory_space<hbm>>
          tpu.enqueue_indirect_dma source(%dma_start3A_247 : memref<10000x128xf32, #tpu.memory_space<hbm>>) target(%arg18 : memref<80x128xf32, #tpu.memory_space<vmem>>) offsets(%arg10 : memref<80xi32, #tpu.memory_space<vmem>>) semaphore(%arg30 : memref<!tpu.dma_semaphore, #tpu.memory_space<semaphore_mem>>)
        } else {
        }
        %mul3A_167 = arith.constant 4 : i32
        %mul3A_168 = arith.muli %scan3A_99, %mul3A_167 : i32
        %add3A_169 = arith.constant 2 : i32
        %add3A_170 = arith.addi %mul3A_168, %add3A_169 : i32
        %dma_wait3A_171 = arith.constant 0 : i32
        %dma_wait3A_172 = arith.constant 0 : i32
        %dma_wait3A_173 = tpu.memref_slice %arg3[%dma_wait3A_171, %dma_wait3A_172] : memref<10000x128xf32, #tpu.memory_space<hbm>> -> memref<10000x128xf32, #tpu.memory_space<hbm>>
        tpu.wait_indirect_dma semaphore(%arg29 : memref<!tpu.dma_semaphore, #tpu.memory_space<semaphore_mem>>) src(%dma_wait3A_173 : memref<10000x128xf32, #tpu.memory_space<hbm>>) dst(%arg17 : memref<80x128xf32, #tpu.memory_space<vmem>>)
        %mul3A_174 = arith.constant 80 : i32
        %mul3A_175 = arith.muli %add3A_170, %mul3A_174 : i32
        %add3A_176 = arith.addi %mul3A_15, %mul3A_175 : i32
        %dma_wait3A_177 = tpu.memref_slice %arg5[%add3A_176] : memref<320000xi32, #tpu.memory_space<hbm>> -> memref<80xi32, #tpu.memory_space<hbm>>
        %dma_wait3A_178 = tpu.memref_slice %arg5[%add3A_176] : memref<320000xi32, #tpu.memory_space<hbm>> -> memref<80xi32, #tpu.memory_space<hbm>>
        tpu.wait_dma2 semaphore(%arg25 : memref<!tpu.dma_semaphore, #tpu.memory_space<semaphore_mem>>) src(%dma_wait3A_178 : memref<80xi32, #tpu.memory_space<hbm>>) dst(%arg13 : memref<80xi32, #tpu.memory_space<vmem>>)
        %dma_start3A_179 = arith.constant 0 : i32
        %dma_start3A_180 = arith.constant 0 : i32
        %dma_start3A_181 = tpu.memref_slice %arg35[%dma_start3A_179, %dma_start3A_180] : memref<10240x128xf32, #tpu.memory_space<vmem_shared>> -> memref<10240x128xf32, #tpu.memory_space<vmem_shared>>
        tpu.enqueue_indirect_dma source(%arg17 : memref<80x128xf32, #tpu.memory_space<vmem>>) target(%dma_start3A_181 : memref<10240x128xf32, #tpu.memory_space<vmem_shared>>) offsets(%arg13 : memref<80xi32, #tpu.memory_space<vmem>>) semaphore(%arg33 : memref<!tpu.dma_semaphore, #tpu.memory_space<semaphore_mem>>) {add = true}
        %ge3A_182 = arith.constant 1 : i32
        %ge3A_183 = arith.cmpi sge, %add3A_170, %ge3A_182 : i32
        %convert_element_type3A_184 = arith.extui %ge3A_183 : i1 to i32
        %cond3A_185 = arith.constant 0 : i32
        %cond3A_186 = arith.cmpi ne, %convert_element_type3A_184, %cond3A_185 : i32
        scf.if %cond3A_186 {
          %sub3A = arith.constant 1 : i32
          %sub3A_236 = arith.subi %add3A_170, %sub3A : i32
          %dma_wait3A_237 = arith.constant 0 : i32
          %dma_wait3A_238 = arith.constant 0 : i32
          %dma_wait3A_239 = tpu.memref_slice %arg35[%dma_wait3A_237, %dma_wait3A_238] : memref<10240x128xf32, #tpu.memory_space<vmem_shared>> -> memref<10240x128xf32, #tpu.memory_space<vmem_shared>>
          tpu.wait_indirect_dma semaphore(%arg32 : memref<!tpu.dma_semaphore, #tpu.memory_space<semaphore_mem>>) src(%arg16 : memref<80x128xf32, #tpu.memory_space<vmem>>) dst(%dma_wait3A_239 : memref<10240x128xf32, #tpu.memory_space<vmem_shared>>)
        } else {
        }
        %add3A_187 = arith.constant 3 : i32
        %add3A_188 = arith.addi %add3A_170, %add3A_187 : i32
        %lt3A_189 = arith.constant 250 : i32
        %lt3A_190 = arith.cmpi slt, %add3A_188, %lt3A_189 : i32
        %convert_element_type3A_191 = arith.extui %lt3A_190 : i1 to i32
        %cond3A_192 = arith.constant 0 : i32
        %cond3A_193 = arith.cmpi ne, %convert_element_type3A_191, %cond3A_192 : i32
        scf.if %cond3A_193 {
          %add3A_236 = arith.constant 3 : i32
          %add3A_237 = arith.addi %add3A_170, %add3A_236 : i32
          %mul3A_238 = arith.constant 80 : i32
          %mul3A_239 = arith.muli %add3A_237, %mul3A_238 : i32
          %add3A_240 = arith.addi %mul3A_15, %mul3A_239 : i32
          %dma_start3A_241 = tpu.memref_slice %arg4[%add3A_240] : memref<320000xi32, #tpu.memory_space<hbm>> -> memref<80xi32, #tpu.memory_space<hbm>>
          %dma_start3A_242 = tpu.memref_slice %arg4[%add3A_240] : memref<320000xi32, #tpu.memory_space<hbm>> -> memref<80xi32, #tpu.memory_space<hbm>>
          tpu.enqueue_dma source(%dma_start3A_242 : memref<80xi32, #tpu.memory_space<hbm>>) target(%arg8 : memref<80xi32, #tpu.memory_space<vmem>>) target_semaphore(%arg20 : memref<!tpu.dma_semaphore, #tpu.memory_space<semaphore_mem>>)
          %mul3A_243 = arith.constant 80 : i32
          %mul3A_244 = arith.muli %add3A_237, %mul3A_243 : i32
          %add3A_245 = arith.addi %mul3A_15, %mul3A_244 : i32
          %dma_start3A_246 = tpu.memref_slice %arg5[%add3A_245] : memref<320000xi32, #tpu.memory_space<hbm>> -> memref<80xi32, #tpu.memory_space<hbm>>
          %dma_start3A_247 = tpu.memref_slice %arg5[%add3A_245] : memref<320000xi32, #tpu.memory_space<hbm>> -> memref<80xi32, #tpu.memory_space<hbm>>
          tpu.enqueue_dma source(%dma_start3A_247 : memref<80xi32, #tpu.memory_space<hbm>>) target(%arg12 : memref<80xi32, #tpu.memory_space<vmem>>) target_semaphore(%arg24 : memref<!tpu.dma_semaphore, #tpu.memory_space<semaphore_mem>>)
        } else {
        }
        %add3A_194 = arith.constant 2 : i32
        %add3A_195 = arith.addi %add3A_170, %add3A_194 : i32
        %lt3A_196 = arith.constant 250 : i32
        %lt3A_197 = arith.cmpi slt, %add3A_195, %lt3A_196 : i32
        %convert_element_type3A_198 = arith.extui %lt3A_197 : i1 to i32
        %cond3A_199 = arith.constant 0 : i32
        %cond3A_200 = arith.cmpi ne, %convert_element_type3A_198, %cond3A_199 : i32
        scf.if %cond3A_200 {
          %add3A_236 = arith.constant 2 : i32
          %add3A_237 = arith.addi %add3A_170, %add3A_236 : i32
          %mul3A_238 = arith.constant 80 : i32
          %mul3A_239 = arith.muli %add3A_237, %mul3A_238 : i32
          %add3A_240 = arith.addi %mul3A_15, %mul3A_239 : i32
          %dma_wait3A_241 = tpu.memref_slice %arg4[%add3A_240] : memref<320000xi32, #tpu.memory_space<hbm>> -> memref<80xi32, #tpu.memory_space<hbm>>
          %dma_wait3A_242 = tpu.memref_slice %arg4[%add3A_240] : memref<320000xi32, #tpu.memory_space<hbm>> -> memref<80xi32, #tpu.memory_space<hbm>>
          tpu.wait_dma2 semaphore(%arg19 : memref<!tpu.dma_semaphore, #tpu.memory_space<semaphore_mem>>) src(%dma_wait3A_242 : memref<80xi32, #tpu.memory_space<hbm>>) dst(%arg7 : memref<80xi32, #tpu.memory_space<vmem>>)
          %add3A_243 = arith.constant 2 : i32
          %add3A_244 = arith.addi %add3A_170, %add3A_243 : i32
          %dma_start3A_245 = arith.constant 0 : i32
          %dma_start3A_246 = arith.constant 0 : i32
          %dma_start3A_247 = tpu.memref_slice %arg3[%dma_start3A_245, %dma_start3A_246] : memref<10000x128xf32, #tpu.memory_space<hbm>> -> memref<10000x128xf32, #tpu.memory_space<hbm>>
          tpu.enqueue_indirect_dma source(%dma_start3A_247 : memref<10000x128xf32, #tpu.memory_space<hbm>>) target(%arg15 : memref<80x128xf32, #tpu.memory_space<vmem>>) offsets(%arg7 : memref<80xi32, #tpu.memory_space<vmem>>) semaphore(%arg27 : memref<!tpu.dma_semaphore, #tpu.memory_space<semaphore_mem>>)
        } else {
        }
        %mul3A_201 = arith.constant 4 : i32
        %mul3A_202 = arith.muli %scan3A_99, %mul3A_201 : i32
        %add3A_203 = arith.constant 3 : i32
        %add3A_204 = arith.addi %mul3A_202, %add3A_203 : i32
        %dma_wait3A_205 = arith.constant 0 : i32
        %dma_wait3A_206 = arith.constant 0 : i32
        %dma_wait3A_207 = tpu.memref_slice %arg3[%dma_wait3A_205, %dma_wait3A_206] : memref<10000x128xf32, #tpu.memory_space<hbm>> -> memref<10000x128xf32, #tpu.memory_space<hbm>>
        tpu.wait_indirect_dma semaphore(%arg30 : memref<!tpu.dma_semaphore, #tpu.memory_space<semaphore_mem>>) src(%dma_wait3A_207 : memref<10000x128xf32, #tpu.memory_space<hbm>>) dst(%arg18 : memref<80x128xf32, #tpu.memory_space<vmem>>)
        %mul3A_208 = arith.constant 80 : i32
        %mul3A_209 = arith.muli %add3A_204, %mul3A_208 : i32
        %add3A_210 = arith.addi %mul3A_15, %mul3A_209 : i32
        %dma_wait3A_211 = tpu.memref_slice %arg5[%add3A_210] : memref<320000xi32, #tpu.memory_space<hbm>> -> memref<80xi32, #tpu.memory_space<hbm>>
        %dma_wait3A_212 = tpu.memref_slice %arg5[%add3A_210] : memref<320000xi32, #tpu.memory_space<hbm>> -> memref<80xi32, #tpu.memory_space<hbm>>
        tpu.wait_dma2 semaphore(%arg26 : memref<!tpu.dma_semaphore, #tpu.memory_space<semaphore_mem>>) src(%dma_wait3A_212 : memref<80xi32, #tpu.memory_space<hbm>>) dst(%arg14 : memref<80xi32, #tpu.memory_space<vmem>>)
        %dma_start3A_213 = arith.constant 0 : i32
        %dma_start3A_214 = arith.constant 0 : i32
        %dma_start3A_215 = tpu.memref_slice %arg35[%dma_start3A_213, %dma_start3A_214] : memref<10240x128xf32, #tpu.memory_space<vmem_shared>> -> memref<10240x128xf32, #tpu.memory_space<vmem_shared>>
        tpu.enqueue_indirect_dma source(%arg18 : memref<80x128xf32, #tpu.memory_space<vmem>>) target(%dma_start3A_215 : memref<10240x128xf32, #tpu.memory_space<vmem_shared>>) offsets(%arg14 : memref<80xi32, #tpu.memory_space<vmem>>) semaphore(%arg34 : memref<!tpu.dma_semaphore, #tpu.memory_space<semaphore_mem>>) {add = true}
        %ge3A_216 = arith.constant 1 : i32
        %ge3A_217 = arith.cmpi sge, %add3A_204, %ge3A_216 : i32
        %convert_element_type3A_218 = arith.extui %ge3A_217 : i1 to i32
        %cond3A_219 = arith.constant 0 : i32
        %cond3A_220 = arith.cmpi ne, %convert_element_type3A_218, %cond3A_219 : i32
        scf.if %cond3A_220 {
          %sub3A = arith.constant 1 : i32
          %sub3A_236 = arith.subi %add3A_204, %sub3A : i32
          %dma_wait3A_237 = arith.constant 0 : i32
          %dma_wait3A_238 = arith.constant 0 : i32
          %dma_wait3A_239 = tpu.memref_slice %arg35[%dma_wait3A_237, %dma_wait3A_238] : memref<10240x128xf32, #tpu.memory_space<vmem_shared>> -> memref<10240x128xf32, #tpu.memory_space<vmem_shared>>
          tpu.wait_indirect_dma semaphore(%arg33 : memref<!tpu.dma_semaphore, #tpu.memory_space<semaphore_mem>>) src(%arg17 : memref<80x128xf32, #tpu.memory_space<vmem>>) dst(%dma_wait3A_239 : memref<10240x128xf32, #tpu.memory_space<vmem_shared>>)
        } else {
        }
        %add3A_221 = arith.constant 3 : i32
        %add3A_222 = arith.addi %add3A_204, %add3A_221 : i32
        %lt3A_223 = arith.constant 250 : i32
        %lt3A_224 = arith.cmpi slt, %add3A_222, %lt3A_223 : i32
        %convert_element_type3A_225 = arith.extui %lt3A_224 : i1 to i32
        %cond3A_226 = arith.constant 0 : i32
        %cond3A_227 = arith.cmpi ne, %convert_element_type3A_225, %cond3A_226 : i32
        scf.if %cond3A_227 {
          %add3A_236 = arith.constant 3 : i32
          %add3A_237 = arith.addi %add3A_204, %add3A_236 : i32
          %mul3A_238 = arith.constant 80 : i32
          %mul3A_239 = arith.muli %add3A_237, %mul3A_238 : i32
          %add3A_240 = arith.addi %mul3A_15, %mul3A_239 : i32
          %dma_start3A_241 = tpu.memref_slice %arg4[%add3A_240] : memref<320000xi32, #tpu.memory_space<hbm>> -> memref<80xi32, #tpu.memory_space<hbm>>
          %dma_start3A_242 = tpu.memref_slice %arg4[%add3A_240] : memref<320000xi32, #tpu.memory_space<hbm>> -> memref<80xi32, #tpu.memory_space<hbm>>
          tpu.enqueue_dma source(%dma_start3A_242 : memref<80xi32, #tpu.memory_space<hbm>>) target(%arg9 : memref<80xi32, #tpu.memory_space<vmem>>) target_semaphore(%arg21 : memref<!tpu.dma_semaphore, #tpu.memory_space<semaphore_mem>>)
          %mul3A_243 = arith.constant 80 : i32
          %mul3A_244 = arith.muli %add3A_237, %mul3A_243 : i32
          %add3A_245 = arith.addi %mul3A_15, %mul3A_244 : i32
          %dma_start3A_246 = tpu.memref_slice %arg5[%add3A_245] : memref<320000xi32, #tpu.memory_space<hbm>> -> memref<80xi32, #tpu.memory_space<hbm>>
          %dma_start3A_247 = tpu.memref_slice %arg5[%add3A_245] : memref<320000xi32, #tpu.memory_space<hbm>> -> memref<80xi32, #tpu.memory_space<hbm>>
          tpu.enqueue_dma source(%dma_start3A_247 : memref<80xi32, #tpu.memory_space<hbm>>) target(%arg13 : memref<80xi32, #tpu.memory_space<vmem>>) target_semaphore(%arg25 : memref<!tpu.dma_semaphore, #tpu.memory_space<semaphore_mem>>)
        } else {
        }
        %add3A_228 = arith.constant 2 : i32
        %add3A_229 = arith.addi %add3A_204, %add3A_228 : i32
        %lt3A_230 = arith.constant 250 : i32
        %lt3A_231 = arith.cmpi slt, %add3A_229, %lt3A_230 : i32
        %convert_element_type3A_232 = arith.extui %lt3A_231 : i1 to i32
        %cond3A_233 = arith.constant 0 : i32
        %cond3A_234 = arith.cmpi ne, %convert_element_type3A_232, %cond3A_233 : i32
        scf.if %cond3A_234 {
          %add3A_236 = arith.constant 2 : i32
          %add3A_237 = arith.addi %add3A_204, %add3A_236 : i32
          %mul3A_238 = arith.constant 80 : i32
          %mul3A_239 = arith.muli %add3A_237, %mul3A_238 : i32
          %add3A_240 = arith.addi %mul3A_15, %mul3A_239 : i32
          %dma_wait3A_241 = tpu.memref_slice %arg4[%add3A_240] : memref<320000xi32, #tpu.memory_space<hbm>> -> memref<80xi32, #tpu.memory_space<hbm>>
          %dma_wait3A_242 = tpu.memref_slice %arg4[%add3A_240] : memref<320000xi32, #tpu.memory_space<hbm>> -> memref<80xi32, #tpu.memory_space<hbm>>
          tpu.wait_dma2 semaphore(%arg20 : memref<!tpu.dma_semaphore, #tpu.memory_space<semaphore_mem>>) src(%dma_wait3A_242 : memref<80xi32, #tpu.memory_space<hbm>>) dst(%arg8 : memref<80xi32, #tpu.memory_space<vmem>>)
          %add3A_243 = arith.constant 2 : i32
          %add3A_244 = arith.addi %add3A_204, %add3A_243 : i32
          %dma_start3A_245 = arith.constant 0 : i32
          %dma_start3A_246 = arith.constant 0 : i32
          %dma_start3A_247 = tpu.memref_slice %arg3[%dma_start3A_245, %dma_start3A_246] : memref<10000x128xf32, #tpu.memory_space<hbm>> -> memref<10000x128xf32, #tpu.memory_space<hbm>>
          tpu.enqueue_indirect_dma source(%dma_start3A_247 : memref<10000x128xf32, #tpu.memory_space<hbm>>) target(%arg16 : memref<80x128xf32, #tpu.memory_space<vmem>>) offsets(%arg8 : memref<80xi32, #tpu.memory_space<vmem>>) semaphore(%arg28 : memref<!tpu.dma_semaphore, #tpu.memory_space<semaphore_mem>>)
        } else {
        }
        %scan3A_235 = arith.constant 0 : i32
        scf.yield %scan3A_235 : i32
      }
      %scan3A_69 = arith.constant 62 : i32
      %dma_wait3A_70 = arith.constant 0 : i32
      %dma_wait3A_71 = arith.constant 0 : i32
      %dma_wait3A_72 = tpu.memref_slice %arg3[%dma_wait3A_70, %dma_wait3A_71] : memref<10000x128xf32, #tpu.memory_space<hbm>> -> memref<10000x128xf32, #tpu.memory_space<hbm>>
      tpu.wait_indirect_dma semaphore(%arg27 : memref<!tpu.dma_semaphore, #tpu.memory_space<semaphore_mem>>) src(%dma_wait3A_72 : memref<10000x128xf32, #tpu.memory_space<hbm>>) dst(%arg15 : memref<80x128xf32, #tpu.memory_space<vmem>>)
      %add3A_73 = arith.constant 19840 : i32
      %add3A_74 = arith.addi %mul3A_15, %add3A_73 : i32
      %dma_wait3A_75 = tpu.memref_slice %arg5[%add3A_74] : memref<320000xi32, #tpu.memory_space<hbm>> -> memref<80xi32, #tpu.memory_space<hbm>>
      %dma_wait3A_76 = tpu.memref_slice %arg5[%add3A_74] : memref<320000xi32, #tpu.memory_space<hbm>> -> memref<80xi32, #tpu.memory_space<hbm>>
      tpu.wait_dma2 semaphore(%arg23 : memref<!tpu.dma_semaphore, #tpu.memory_space<semaphore_mem>>) src(%dma_wait3A_76 : memref<80xi32, #tpu.memory_space<hbm>>) dst(%arg11 : memref<80xi32, #tpu.memory_space<vmem>>)
      %dma_start3A_77 = arith.constant 0 : i32
      %dma_start3A_78 = arith.constant 0 : i32
      %dma_start3A_79 = tpu.memref_slice %arg35[%dma_start3A_77, %dma_start3A_78] : memref<10240x128xf32, #tpu.memory_space<vmem_shared>> -> memref<10240x128xf32, #tpu.memory_space<vmem_shared>>
      tpu.enqueue_indirect_dma source(%arg15 : memref<80x128xf32, #tpu.memory_space<vmem>>) target(%dma_start3A_79 : memref<10240x128xf32, #tpu.memory_space<vmem_shared>>) offsets(%arg11 : memref<80xi32, #tpu.memory_space<vmem>>) semaphore(%arg31 : memref<!tpu.dma_semaphore, #tpu.memory_space<semaphore_mem>>) {add = true}
      %dma_wait3A_80 = arith.constant 0 : i32
      %dma_wait3A_81 = arith.constant 0 : i32
      %dma_wait3A_82 = tpu.memref_slice %arg35[%dma_wait3A_80, %dma_wait3A_81] : memref<10240x128xf32, #tpu.memory_space<vmem_shared>> -> memref<10240x128xf32, #tpu.memory_space<vmem_shared>>
      tpu.wait_indirect_dma semaphore(%arg34 : memref<!tpu.dma_semaphore, #tpu.memory_space<semaphore_mem>>) src(%arg18 : memref<80x128xf32, #tpu.memory_space<vmem>>) dst(%dma_wait3A_82 : memref<10240x128xf32, #tpu.memory_space<vmem_shared>>)
      %dma_wait3A_83 = arith.constant 0 : i32
      %dma_wait3A_84 = arith.constant 0 : i32
      %dma_wait3A_85 = tpu.memref_slice %arg3[%dma_wait3A_83, %dma_wait3A_84] : memref<10000x128xf32, #tpu.memory_space<hbm>> -> memref<10000x128xf32, #tpu.memory_space<hbm>>
      tpu.wait_indirect_dma semaphore(%arg28 : memref<!tpu.dma_semaphore, #tpu.memory_space<semaphore_mem>>) src(%dma_wait3A_85 : memref<10000x128xf32, #tpu.memory_space<hbm>>) dst(%arg16 : memref<80x128xf32, #tpu.memory_space<vmem>>)
      %add3A_86 = arith.constant 19920 : i32
      %add3A_87 = arith.addi %mul3A_15, %add3A_86 : i32
      %dma_wait3A_88 = tpu.memref_slice %arg5[%add3A_87] : memref<320000xi32, #tpu.memory_space<hbm>> -> memref<80xi32, #tpu.memory_space<hbm>>
      %dma_wait3A_89 = tpu.memref_slice %arg5[%add3A_87] : memref<320000xi32, #tpu.memory_space<hbm>> -> memref<80xi32, #tpu.memory_space<hbm>>
      tpu.wait_dma2 semaphore(%arg24 : memref<!tpu.dma_semaphore, #tpu.memory_space<semaphore_mem>>) src(%dma_wait3A_89 : memref<80xi32, #tpu.memory_space<hbm>>) dst(%arg12 : memref<80xi32, #tpu.memory_space<vmem>>)
      %dma_start3A_90 = arith.constant 0 : i32
      %dma_start3A_91 = arith.constant 0 : i32
      %dma_start3A_92 = tpu.memref_slice %arg35[%dma_start3A_90, %dma_start3A_91] : memref<10240x128xf32, #tpu.memory_space<vmem_shared>> -> memref<10240x128xf32, #tpu.memory_space<vmem_shared>>
      tpu.enqueue_indirect_dma source(%arg16 : memref<80x128xf32, #tpu.memory_space<vmem>>) target(%dma_start3A_92 : memref<10240x128xf32, #tpu.memory_space<vmem_shared>>) offsets(%arg12 : memref<80xi32, #tpu.memory_space<vmem>>) semaphore(%arg32 : memref<!tpu.dma_semaphore, #tpu.memory_space<semaphore_mem>>) {add = true}
      %dma_wait3A_93 = arith.constant 0 : i32
      %dma_wait3A_94 = arith.constant 0 : i32
      %dma_wait3A_95 = tpu.memref_slice %arg35[%dma_wait3A_93, %dma_wait3A_94] : memref<10240x128xf32, #tpu.memory_space<vmem_shared>> -> memref<10240x128xf32, #tpu.memory_space<vmem_shared>>
      tpu.wait_indirect_dma semaphore(%arg31 : memref<!tpu.dma_semaphore, #tpu.memory_space<semaphore_mem>>) src(%arg15 : memref<80x128xf32, #tpu.memory_space<vmem>>) dst(%dma_wait3A_95 : memref<10240x128xf32, #tpu.memory_space<vmem_shared>>)
      %dma_wait3A_96 = arith.constant 0 : i32
      %dma_wait3A_97 = arith.constant 0 : i32
      %dma_wait3A_98 = tpu.memref_slice %arg35[%dma_wait3A_96, %dma_wait3A_97] : memref<10240x128xf32, #tpu.memory_space<vmem_shared>> -> memref<10240x128xf32, #tpu.memory_space<vmem_shared>>
      tpu.wait_indirect_dma semaphore(%arg32 : memref<!tpu.dma_semaphore, #tpu.memory_space<semaphore_mem>>) src(%arg16 : memref<80x128xf32, #tpu.memory_space<vmem>>) dst(%dma_wait3A_98 : memref<10240x128xf32, #tpu.memory_space<vmem_shared>>)
    } else {
    }
    %barrier3A_23 = arith.constant 0 : index
    tpu.barrier barrier_id(%barrier3A_23)
    %mul3A_24 = arith.constant 640 : i32
    %mul3A_25 = arith.muli %arg1, %mul3A_24 : i32
    %mul3A_26 = arith.constant 640 : i32
    %mul3A_27 = arith.muli %arg1, %mul3A_26 : i32
    "tpu.region"() ({
      %run_scoped3A = tpu.sem_alloc : memref<!tpu.dma_semaphore, #tpu.memory_space<semaphore_mem>>
      %dma_start3A = arith.constant 0 : i32
      %dma_start3A_28 = tpu.memref_slice %arg6[%arg0, %mul3A_27, %dma_start3A] : memref<2x10240x128xf32, #tpu.memory_space<hbm>> -> memref<1x640x128xf32, #tpu.memory_space<hbm>>
      %dma_start3A_29 = tpu.memref_squeeze %dma_start3A_28 : memref<1x640x128xf32, #tpu.memory_space<hbm>> -> memref<640x128xf32, #tpu.memory_space<hbm>>
      %dma_start3A_30 = arith.constant 0 : i32
      %dma_start3A_31 = tpu.memref_slice %arg35[%mul3A_25, %dma_start3A_30] : memref<10240x128xf32, #tpu.memory_space<vmem_shared>> -> memref<640x128xf32, #tpu.memory_space<vmem_shared>>
      tpu.enqueue_dma source(%dma_start3A_31 : memref<640x128xf32, #tpu.memory_space<vmem_shared>>) target(%dma_start3A_29 : memref<640x128xf32, #tpu.memory_space<hbm>>) target_semaphore(%run_scoped3A : memref<!tpu.dma_semaphore, #tpu.memory_space<semaphore_mem>>)
      %dma_wait3A = arith.constant 0 : i32
      %dma_wait3A_32 = tpu.memref_slice %arg6[%arg0, %mul3A_27, %dma_wait3A] : memref<2x10240x128xf32, #tpu.memory_space<hbm>> -> memref<1x640x128xf32, #tpu.memory_space<hbm>>
      %dma_wait3A_33 = tpu.memref_squeeze %dma_wait3A_32 : memref<1x640x128xf32, #tpu.memory_space<hbm>> -> memref<640x128xf32, #tpu.memory_space<hbm>>
      %dma_wait3A_34 = arith.constant 0 : i32
      %dma_wait3A_35 = tpu.memref_slice %arg35[%mul3A_25, %dma_wait3A_34] : memref<10240x128xf32, #tpu.memory_space<vmem_shared>> -> memref<640x128xf32, #tpu.memory_space<vmem_shared>>
      tpu.wait_dma2 semaphore(%run_scoped3A : memref<!tpu.dma_semaphore, #tpu.memory_space<semaphore_mem>>) src(%dma_wait3A_35 : memref<640x128xf32, #tpu.memory_space<vmem_shared>>) dst(%dma_wait3A_33 : memref<640x128xf32, #tpu.memory_space<hbm>>)
      tpu.yield
    }) : () -> ()
    return
  }
}

#map = affine_map<(d0, d1) -> (0)>
module attributes {stable_mosaic.version = 14 : i64} {
  func.func @_cnt_body(%arg0: i32, %arg1: i32, %arg2: memref<320000xi32, #tpu.memory_space<hbm>>, %arg3: memref<327680xf32, #tpu.memory_space<hbm>>, %arg4: memref<10000xi32, #tpu.memory_space<vmem>>, %arg5: memref<10240xf32, #tpu.memory_space<vmem>>) attributes {dimension_semantics = [#tpu.dimension_semantics<core_parallel>, #tpu.dimension_semantics<subcore_parallel>], iteration_bounds = array<i64: 2, 16>, scalar_prefetch = 0 : i64, scratch_operands = 2 : i64, tpu.core_type = #tpu.core_type<sc_vector_subcore>, window_params = [{transform_indices = #map}, {transform_indices = #map}]} {
    %mul3A = arith.constant 2 : i32
    %mul3A_0 = arith.muli %arg1, %mul3A : i32
    %add3A = arith.addi %mul3A_0, %arg0 : i32
    %scan3A = arith.constant 0 : i32
    %scan3A_1 = arith.constant 0 : i32
    %scan3A_2 = arith.constant 640 : i32
    %scan3A_3 = arith.addi %scan3A_1, %scan3A_2 : i32
    %scan3A_4 = arith.constant 1 : i32
    %scan3A_5 = scf.for %scan3A_19 = %scan3A_1 to %scan3A_3 step %scan3A_4 iter_args(%scan3A_20 = %scan3A) -> (i32)  : i32 {
      %broadcast_in_dim3A_21 = arith.constant 0.000000e+00 : f32
      %broadcast_in_dim3A_22 = vector.broadcast %broadcast_in_dim3A_21 : f32 to vector<16xf32>
      %mul3A_23 = arith.constant 16 : i32
      %mul3A_24 = arith.muli %scan3A_19, %mul3A_23 : i32
      %swap3A = arith.index_cast %mul3A_24 : i32 to index
      %swap3A_25 = tpu.vector_load %arg5[%swap3A] {strides = array<i32>} : memref<10240xf32, #tpu.memory_space<vmem>>, vector<16xf32>,
      tpu.vector_store %arg5[%swap3A], %broadcast_in_dim3A_22 {strides = array<i32>} : memref<10240xf32, #tpu.memory_space<vmem>>, vector<16xf32>,
      %scan3A_26 = arith.constant 0 : i32
      scf.yield %scan3A_26 : i32
    }
    %scan3A_6 = arith.constant 640 : i32
    %mul3A_7 = arith.constant 10000 : i32
    %mul3A_8 = arith.muli %add3A, %mul3A_7 : i32
    "tpu.region"() ({
      %run_scoped3A = tpu.sem_alloc : memref<!tpu.dma_semaphore, #tpu.memory_space<semaphore_mem>>
      %dma_start3A = tpu.memref_slice %arg2[%mul3A_8] : memref<320000xi32, #tpu.memory_space<hbm>> -> memref<10000xi32, #tpu.memory_space<hbm>>
      %dma_start3A_19 = tpu.memref_slice %arg2[%mul3A_8] : memref<320000xi32, #tpu.memory_space<hbm>> -> memref<10000xi32, #tpu.memory_space<hbm>>
      tpu.enqueue_dma source(%dma_start3A_19 : memref<10000xi32, #tpu.memory_space<hbm>>) target(%arg4 : memref<10000xi32, #tpu.memory_space<vmem>>) target_semaphore(%run_scoped3A : memref<!tpu.dma_semaphore, #tpu.memory_space<semaphore_mem>>)
      %dma_wait3A = tpu.memref_slice %arg2[%mul3A_8] : memref<320000xi32, #tpu.memory_space<hbm>> -> memref<10000xi32, #tpu.memory_space<hbm>>
      %dma_wait3A_20 = tpu.memref_slice %arg2[%mul3A_8] : memref<320000xi32, #tpu.memory_space<hbm>> -> memref<10000xi32, #tpu.memory_space<hbm>>
      tpu.wait_dma2 semaphore(%run_scoped3A : memref<!tpu.dma_semaphore, #tpu.memory_space<semaphore_mem>>) src(%dma_wait3A_20 : memref<10000xi32, #tpu.memory_space<hbm>>) dst(%arg4 : memref<10000xi32, #tpu.memory_space<vmem>>)
      tpu.yield
    }) : () -> ()
    %broadcast_in_dim3A = arith.constant 1.000000e+00 : f32
    %broadcast_in_dim3A_9 = vector.broadcast %broadcast_in_dim3A : f32 to vector<16xf32>
    %scan3A_10 = arith.constant 0 : i32
    %scan3A_11 = arith.constant 0 : i32
    %scan3A_12 = arith.constant 625 : i32
    %scan3A_13 = arith.addi %scan3A_11, %scan3A_12 : i32
    %scan3A_14 = arith.constant 1 : i32
    %scan3A_15 = scf.for %scan3A_19 = %scan3A_11 to %scan3A_13 step %scan3A_14 iter_args(%scan3A_20 = %scan3A_10) -> (i32)  : i32 {
      %mul3A_21 = arith.constant 16 : i32
      %mul3A_22 = arith.muli %scan3A_19, %mul3A_21 : i32
      %get3A = arith.index_cast %mul3A_22 : i32 to index
      %get3A_23 = tpu.vector_load %arg4[%get3A] {strides = array<i32>} : memref<10000xi32, #tpu.memory_space<vmem>>, vector<16xi32>,
      tpu.vector_store_idx %arg5[%get3A_23], %broadcast_in_dim3A_9 {add = true} : memref<10240xf32, #tpu.memory_space<vmem>>[vector<16xi32>], vector<16xf32>,
      %scan3A_24 = arith.constant 0 : i32
      scf.yield %scan3A_24 : i32
    }
    %scan3A_16 = arith.constant 625 : i32
    %mul3A_17 = arith.constant 10240 : i32
    %mul3A_18 = arith.muli %add3A, %mul3A_17 : i32
    "tpu.region"() ({
      %run_scoped3A = tpu.sem_alloc : memref<!tpu.dma_semaphore, #tpu.memory_space<semaphore_mem>>
      %dma_start3A = tpu.memref_slice %arg3[%mul3A_18] : memref<327680xf32, #tpu.memory_space<hbm>> -> memref<10240xf32, #tpu.memory_space<hbm>>
      %dma_start3A_19 = tpu.memref_slice %arg3[%mul3A_18] : memref<327680xf32, #tpu.memory_space<hbm>> -> memref<10240xf32, #tpu.memory_space<hbm>>
      tpu.enqueue_dma source(%arg5 : memref<10240xf32, #tpu.memory_space<vmem>>) target(%dma_start3A_19 : memref<10240xf32, #tpu.memory_space<hbm>>) target_semaphore(%run_scoped3A : memref<!tpu.dma_semaphore, #tpu.memory_space<semaphore_mem>>)
      %dma_wait3A = tpu.memref_slice %arg3[%mul3A_18] : memref<327680xf32, #tpu.memory_space<hbm>> -> memref<10240xf32, #tpu.memory_space<hbm>>
      %dma_wait3A_20 = tpu.memref_slice %arg3[%mul3A_18] : memref<327680xf32, #tpu.memory_space<hbm>> -> memref<10240xf32, #tpu.memory_space<hbm>>
      tpu.wait_dma2 semaphore(%run_scoped3A : memref<!tpu.dma_semaphore, #tpu.memory_space<semaphore_mem>>) src(%arg5 : memref<10240xf32, #tpu.memory_space<vmem>>) dst(%dma_wait3A_20 : memref<10240xf32, #tpu.memory_space<hbm>>)
      tpu.yield
    }) : () -> ()
    return
  }
}

#map = affine_map<(d0, d1) -> (0, 0)>
#map1 = affine_map<(d0, d1) -> (0)>
#map2 = affine_map<(d0, d1) -> (0, 0, 0)>
module attributes {stable_mosaic.version = 14 : i64} {
  func.func @_agg1_body(%arg0: i32, %arg1: i32, %arg2: memref<10000x128xf32, #tpu.memory_space<hbm>>, %arg3: memref<320000xi32, #tpu.memory_space<hbm>>, %arg4: memref<320000xi32, #tpu.memory_space<hbm>>, %arg5: memref<2x10240x128xf32, #tpu.memory_space<hbm>>, %arg6: memref<80xi32, #tpu.memory_space<vmem>>, %arg7: memref<80xi32, #tpu.memory_space<vmem>>, %arg8: memref<80xi32, #tpu.memory_space<vmem>>, %arg9: memref<80xi32, #tpu.memory_space<vmem>>, %arg10: memref<80xi32, #tpu.memory_space<vmem>>, %arg11: memref<80xi32, #tpu.memory_space<vmem>>, %arg12: memref<80xi32, #tpu.memory_space<vmem>>, %arg13: memref<80xi32, #tpu.memory_space<vmem>>, %arg14: memref<80x128xf32, #tpu.memory_space<vmem>>, %arg15: memref<80x128xf32, #tpu.memory_space<vmem>>, %arg16: memref<80x128xf32, #tpu.memory_space<vmem>>, %arg17: memref<80x128xf32, #tpu.memory_space<vmem>>, %arg18: memref<!tpu.dma_semaphore, #tpu.memory_space<semaphore_mem>>, %arg19: memref<!tpu.dma_semaphore, #tpu.memory_space<semaphore_mem>>, %arg20: memref<!tpu.dma_semaphore, #tpu.memory_space<semaphore_mem>>, %arg21: memref<!tpu.dma_semaphore, #tpu.memory_space<semaphore_mem>>, %arg22: memref<!tpu.dma_semaphore, #tpu.memory_space<semaphore_mem>>, %arg23: memref<!tpu.dma_semaphore, #tpu.memory_space<semaphore_mem>>, %arg24: memref<!tpu.dma_semaphore, #tpu.memory_space<semaphore_mem>>, %arg25: memref<!tpu.dma_semaphore, #tpu.memory_space<semaphore_mem>>, %arg26: memref<!tpu.dma_semaphore, #tpu.memory_space<semaphore_mem>>, %arg27: memref<!tpu.dma_semaphore, #tpu.memory_space<semaphore_mem>>, %arg28: memref<!tpu.dma_semaphore, #tpu.memory_space<semaphore_mem>>, %arg29: memref<!tpu.dma_semaphore, #tpu.memory_space<semaphore_mem>>, %arg30: memref<!tpu.dma_semaphore, #tpu.memory_space<semaphore_mem>>, %arg31: memref<!tpu.dma_semaphore, #tpu.memory_space<semaphore_mem>>, %arg32: memref<!tpu.dma_semaphore, #tpu.memory_space<semaphore_mem>>, %arg33: memref<!tpu.dma_semaphore, #tpu.memory_space<semaphore_mem>>, %arg34: memref<10240x128xf32, #tpu.memory_space<vmem_shared>>) attributes {dimension_semantics = [#tpu.dimension_semantics<core_parallel>, #tpu.dimension_semantics<subcore_parallel>], iteration_bounds = array<i64: 2, 16>, scalar_prefetch = 0 : i64, scratch_operands = 29 : i64, tpu.core_type = #tpu.core_type<sc_vector_subcore>, window_params = [{transform_indices = #map}, {transform_indices = #map1}, {transform_indices = #map1}, {transform_indices = #map2}]} {
    %mul3A = arith.constant 2 : i32
    %mul3A_0 = arith.muli %arg1, %mul3A : i32
    %add3A = arith.addi %mul3A_0, %arg0 : i32
    %scan3A = arith.constant 0 : i32
    %scan3A_1 = arith.constant 0 : i32
    %scan3A_2 = arith.constant 640 : i32
    %scan3A_3 = arith.addi %scan3A_1, %scan3A_2 : i32
    %scan3A_4 = arith.constant 1 : i32
    %scan3A_5 = scf.for %scan3A_82 = %scan3A_1 to %scan3A_3 step %scan3A_4 iter_args(%scan3A_83 = %scan3A) -> (i32)  : i32 {
      %jit3A = arith.constant 8 : i32
      %div3A = arith.divsi %scan3A_82, %jit3A : i32
      %sign3A = arith.constant 0 : i32
      %sign3A_84 = arith.cmpi sgt, %scan3A_82, %sign3A : i32
      %sign3A_85 = arith.extui %sign3A_84 : i1 to i32
      %sign3A_86 = arith.constant 0 : i32
      %sign3A_87 = arith.cmpi slt, %scan3A_82, %sign3A_86 : i32
      %sign3A_88 = arith.extui %sign3A_87 : i1 to i32
      %sign3A_89 = arith.subi %sign3A_85, %sign3A_88 : i32
      %sign3A_90 = arith.constant 0 : i32
      %sign3A_91 = arith.cmpi sgt, %jit3A, %sign3A_90 : i32
      %sign3A_92 = arith.extui %sign3A_91 : i1 to i32
      %sign3A_93 = arith.constant 0 : i32
      %sign3A_94 = arith.cmpi slt, %jit3A, %sign3A_93 : i32
      %sign3A_95 = arith.extui %sign3A_94 : i1 to i32
      %sign3A_96 = arith.subi %sign3A_92, %sign3A_95 : i32
      %ne3A = arith.cmpi ne, %sign3A_89, %sign3A_96 : i32
      %rem3A = arith.remsi %scan3A_82, %jit3A : i32
      %ne3A_97 = arith.constant 0 : i32
      %ne3A_98 = arith.cmpi ne, %rem3A, %ne3A_97 : i32
      %and3A = arith.andi %ne3A, %ne3A_98 : i1
      %sub3A = arith.constant 1 : i32
      %sub3A_99 = arith.subi %div3A, %sub3A : i32
      %select_n3A = arith.select %and3A, %sub3A_99, %div3A : i32
      %jit3A_100 = arith.constant 8 : i32
      %eq3A = arith.constant 0 : i32
      %eq3A_101 = arith.cmpi eq, %jit3A_100, %eq3A : i32
      %jit3A_102 = arith.constant 1 : i32
      %select_n3A_103 = arith.select %eq3A_101, %jit3A_102, %jit3A_100 : i32
      %rem3A_104 = arith.remsi %scan3A_82, %select_n3A_103 : i32
      %ne3A_105 = arith.constant 0 : i32
      %ne3A_106 = arith.cmpi ne, %rem3A_104, %ne3A_105 : i32
      %lt3A = arith.constant 0 : i32
      %lt3A_107 = arith.cmpi slt, %rem3A_104, %lt3A : i32
      %lt3A_108 = arith.constant 0 : i32
      %lt3A_109 = arith.cmpi slt, %select_n3A_103, %lt3A_108 : i32
      %ne3A_110 = arith.xori %lt3A_107, %lt3A_109 : i1
      %and3A_111 = arith.andi %ne3A_110, %ne3A_106 : i1
      %add3A_112 = arith.addi %rem3A_104, %select_n3A_103 : i32
      %select_n3A_113 = arith.select %and3A_111, %add3A_112, %rem3A_104 : i32
      %broadcast_in_dim3A = arith.constant 0.000000e+00 : f32
      %broadcast_in_dim3A_114 = vector.broadcast %broadcast_in_dim3A : f32 to vector<16xf32>
      %mul3A_115 = arith.constant 16 : i32
      %mul3A_116 = arith.muli %select_n3A_113, %mul3A_115 : i32
      %swap3A = arith.index_cast %select_n3A : i32 to index
      %swap3A_117 = arith.index_cast %mul3A_116 : i32 to index
      %swap3A_118 = tpu.vector_load %arg14[%swap3A, %swap3A_117] {strides = array<i32>} : memref<80x128xf32, #tpu.memory_space<vmem>>, vector<16xf32>,
      tpu.vector_store %arg14[%swap3A, %swap3A_117], %broadcast_in_dim3A_114 {strides = array<i32>} : memref<80x128xf32, #tpu.memory_space<vmem>>, vector<16xf32>,
      %scan3A_119 = arith.constant 0 : i32
      scf.yield %scan3A_119 : i32
    }
    %scan3A_6 = arith.constant 640 : i32
    %scan3A_7 = arith.constant 0 : i32
    %scan3A_8 = arith.constant 0 : i32
    %scan3A_9 = arith.constant 8 : i32
    %scan3A_10 = arith.addi %scan3A_8, %scan3A_9 : i32
    %scan3A_11 = arith.constant 1 : i32
    %scan3A_12 = scf.for %scan3A_82 = %scan3A_8 to %scan3A_10 step %scan3A_11 iter_args(%scan3A_83 = %scan3A_7) -> (i32)  : i32 {
      %mul3A_84 = arith.constant 640 : i32
      %mul3A_85 = arith.muli %arg1, %mul3A_84 : i32
      %mul3A_86 = arith.constant 80 : i32
      %mul3A_87 = arith.muli %scan3A_82, %mul3A_86 : i32
      %add3A_88 = arith.addi %mul3A_85, %mul3A_87 : i32
      "tpu.region"() ({
        %run_scoped3A = tpu.sem_alloc : memref<!tpu.dma_semaphore, #tpu.memory_space<semaphore_mem>>
        %dma_start3A_90 = arith.constant 0 : i32
        %dma_start3A_91 = tpu.memref_slice %arg34[%add3A_88, %dma_start3A_90] : memref<10240x128xf32, #tpu.memory_space<vmem_shared>> -> memref<80x128xf32, #tpu.memory_space<vmem_shared>>
        %dma_start3A_92 = arith.constant 0 : i32
        %dma_start3A_93 = tpu.memref_slice %arg34[%add3A_88, %dma_start3A_92] : memref<10240x128xf32, #tpu.memory_space<vmem_shared>> -> memref<80x128xf32, #tpu.memory_space<vmem_shared>>
        tpu.enqueue_dma source(%arg14 : memref<80x128xf32, #tpu.memory_space<vmem>>) target(%dma_start3A_93 : memref<80x128xf32, #tpu.memory_space<vmem_shared>>) target_semaphore(%run_scoped3A : memref<!tpu.dma_semaphore, #tpu.memory_space<semaphore_mem>>)
        %dma_wait3A_94 = arith.constant 0 : i32
        %dma_wait3A_95 = tpu.memref_slice %arg34[%add3A_88, %dma_wait3A_94] : memref<10240x128xf32, #tpu.memory_space<vmem_shared>> -> memref<80x128xf32, #tpu.memory_space<vmem_shared>>
        %dma_wait3A_96 = arith.constant 0 : i32
        %dma_wait3A_97 = tpu.memref_slice %arg34[%add3A_88, %dma_wait3A_96] : memref<10240x128xf32, #tpu.memory_space<vmem_shared>> -> memref<80x128xf32, #tpu.memory_space<vmem_shared>>
        tpu.wait_dma2 semaphore(%run_scoped3A : memref<!tpu.dma_semaphore, #tpu.memory_space<semaphore_mem>>) src(%arg14 : memref<80x128xf32, #tpu.memory_space<vmem>>) dst(%dma_wait3A_97 : memref<80x128xf32, #tpu.memory_space<vmem_shared>>)
        tpu.yield
      }) : () -> ()
      %scan3A_89 = arith.constant 0 : i32
      scf.yield %scan3A_89 : i32
    }
    %scan3A_13 = arith.constant 8 : i32
    %barrier3A = arith.constant 0 : index
    tpu.barrier barrier_id(%barrier3A)
    %mul3A_14 = arith.constant 125 : i32
    %mul3A_15 = arith.muli %add3A, %mul3A_14 : i32
    %mul3A_16 = arith.constant 80 : i32
    %mul3A_17 = arith.muli %mul3A_15, %mul3A_16 : i32
    %add3A_18 = arith.constant 0 : i32
    %add3A_19 = arith.addi %mul3A_17, %add3A_18 : i32
    %dma_start3A = tpu.memref_slice %arg3[%add3A_19] : memref<320000xi32, #tpu.memory_space<hbm>> -> memref<80xi32, #tpu.memory_space<hbm>>
    %dma_start3A_20 = tpu.memref_slice %arg3[%add3A_19] : memref<320000xi32, #tpu.memory_space<hbm>> -> memref<80xi32, #tpu.memory_space<hbm>>
    tpu.enqueue_dma source(%dma_start3A_20 : memref<80xi32, #tpu.memory_space<hbm>>) target(%arg6 : memref<80xi32, #tpu.memory_space<vmem>>) target_semaphore(%arg18 : memref<!tpu.dma_semaphore, #tpu.memory_space<semaphore_mem>>)
    %add3A_21 = arith.constant 0 : i32
    %add3A_22 = arith.addi %mul3A_17, %add3A_21 : i32
    %dma_start3A_23 = tpu.memref_slice %arg4[%add3A_22] : memref<320000xi32, #tpu.memory_space<hbm>> -> memref<80xi32, #tpu.memory_space<hbm>>
    %dma_start3A_24 = tpu.memref_slice %arg4[%add3A_22] : memref<320000xi32, #tpu.memory_space<hbm>> -> memref<80xi32, #tpu.memory_space<hbm>>
    tpu.enqueue_dma source(%dma_start3A_24 : memref<80xi32, #tpu.memory_space<hbm>>) target(%arg10 : memref<80xi32, #tpu.memory_space<vmem>>) target_semaphore(%arg22 : memref<!tpu.dma_semaphore, #tpu.memory_space<semaphore_mem>>)
    %add3A_25 = arith.constant 80 : i32
    %add3A_26 = arith.addi %mul3A_17, %add3A_25 : i32
    %dma_start3A_27 = tpu.memref_slice %arg3[%add3A_26] : memref<320000xi32, #tpu.memory_space<hbm>> -> memref<80xi32, #tpu.memory_space<hbm>>
    %dma_start3A_28 = tpu.memref_slice %arg3[%add3A_26] : memref<320000xi32, #tpu.memory_space<hbm>> -> memref<80xi32, #tpu.memory_space<hbm>>
    tpu.enqueue_dma source(%dma_start3A_28 : memref<80xi32, #tpu.memory_space<hbm>>) target(%arg7 : memref<80xi32, #tpu.memory_space<vmem>>) target_semaphore(%arg19 : memref<!tpu.dma_semaphore, #tpu.memory_space<semaphore_mem>>)
    %add3A_29 = arith.constant 80 : i32
    %add3A_30 = arith.addi %mul3A_17, %add3A_29 : i32
    %dma_start3A_31 = tpu.memref_slice %arg4[%add3A_30] : memref<320000xi32, #tpu.memory_space<hbm>> -> memref<80xi32, #tpu.memory_space<hbm>>
    %dma_start3A_32 = tpu.memref_slice %arg4[%add3A_30] : memref<320000xi32, #tpu.memory_space<hbm>> -> memref<80xi32, #tpu.memory_space<hbm>>
    tpu.enqueue_dma source(%dma_start3A_32 : memref<80xi32, #tpu.memory_space<hbm>>) target(%arg11 : memref<80xi32, #tpu.memory_space<vmem>>) target_semaphore(%arg23 : memref<!tpu.dma_semaphore, #tpu.memory_space<semaphore_mem>>)
    %add3A_33 = arith.constant 160 : i32
    %add3A_34 = arith.addi %mul3A_17, %add3A_33 : i32
    %dma_start3A_35 = tpu.memref_slice %arg3[%add3A_34] : memref<320000xi32, #tpu.memory_space<hbm>> -> memref<80xi32, #tpu.memory_space<hbm>>
    %dma_start3A_36 = tpu.memref_slice %arg3[%add3A_34] : memref<320000xi32, #tpu.memory_space<hbm>> -> memref<80xi32, #tpu.memory_space<hbm>>
    tpu.enqueue_dma source(%dma_start3A_36 : memref<80xi32, #tpu.memory_space<hbm>>) target(%arg8 : memref<80xi32, #tpu.memory_space<vmem>>) target_semaphore(%arg20 : memref<!tpu.dma_semaphore, #tpu.memory_space<semaphore_mem>>)
    %add3A_37 = arith.constant 160 : i32
    %add3A_38 = arith.addi %mul3A_17, %add3A_37 : i32
    %dma_start3A_39 = tpu.memref_slice %arg4[%add3A_38] : memref<320000xi32, #tpu.memory_space<hbm>> -> memref<80xi32, #tpu.memory_space<hbm>>
    %dma_start3A_40 = tpu.memref_slice %arg4[%add3A_38] : memref<320000xi32, #tpu.memory_space<hbm>> -> memref<80xi32, #tpu.memory_space<hbm>>
    tpu.enqueue_dma source(%dma_start3A_40 : memref<80xi32, #tpu.memory_space<hbm>>) target(%arg12 : memref<80xi32, #tpu.memory_space<vmem>>) target_semaphore(%arg24 : memref<!tpu.dma_semaphore, #tpu.memory_space<semaphore_mem>>)
    %add3A_41 = arith.constant 0 : i32
    %add3A_42 = arith.addi %mul3A_17, %add3A_41 : i32
    %dma_wait3A = tpu.memref_slice %arg3[%add3A_42] : memref<320000xi32, #tpu.memory_space<hbm>> -> memref<80xi32, #tpu.memory_space<hbm>>
    %dma_wait3A_43 = tpu.memref_slice %arg3[%add3A_42] : memref<320000xi32, #tpu.memory_space<hbm>> -> memref<80xi32, #tpu.memory_space<hbm>>
    tpu.wait_dma2 semaphore(%arg18 : memref<!tpu.dma_semaphore, #tpu.memory_space<semaphore_mem>>) src(%dma_wait3A_43 : memref<80xi32, #tpu.memory_space<hbm>>) dst(%arg6 : memref<80xi32, #tpu.memory_space<vmem>>)
    %dma_start3A_44 = arith.constant 0 : i32
    %dma_start3A_45 = arith.constant 0 : i32
    %dma_start3A_46 = tpu.memref_slice %arg2[%dma_start3A_44, %dma_start3A_45] : memref<10000x128xf32, #tpu.memory_space<hbm>> -> memref<10000x128xf32, #tpu.memory_space<hbm>>
    tpu.enqueue_indirect_dma source(%dma_start3A_46 : memref<10000x128xf32, #tpu.memory_space<hbm>>) target(%arg14 : memref<80x128xf32, #tpu.memory_space<vmem>>) offsets(%arg6 : memref<80xi32, #tpu.memory_space<vmem>>) semaphore(%arg26 : memref<!tpu.dma_semaphore, #tpu.memory_space<semaphore_mem>>)
    %add3A_47 = arith.constant 80 : i32
    %add3A_48 = arith.addi %mul3A_17, %add3A_47 : i32
    %dma_wait3A_49 = tpu.memref_slice %arg3[%add3A_48] : memref<320000xi32, #tpu.memory_space<hbm>> -> memref<80xi32, #tpu.memory_space<hbm>>
    %dma_wait3A_50 = tpu.memref_slice %arg3[%add3A_48] : memref<320000xi32, #tpu.memory_space<hbm>> -> memref<80xi32, #tpu.memory_space<hbm>>
    tpu.wait_dma2 semaphore(%arg19 : memref<!tpu.dma_semaphore, #tpu.memory_space<semaphore_mem>>) src(%dma_wait3A_50 : memref<80xi32, #tpu.memory_space<hbm>>) dst(%arg7 : memref<80xi32, #tpu.memory_space<vmem>>)
    %dma_start3A_51 = arith.constant 0 : i32
    %dma_start3A_52 = arith.constant 0 : i32
    %dma_start3A_53 = tpu.memref_slice %arg2[%dma_start3A_51, %dma_start3A_52] : memref<10000x128xf32, #tpu.memory_space<hbm>> -> memref<10000x128xf32, #tpu.memory_space<hbm>>
    tpu.enqueue_indirect_dma source(%dma_start3A_53 : memref<10000x128xf32, #tpu.memory_space<hbm>>) target(%arg15 : memref<80x128xf32, #tpu.memory_space<vmem>>) offsets(%arg7 : memref<80xi32, #tpu.memory_space<vmem>>) semaphore(%arg27 : memref<!tpu.dma_semaphore, #tpu.memory_space<semaphore_mem>>)
    %scan3A_54 = arith.constant 0 : i32
    %scan3A_55 = arith.constant 0 : i32
    %scan3A_56 = arith.constant 31 : i32
    %scan3A_57 = arith.addi %scan3A_55, %scan3A_56 : i32
    %scan3A_58 = arith.constant 1 : i32
    %scan3A_59 = scf.for %scan3A_82 = %scan3A_55 to %scan3A_57 step %scan3A_58 iter_args(%scan3A_83 = %scan3A_54) -> (i32)  : i32 {
      %mul3A_84 = arith.constant 4 : i32
      %mul3A_85 = arith.muli %scan3A_82, %mul3A_84 : i32
      %add3A_86 = arith.constant 0 : i32
      %add3A_87 = arith.addi %mul3A_85, %add3A_86 : i32
      %dma_wait3A_88 = arith.constant 0 : i32
      %dma_wait3A_89 = arith.constant 0 : i32
      %dma_wait3A_90 = tpu.memref_slice %arg2[%dma_wait3A_88, %dma_wait3A_89] : memref<10000x128xf32, #tpu.memory_space<hbm>> -> memref<10000x128xf32, #tpu.memory_space<hbm>>
      tpu.wait_indirect_dma semaphore(%arg26 : memref<!tpu.dma_semaphore, #tpu.memory_space<semaphore_mem>>) src(%dma_wait3A_90 : memref<10000x128xf32, #tpu.memory_space<hbm>>) dst(%arg14 : memref<80x128xf32, #tpu.memory_space<vmem>>)
      %mul3A_91 = arith.constant 80 : i32
      %mul3A_92 = arith.muli %add3A_87, %mul3A_91 : i32
      %add3A_93 = arith.addi %mul3A_17, %mul3A_92 : i32
      %dma_wait3A_94 = tpu.memref_slice %arg4[%add3A_93] : memref<320000xi32, #tpu.memory_space<hbm>> -> memref<80xi32, #tpu.memory_space<hbm>>
      %dma_wait3A_95 = tpu.memref_slice %arg4[%add3A_93] : memref<320000xi32, #tpu.memory_space<hbm>> -> memref<80xi32, #tpu.memory_space<hbm>>
      tpu.wait_dma2 semaphore(%arg22 : memref<!tpu.dma_semaphore, #tpu.memory_space<semaphore_mem>>) src(%dma_wait3A_95 : memref<80xi32, #tpu.memory_space<hbm>>) dst(%arg10 : memref<80xi32, #tpu.memory_space<vmem>>)
      %dma_start3A_96 = arith.constant 0 : i32
      %dma_start3A_97 = arith.constant 0 : i32
      %dma_start3A_98 = tpu.memref_slice %arg34[%dma_start3A_96, %dma_start3A_97] : memref<10240x128xf32, #tpu.memory_space<vmem_shared>> -> memref<10240x128xf32, #tpu.memory_space<vmem_shared>>
      tpu.enqueue_indirect_dma source(%arg14 : memref<80x128xf32, #tpu.memory_space<vmem>>) target(%dma_start3A_98 : memref<10240x128xf32, #tpu.memory_space<vmem_shared>>) offsets(%arg10 : memref<80xi32, #tpu.memory_space<vmem>>) semaphore(%arg30 : memref<!tpu.dma_semaphore, #tpu.memory_space<semaphore_mem>>) {add = true}
      %ge3A = arith.constant 1 : i32
      %ge3A_99 = arith.cmpi sge, %add3A_87, %ge3A : i32
      %convert_element_type3A = arith.extui %ge3A_99 : i1 to i32
      %cond3A = arith.constant 0 : i32
      %cond3A_100 = arith.cmpi ne, %convert_element_type3A, %cond3A : i32
      scf.if %cond3A_100 {
        %sub3A = arith.constant 1 : i32
        %sub3A_217 = arith.subi %add3A_87, %sub3A : i32
        %dma_wait3A_218 = arith.constant 0 : i32
        %dma_wait3A_219 = arith.constant 0 : i32
        %dma_wait3A_220 = tpu.memref_slice %arg34[%dma_wait3A_218, %dma_wait3A_219] : memref<10240x128xf32, #tpu.memory_space<vmem_shared>> -> memref<10240x128xf32, #tpu.memory_space<vmem_shared>>
        tpu.wait_indirect_dma semaphore(%arg33 : memref<!tpu.dma_semaphore, #tpu.memory_space<semaphore_mem>>) src(%arg17 : memref<80x128xf32, #tpu.memory_space<vmem>>) dst(%dma_wait3A_220 : memref<10240x128xf32, #tpu.memory_space<vmem_shared>>)
      } else {
      }
      %add3A_101 = arith.constant 3 : i32
      %add3A_102 = arith.addi %add3A_87, %add3A_101 : i32
      %lt3A = arith.constant 125 : i32
      %lt3A_103 = arith.cmpi slt, %add3A_102, %lt3A : i32
      %convert_element_type3A_104 = arith.extui %lt3A_103 : i1 to i32
      %cond3A_105 = arith.constant 0 : i32
      %cond3A_106 = arith.cmpi ne, %convert_element_type3A_104, %cond3A_105 : i32
      scf.if %cond3A_106 {
        %add3A_217 = arith.constant 3 : i32
        %add3A_218 = arith.addi %add3A_87, %add3A_217 : i32
        %mul3A_219 = arith.constant 80 : i32
        %mul3A_220 = arith.muli %add3A_218, %mul3A_219 : i32
        %add3A_221 = arith.addi %mul3A_17, %mul3A_220 : i32
        %dma_start3A_222 = tpu.memref_slice %arg3[%add3A_221] : memref<320000xi32, #tpu.memory_space<hbm>> -> memref<80xi32, #tpu.memory_space<hbm>>
        %dma_start3A_223 = tpu.memref_slice %arg3[%add3A_221] : memref<320000xi32, #tpu.memory_space<hbm>> -> memref<80xi32, #tpu.memory_space<hbm>>
        tpu.enqueue_dma source(%dma_start3A_223 : memref<80xi32, #tpu.memory_space<hbm>>) target(%arg9 : memref<80xi32, #tpu.memory_space<vmem>>) target_semaphore(%arg21 : memref<!tpu.dma_semaphore, #tpu.memory_space<semaphore_mem>>)
        %mul3A_224 = arith.constant 80 : i32
        %mul3A_225 = arith.muli %add3A_218, %mul3A_224 : i32
        %add3A_226 = arith.addi %mul3A_17, %mul3A_225 : i32
        %dma_start3A_227 = tpu.memref_slice %arg4[%add3A_226] : memref<320000xi32, #tpu.memory_space<hbm>> -> memref<80xi32, #tpu.memory_space<hbm>>
        %dma_start3A_228 = tpu.memref_slice %arg4[%add3A_226] : memref<320000xi32, #tpu.memory_space<hbm>> -> memref<80xi32, #tpu.memory_space<hbm>>
        tpu.enqueue_dma source(%dma_start3A_228 : memref<80xi32, #tpu.memory_space<hbm>>) target(%arg13 : memref<80xi32, #tpu.memory_space<vmem>>) target_semaphore(%arg25 : memref<!tpu.dma_semaphore, #tpu.memory_space<semaphore_mem>>)
      } else {
      }
      %add3A_107 = arith.constant 2 : i32
      %add3A_108 = arith.addi %add3A_87, %add3A_107 : i32
      %lt3A_109 = arith.constant 125 : i32
      %lt3A_110 = arith.cmpi slt, %add3A_108, %lt3A_109 : i32
      %convert_element_type3A_111 = arith.extui %lt3A_110 : i1 to i32
      %cond3A_112 = arith.constant 0 : i32
      %cond3A_113 = arith.cmpi ne, %convert_element_type3A_111, %cond3A_112 : i32
      scf.if %cond3A_113 {
        %add3A_217 = arith.constant 2 : i32
        %add3A_218 = arith.addi %add3A_87, %add3A_217 : i32
        %mul3A_219 = arith.constant 80 : i32
        %mul3A_220 = arith.muli %add3A_218, %mul3A_219 : i32
        %add3A_221 = arith.addi %mul3A_17, %mul3A_220 : i32
        %dma_wait3A_222 = tpu.memref_slice %arg3[%add3A_221] : memref<320000xi32, #tpu.memory_space<hbm>> -> memref<80xi32, #tpu.memory_space<hbm>>
        %dma_wait3A_223 = tpu.memref_slice %arg3[%add3A_221] : memref<320000xi32, #tpu.memory_space<hbm>> -> memref<80xi32, #tpu.memory_space<hbm>>
        tpu.wait_dma2 semaphore(%arg20 : memref<!tpu.dma_semaphore, #tpu.memory_space<semaphore_mem>>) src(%dma_wait3A_223 : memref<80xi32, #tpu.memory_space<hbm>>) dst(%arg8 : memref<80xi32, #tpu.memory_space<vmem>>)
        %add3A_224 = arith.constant 2 : i32
        %add3A_225 = arith.addi %add3A_87, %add3A_224 : i32
        %dma_start3A_226 = arith.constant 0 : i32
        %dma_start3A_227 = arith.constant 0 : i32
        %dma_start3A_228 = tpu.memref_slice %arg2[%dma_start3A_226, %dma_start3A_227] : memref<10000x128xf32, #tpu.memory_space<hbm>> -> memref<10000x128xf32, #tpu.memory_space<hbm>>
        tpu.enqueue_indirect_dma source(%dma_start3A_228 : memref<10000x128xf32, #tpu.memory_space<hbm>>) target(%arg16 : memref<80x128xf32, #tpu.memory_space<vmem>>) offsets(%arg8 : memref<80xi32, #tpu.memory_space<vmem>>) semaphore(%arg28 : memref<!tpu.dma_semaphore, #tpu.memory_space<semaphore_mem>>)
      } else {
      }
      %mul3A_114 = arith.constant 4 : i32
      %mul3A_115 = arith.muli %scan3A_82, %mul3A_114 : i32
      %add3A_116 = arith.constant 1 : i32
      %add3A_117 = arith.addi %mul3A_115, %add3A_116 : i32
      %dma_wait3A_118 = arith.constant 0 : i32
      %dma_wait3A_119 = arith.constant 0 : i32
      %dma_wait3A_120 = tpu.memref_slice %arg2[%dma_wait3A_118, %dma_wait3A_119] : memref<10000x128xf32, #tpu.memory_space<hbm>> -> memref<10000x128xf32, #tpu.memory_space<hbm>>
      tpu.wait_indirect_dma semaphore(%arg27 : memref<!tpu.dma_semaphore, #tpu.memory_space<semaphore_mem>>) src(%dma_wait3A_120 : memref<10000x128xf32, #tpu.memory_space<hbm>>) dst(%arg15 : memref<80x128xf32, #tpu.memory_space<vmem>>)
      %mul3A_121 = arith.constant 80 : i32
      %mul3A_122 = arith.muli %add3A_117, %mul3A_121 : i32
      %add3A_123 = arith.addi %mul3A_17, %mul3A_122 : i32
      %dma_wait3A_124 = tpu.memref_slice %arg4[%add3A_123] : memref<320000xi32, #tpu.memory_space<hbm>> -> memref<80xi32, #tpu.memory_space<hbm>>
      %dma_wait3A_125 = tpu.memref_slice %arg4[%add3A_123] : memref<320000xi32, #tpu.memory_space<hbm>> -> memref<80xi32, #tpu.memory_space<hbm>>
      tpu.wait_dma2 semaphore(%arg23 : memref<!tpu.dma_semaphore, #tpu.memory_space<semaphore_mem>>) src(%dma_wait3A_125 : memref<80xi32, #tpu.memory_space<hbm>>) dst(%arg11 : memref<80xi32, #tpu.memory_space<vmem>>)
      %dma_start3A_126 = arith.constant 0 : i32
      %dma_start3A_127 = arith.constant 0 : i32
      %dma_start3A_128 = tpu.memref_slice %arg34[%dma_start3A_126, %dma_start3A_127] : memref<10240x128xf32, #tpu.memory_space<vmem_shared>> -> memref<10240x128xf32, #tpu.memory_space<vmem_shared>>
      tpu.enqueue_indirect_dma source(%arg15 : memref<80x128xf32, #tpu.memory_space<vmem>>) target(%dma_start3A_128 : memref<10240x128xf32, #tpu.memory_space<vmem_shared>>) offsets(%arg11 : memref<80xi32, #tpu.memory_space<vmem>>) semaphore(%arg31 : memref<!tpu.dma_semaphore, #tpu.memory_space<semaphore_mem>>) {add = true}
      %ge3A_129 = arith.constant 1 : i32
      %ge3A_130 = arith.cmpi sge, %add3A_117, %ge3A_129 : i32
      %convert_element_type3A_131 = arith.extui %ge3A_130 : i1 to i32
      %cond3A_132 = arith.constant 0 : i32
      %cond3A_133 = arith.cmpi ne, %convert_element_type3A_131, %cond3A_132 : i32
      scf.if %cond3A_133 {
        %sub3A = arith.constant 1 : i32
        %sub3A_217 = arith.subi %add3A_117, %sub3A : i32
        %dma_wait3A_218 = arith.constant 0 : i32
        %dma_wait3A_219 = arith.constant 0 : i32
        %dma_wait3A_220 = tpu.memref_slice %arg34[%dma_wait3A_218, %dma_wait3A_219] : memref<10240x128xf32, #tpu.memory_space<vmem_shared>> -> memref<10240x128xf32, #tpu.memory_space<vmem_shared>>
        tpu.wait_indirect_dma semaphore(%arg30 : memref<!tpu.dma_semaphore, #tpu.memory_space<semaphore_mem>>) src(%arg14 : memref<80x128xf32, #tpu.memory_space<vmem>>) dst(%dma_wait3A_220 : memref<10240x128xf32, #tpu.memory_space<vmem_shared>>)
      } else {
      }
      %add3A_134 = arith.constant 3 : i32
      %add3A_135 = arith.addi %add3A_117, %add3A_134 : i32
      %lt3A_136 = arith.constant 125 : i32
      %lt3A_137 = arith.cmpi slt, %add3A_135, %lt3A_136 : i32
      %convert_element_type3A_138 = arith.extui %lt3A_137 : i1 to i32
      %cond3A_139 = arith.constant 0 : i32
      %cond3A_140 = arith.cmpi ne, %convert_element_type3A_138, %cond3A_139 : i32
      scf.if %cond3A_140 {
        %add3A_217 = arith.constant 3 : i32
        %add3A_218 = arith.addi %add3A_117, %add3A_217 : i32
        %mul3A_219 = arith.constant 80 : i32
        %mul3A_220 = arith.muli %add3A_218, %mul3A_219 : i32
        %add3A_221 = arith.addi %mul3A_17, %mul3A_220 : i32
        %dma_start3A_222 = tpu.memref_slice %arg3[%add3A_221] : memref<320000xi32, #tpu.memory_space<hbm>> -> memref<80xi32, #tpu.memory_space<hbm>>
        %dma_start3A_223 = tpu.memref_slice %arg3[%add3A_221] : memref<320000xi32, #tpu.memory_space<hbm>> -> memref<80xi32, #tpu.memory_space<hbm>>
        tpu.enqueue_dma source(%dma_start3A_223 : memref<80xi32, #tpu.memory_space<hbm>>) target(%arg6 : memref<80xi32, #tpu.memory_space<vmem>>) target_semaphore(%arg18 : memref<!tpu.dma_semaphore, #tpu.memory_space<semaphore_mem>>)
        %mul3A_224 = arith.constant 80 : i32
        %mul3A_225 = arith.muli %add3A_218, %mul3A_224 : i32
        %add3A_226 = arith.addi %mul3A_17, %mul3A_225 : i32
        %dma_start3A_227 = tpu.memref_slice %arg4[%add3A_226] : memref<320000xi32, #tpu.memory_space<hbm>> -> memref<80xi32, #tpu.memory_space<hbm>>
        %dma_start3A_228 = tpu.memref_slice %arg4[%add3A_226] : memref<320000xi32, #tpu.memory_space<hbm>> -> memref<80xi32, #tpu.memory_space<hbm>>
        tpu.enqueue_dma source(%dma_start3A_228 : memref<80xi32, #tpu.memory_space<hbm>>) target(%arg10 : memref<80xi32, #tpu.memory_space<vmem>>) target_semaphore(%arg22 : memref<!tpu.dma_semaphore, #tpu.memory_space<semaphore_mem>>)
      } else {
      }
      %add3A_141 = arith.constant 2 : i32
      %add3A_142 = arith.addi %add3A_117, %add3A_141 : i32
      %lt3A_143 = arith.constant 125 : i32
      %lt3A_144 = arith.cmpi slt, %add3A_142, %lt3A_143 : i32
      %convert_element_type3A_145 = arith.extui %lt3A_144 : i1 to i32
      %cond3A_146 = arith.constant 0 : i32
      %cond3A_147 = arith.cmpi ne, %convert_element_type3A_145, %cond3A_146 : i32
      scf.if %cond3A_147 {
        %add3A_217 = arith.constant 2 : i32
        %add3A_218 = arith.addi %add3A_117, %add3A_217 : i32
        %mul3A_219 = arith.constant 80 : i32
        %mul3A_220 = arith.muli %add3A_218, %mul3A_219 : i32
        %add3A_221 = arith.addi %mul3A_17, %mul3A_220 : i32
        %dma_wait3A_222 = tpu.memref_slice %arg3[%add3A_221] : memref<320000xi32, #tpu.memory_space<hbm>> -> memref<80xi32, #tpu.memory_space<hbm>>
        %dma_wait3A_223 = tpu.memref_slice %arg3[%add3A_221] : memref<320000xi32, #tpu.memory_space<hbm>> -> memref<80xi32, #tpu.memory_space<hbm>>
        tpu.wait_dma2 semaphore(%arg21 : memref<!tpu.dma_semaphore, #tpu.memory_space<semaphore_mem>>) src(%dma_wait3A_223 : memref<80xi32, #tpu.memory_space<hbm>>) dst(%arg9 : memref<80xi32, #tpu.memory_space<vmem>>)
        %add3A_224 = arith.constant 2 : i32
        %add3A_225 = arith.addi %add3A_117, %add3A_224 : i32
        %dma_start3A_226 = arith.constant 0 : i32
        %dma_start3A_227 = arith.constant 0 : i32
        %dma_start3A_228 = tpu.memref_slice %arg2[%dma_start3A_226, %dma_start3A_227] : memref<10000x128xf32, #tpu.memory_space<hbm>> -> memref<10000x128xf32, #tpu.memory_space<hbm>>
        tpu.enqueue_indirect_dma source(%dma_start3A_228 : memref<10000x128xf32, #tpu.memory_space<hbm>>) target(%arg17 : memref<80x128xf32, #tpu.memory_space<vmem>>) offsets(%arg9 : memref<80xi32, #tpu.memory_space<vmem>>) semaphore(%arg29 : memref<!tpu.dma_semaphore, #tpu.memory_space<semaphore_mem>>)
      } else {
      }
      %mul3A_148 = arith.constant 4 : i32
      %mul3A_149 = arith.muli %scan3A_82, %mul3A_148 : i32
      %add3A_150 = arith.constant 2 : i32
      %add3A_151 = arith.addi %mul3A_149, %add3A_150 : i32
      %dma_wait3A_152 = arith.constant 0 : i32
      %dma_wait3A_153 = arith.constant 0 : i32
      %dma_wait3A_154 = tpu.memref_slice %arg2[%dma_wait3A_152, %dma_wait3A_153] : memref<10000x128xf32, #tpu.memory_space<hbm>> -> memref<10000x128xf32, #tpu.memory_space<hbm>>
      tpu.wait_indirect_dma semaphore(%arg28 : memref<!tpu.dma_semaphore, #tpu.memory_space<semaphore_mem>>) src(%dma_wait3A_154 : memref<10000x128xf32, #tpu.memory_space<hbm>>) dst(%arg16 : memref<80x128xf32, #tpu.memory_space<vmem>>)
      %mul3A_155 = arith.constant 80 : i32
      %mul3A_156 = arith.muli %add3A_151, %mul3A_155 : i32
      %add3A_157 = arith.addi %mul3A_17, %mul3A_156 : i32
      %dma_wait3A_158 = tpu.memref_slice %arg4[%add3A_157] : memref<320000xi32, #tpu.memory_space<hbm>> -> memref<80xi32, #tpu.memory_space<hbm>>
      %dma_wait3A_159 = tpu.memref_slice %arg4[%add3A_157] : memref<320000xi32, #tpu.memory_space<hbm>> -> memref<80xi32, #tpu.memory_space<hbm>>
      tpu.wait_dma2 semaphore(%arg24 : memref<!tpu.dma_semaphore, #tpu.memory_space<semaphore_mem>>) src(%dma_wait3A_159 : memref<80xi32, #tpu.memory_space<hbm>>) dst(%arg12 : memref<80xi32, #tpu.memory_space<vmem>>)
      %dma_start3A_160 = arith.constant 0 : i32
      %dma_start3A_161 = arith.constant 0 : i32
      %dma_start3A_162 = tpu.memref_slice %arg34[%dma_start3A_160, %dma_start3A_161] : memref<10240x128xf32, #tpu.memory_space<vmem_shared>> -> memref<10240x128xf32, #tpu.memory_space<vmem_shared>>
      tpu.enqueue_indirect_dma source(%arg16 : memref<80x128xf32, #tpu.memory_space<vmem>>) target(%dma_start3A_162 : memref<10240x128xf32, #tpu.memory_space<vmem_shared>>) offsets(%arg12 : memref<80xi32, #tpu.memory_space<vmem>>) semaphore(%arg32 : memref<!tpu.dma_semaphore, #tpu.memory_space<semaphore_mem>>) {add = true}
      %ge3A_163 = arith.constant 1 : i32
      %ge3A_164 = arith.cmpi sge, %add3A_151, %ge3A_163 : i32
      %convert_element_type3A_165 = arith.extui %ge3A_164 : i1 to i32
      %cond3A_166 = arith.constant 0 : i32
      %cond3A_167 = arith.cmpi ne, %convert_element_type3A_165, %cond3A_166 : i32
      scf.if %cond3A_167 {
        %sub3A = arith.constant 1 : i32
        %sub3A_217 = arith.subi %add3A_151, %sub3A : i32
        %dma_wait3A_218 = arith.constant 0 : i32
        %dma_wait3A_219 = arith.constant 0 : i32
        %dma_wait3A_220 = tpu.memref_slice %arg34[%dma_wait3A_218, %dma_wait3A_219] : memref<10240x128xf32, #tpu.memory_space<vmem_shared>> -> memref<10240x128xf32, #tpu.memory_space<vmem_shared>>
        tpu.wait_indirect_dma semaphore(%arg31 : memref<!tpu.dma_semaphore, #tpu.memory_space<semaphore_mem>>) src(%arg15 : memref<80x128xf32, #tpu.memory_space<vmem>>) dst(%dma_wait3A_220 : memref<10240x128xf32, #tpu.memory_space<vmem_shared>>)
      } else {
      }
      %add3A_168 = arith.constant 3 : i32
      %add3A_169 = arith.addi %add3A_151, %add3A_168 : i32
      %lt3A_170 = arith.constant 125 : i32
      %lt3A_171 = arith.cmpi slt, %add3A_169, %lt3A_170 : i32
      %convert_element_type3A_172 = arith.extui %lt3A_171 : i1 to i32
      %cond3A_173 = arith.constant 0 : i32
      %cond3A_174 = arith.cmpi ne, %convert_element_type3A_172, %cond3A_173 : i32
      scf.if %cond3A_174 {
        %add3A_217 = arith.constant 3 : i32
        %add3A_218 = arith.addi %add3A_151, %add3A_217 : i32
        %mul3A_219 = arith.constant 80 : i32
        %mul3A_220 = arith.muli %add3A_218, %mul3A_219 : i32
        %add3A_221 = arith.addi %mul3A_17, %mul3A_220 : i32
        %dma_start3A_222 = tpu.memref_slice %arg3[%add3A_221] : memref<320000xi32, #tpu.memory_space<hbm>> -> memref<80xi32, #tpu.memory_space<hbm>>
        %dma_start3A_223 = tpu.memref_slice %arg3[%add3A_221] : memref<320000xi32, #tpu.memory_space<hbm>> -> memref<80xi32, #tpu.memory_space<hbm>>
        tpu.enqueue_dma source(%dma_start3A_223 : memref<80xi32, #tpu.memory_space<hbm>>) target(%arg7 : memref<80xi32, #tpu.memory_space<vmem>>) target_semaphore(%arg19 : memref<!tpu.dma_semaphore, #tpu.memory_space<semaphore_mem>>)
        %mul3A_224 = arith.constant 80 : i32
        %mul3A_225 = arith.muli %add3A_218, %mul3A_224 : i32
        %add3A_226 = arith.addi %mul3A_17, %mul3A_225 : i32
        %dma_start3A_227 = tpu.memref_slice %arg4[%add3A_226] : memref<320000xi32, #tpu.memory_space<hbm>> -> memref<80xi32, #tpu.memory_space<hbm>>
        %dma_start3A_228 = tpu.memref_slice %arg4[%add3A_226] : memref<320000xi32, #tpu.memory_space<hbm>> -> memref<80xi32, #tpu.memory_space<hbm>>
        tpu.enqueue_dma source(%dma_start3A_228 : memref<80xi32, #tpu.memory_space<hbm>>) target(%arg11 : memref<80xi32, #tpu.memory_space<vmem>>) target_semaphore(%arg23 : memref<!tpu.dma_semaphore, #tpu.memory_space<semaphore_mem>>)
      } else {
      }
      %add3A_175 = arith.constant 2 : i32
      %add3A_176 = arith.addi %add3A_151, %add3A_175 : i32
      %lt3A_177 = arith.constant 125 : i32
      %lt3A_178 = arith.cmpi slt, %add3A_176, %lt3A_177 : i32
      %convert_element_type3A_179 = arith.extui %lt3A_178 : i1 to i32
      %cond3A_180 = arith.constant 0 : i32
      %cond3A_181 = arith.cmpi ne, %convert_element_type3A_179, %cond3A_180 : i32
      scf.if %cond3A_181 {
        %add3A_217 = arith.constant 2 : i32
        %add3A_218 = arith.addi %add3A_151, %add3A_217 : i32
        %mul3A_219 = arith.constant 80 : i32
        %mul3A_220 = arith.muli %add3A_218, %mul3A_219 : i32
        %add3A_221 = arith.addi %mul3A_17, %mul3A_220 : i32
        %dma_wait3A_222 = tpu.memref_slice %arg3[%add3A_221] : memref<320000xi32, #tpu.memory_space<hbm>> -> memref<80xi32, #tpu.memory_space<hbm>>
        %dma_wait3A_223 = tpu.memref_slice %arg3[%add3A_221] : memref<320000xi32, #tpu.memory_space<hbm>> -> memref<80xi32, #tpu.memory_space<hbm>>
        tpu.wait_dma2 semaphore(%arg18 : memref<!tpu.dma_semaphore, #tpu.memory_space<semaphore_mem>>) src(%dma_wait3A_223 : memref<80xi32, #tpu.memory_space<hbm>>) dst(%arg6 : memref<80xi32, #tpu.memory_space<vmem>>)
        %add3A_224 = arith.constant 2 : i32
        %add3A_225 = arith.addi %add3A_151, %add3A_224 : i32
        %dma_start3A_226 = arith.constant 0 : i32
        %dma_start3A_227 = arith.constant 0 : i32
        %dma_start3A_228 = tpu.memref_slice %arg2[%dma_start3A_226, %dma_start3A_227] : memref<10000x128xf32, #tpu.memory_space<hbm>> -> memref<10000x128xf32, #tpu.memory_space<hbm>>
        tpu.enqueue_indirect_dma source(%dma_start3A_228 : memref<10000x128xf32, #tpu.memory_space<hbm>>) target(%arg14 : memref<80x128xf32, #tpu.memory_space<vmem>>) offsets(%arg6 : memref<80xi32, #tpu.memory_space<vmem>>) semaphore(%arg26 : memref<!tpu.dma_semaphore, #tpu.memory_space<semaphore_mem>>)
      } else {
      }
      %mul3A_182 = arith.constant 4 : i32
      %mul3A_183 = arith.muli %scan3A_82, %mul3A_182 : i32
      %add3A_184 = arith.constant 3 : i32
      %add3A_185 = arith.addi %mul3A_183, %add3A_184 : i32
      %dma_wait3A_186 = arith.constant 0 : i32
      %dma_wait3A_187 = arith.constant 0 : i32
      %dma_wait3A_188 = tpu.memref_slice %arg2[%dma_wait3A_186, %dma_wait3A_187] : memref<10000x128xf32, #tpu.memory_space<hbm>> -> memref<10000x128xf32, #tpu.memory_space<hbm>>
      tpu.wait_indirect_dma semaphore(%arg29 : memref<!tpu.dma_semaphore, #tpu.memory_space<semaphore_mem>>) src(%dma_wait3A_188 : memref<10000x128xf32, #tpu.memory_space<hbm>>) dst(%arg17 : memref<80x128xf32, #tpu.memory_space<vmem>>)
      %mul3A_189 = arith.constant 80 : i32
      %mul3A_190 = arith.muli %add3A_185, %mul3A_189 : i32
      %add3A_191 = arith.addi %mul3A_17, %mul3A_190 : i32
      %dma_wait3A_192 = tpu.memref_slice %arg4[%add3A_191] : memref<320000xi32, #tpu.memory_space<hbm>> -> memref<80xi32, #tpu.memory_space<hbm>>
      %dma_wait3A_193 = tpu.memref_slice %arg4[%add3A_191] : memref<320000xi32, #tpu.memory_space<hbm>> -> memref<80xi32, #tpu.memory_space<hbm>>
      tpu.wait_dma2 semaphore(%arg25 : memref<!tpu.dma_semaphore, #tpu.memory_space<semaphore_mem>>) src(%dma_wait3A_193 : memref<80xi32, #tpu.memory_space<hbm>>) dst(%arg13 : memref<80xi32, #tpu.memory_space<vmem>>)
      %dma_start3A_194 = arith.constant 0 : i32
      %dma_start3A_195 = arith.constant 0 : i32
      %dma_start3A_196 = tpu.memref_slice %arg34[%dma_start3A_194, %dma_start3A_195] : memref<10240x128xf32, #tpu.memory_space<vmem_shared>> -> memref<10240x128xf32, #tpu.memory_space<vmem_shared>>
      tpu.enqueue_indirect_dma source(%arg17 : memref<80x128xf32, #tpu.memory_space<vmem>>) target(%dma_start3A_196 : memref<10240x128xf32, #tpu.memory_space<vmem_shared>>) offsets(%arg13 : memref<80xi32, #tpu.memory_space<vmem>>) semaphore(%arg33 : memref<!tpu.dma_semaphore, #tpu.memory_space<semaphore_mem>>) {add = true}
      %ge3A_197 = arith.constant 1 : i32
      %ge3A_198 = arith.cmpi sge, %add3A_185, %ge3A_197 : i32
      %convert_element_type3A_199 = arith.extui %ge3A_198 : i1 to i32
      %cond3A_200 = arith.constant 0 : i32
      %cond3A_201 = arith.cmpi ne, %convert_element_type3A_199, %cond3A_200 : i32
      scf.if %cond3A_201 {
        %sub3A = arith.constant 1 : i32
        %sub3A_217 = arith.subi %add3A_185, %sub3A : i32
        %dma_wait3A_218 = arith.constant 0 : i32
        %dma_wait3A_219 = arith.constant 0 : i32
        %dma_wait3A_220 = tpu.memref_slice %arg34[%dma_wait3A_218, %dma_wait3A_219] : memref<10240x128xf32, #tpu.memory_space<vmem_shared>> -> memref<10240x128xf32, #tpu.memory_space<vmem_shared>>
        tpu.wait_indirect_dma semaphore(%arg32 : memref<!tpu.dma_semaphore, #tpu.memory_space<semaphore_mem>>) src(%arg16 : memref<80x128xf32, #tpu.memory_space<vmem>>) dst(%dma_wait3A_220 : memref<10240x128xf32, #tpu.memory_space<vmem_shared>>)
      } else {
      }
      %add3A_202 = arith.constant 3 : i32
      %add3A_203 = arith.addi %add3A_185, %add3A_202 : i32
      %lt3A_204 = arith.constant 125 : i32
      %lt3A_205 = arith.cmpi slt, %add3A_203, %lt3A_204 : i32
      %convert_element_type3A_206 = arith.extui %lt3A_205 : i1 to i32
      %cond3A_207 = arith.constant 0 : i32
      %cond3A_208 = arith.cmpi ne, %convert_element_type3A_206, %cond3A_207 : i32
      scf.if %cond3A_208 {
        %add3A_217 = arith.constant 3 : i32
        %add3A_218 = arith.addi %add3A_185, %add3A_217 : i32
        %mul3A_219 = arith.constant 80 : i32
        %mul3A_220 = arith.muli %add3A_218, %mul3A_219 : i32
        %add3A_221 = arith.addi %mul3A_17, %mul3A_220 : i32
        %dma_start3A_222 = tpu.memref_slice %arg3[%add3A_221] : memref<320000xi32, #tpu.memory_space<hbm>> -> memref<80xi32, #tpu.memory_space<hbm>>
        %dma_start3A_223 = tpu.memref_slice %arg3[%add3A_221] : memref<320000xi32, #tpu.memory_space<hbm>> -> memref<80xi32, #tpu.memory_space<hbm>>
        tpu.enqueue_dma source(%dma_start3A_223 : memref<80xi32, #tpu.memory_space<hbm>>) target(%arg8 : memref<80xi32, #tpu.memory_space<vmem>>) target_semaphore(%arg20 : memref<!tpu.dma_semaphore, #tpu.memory_space<semaphore_mem>>)
        %mul3A_224 = arith.constant 80 : i32
        %mul3A_225 = arith.muli %add3A_218, %mul3A_224 : i32
        %add3A_226 = arith.addi %mul3A_17, %mul3A_225 : i32
        %dma_start3A_227 = tpu.memref_slice %arg4[%add3A_226] : memref<320000xi32, #tpu.memory_space<hbm>> -> memref<80xi32, #tpu.memory_space<hbm>>
        %dma_start3A_228 = tpu.memref_slice %arg4[%add3A_226] : memref<320000xi32, #tpu.memory_space<hbm>> -> memref<80xi32, #tpu.memory_space<hbm>>
        tpu.enqueue_dma source(%dma_start3A_228 : memref<80xi32, #tpu.memory_space<hbm>>) target(%arg12 : memref<80xi32, #tpu.memory_space<vmem>>) target_semaphore(%arg24 : memref<!tpu.dma_semaphore, #tpu.memory_space<semaphore_mem>>)
      } else {
      }
      %add3A_209 = arith.constant 2 : i32
      %add3A_210 = arith.addi %add3A_185, %add3A_209 : i32
      %lt3A_211 = arith.constant 125 : i32
      %lt3A_212 = arith.cmpi slt, %add3A_210, %lt3A_211 : i32
      %convert_element_type3A_213 = arith.extui %lt3A_212 : i1 to i32
      %cond3A_214 = arith.constant 0 : i32
      %cond3A_215 = arith.cmpi ne, %convert_element_type3A_213, %cond3A_214 : i32
      scf.if %cond3A_215 {
        %add3A_217 = arith.constant 2 : i32
        %add3A_218 = arith.addi %add3A_185, %add3A_217 : i32
        %mul3A_219 = arith.constant 80 : i32
        %mul3A_220 = arith.muli %add3A_218, %mul3A_219 : i32
        %add3A_221 = arith.addi %mul3A_17, %mul3A_220 : i32
        %dma_wait3A_222 = tpu.memref_slice %arg3[%add3A_221] : memref<320000xi32, #tpu.memory_space<hbm>> -> memref<80xi32, #tpu.memory_space<hbm>>
        %dma_wait3A_223 = tpu.memref_slice %arg3[%add3A_221] : memref<320000xi32, #tpu.memory_space<hbm>> -> memref<80xi32, #tpu.memory_space<hbm>>
        tpu.wait_dma2 semaphore(%arg19 : memref<!tpu.dma_semaphore, #tpu.memory_space<semaphore_mem>>) src(%dma_wait3A_223 : memref<80xi32, #tpu.memory_space<hbm>>) dst(%arg7 : memref<80xi32, #tpu.memory_space<vmem>>)
        %add3A_224 = arith.constant 2 : i32
        %add3A_225 = arith.addi %add3A_185, %add3A_224 : i32
        %dma_start3A_226 = arith.constant 0 : i32
        %dma_start3A_227 = arith.constant 0 : i32
        %dma_start3A_228 = tpu.memref_slice %arg2[%dma_start3A_226, %dma_start3A_227] : memref<10000x128xf32, #tpu.memory_space<hbm>> -> memref<10000x128xf32, #tpu.memory_space<hbm>>
        tpu.enqueue_indirect_dma source(%dma_start3A_228 : memref<10000x128xf32, #tpu.memory_space<hbm>>) target(%arg15 : memref<80x128xf32, #tpu.memory_space<vmem>>) offsets(%arg7 : memref<80xi32, #tpu.memory_space<vmem>>) semaphore(%arg27 : memref<!tpu.dma_semaphore, #tpu.memory_space<semaphore_mem>>)
      } else {
      }
      %scan3A_216 = arith.constant 0 : i32
      scf.yield %scan3A_216 : i32
    }
    %scan3A_60 = arith.constant 31 : i32
    %dma_wait3A_61 = arith.constant 0 : i32
    %dma_wait3A_62 = arith.constant 0 : i32
    %dma_wait3A_63 = tpu.memref_slice %arg2[%dma_wait3A_61, %dma_wait3A_62] : memref<10000x128xf32, #tpu.memory_space<hbm>> -> memref<10000x128xf32, #tpu.memory_space<hbm>>
    tpu.wait_indirect_dma semaphore(%arg26 : memref<!tpu.dma_semaphore, #tpu.memory_space<semaphore_mem>>) src(%dma_wait3A_63 : memref<10000x128xf32, #tpu.memory_space<hbm>>) dst(%arg14 : memref<80x128xf32, #tpu.memory_space<vmem>>)
    %add3A_64 = arith.constant 9920 : i32
    %add3A_65 = arith.addi %mul3A_17, %add3A_64 : i32
    %dma_wait3A_66 = tpu.memref_slice %arg4[%add3A_65] : memref<320000xi32, #tpu.memory_space<hbm>> -> memref<80xi32, #tpu.memory_space<hbm>>
    %dma_wait3A_67 = tpu.memref_slice %arg4[%add3A_65] : memref<320000xi32, #tpu.memory_space<hbm>> -> memref<80xi32, #tpu.memory_space<hbm>>
    tpu.wait_dma2 semaphore(%arg22 : memref<!tpu.dma_semaphore, #tpu.memory_space<semaphore_mem>>) src(%dma_wait3A_67 : memref<80xi32, #tpu.memory_space<hbm>>) dst(%arg10 : memref<80xi32, #tpu.memory_space<vmem>>)
    %dma_start3A_68 = arith.constant 0 : i32
    %dma_start3A_69 = arith.constant 0 : i32
    %dma_start3A_70 = tpu.memref_slice %arg34[%dma_start3A_68, %dma_start3A_69] : memref<10240x128xf32, #tpu.memory_space<vmem_shared>> -> memref<10240x128xf32, #tpu.memory_space<vmem_shared>>
    tpu.enqueue_indirect_dma source(%arg14 : memref<80x128xf32, #tpu.memory_space<vmem>>) target(%dma_start3A_70 : memref<10240x128xf32, #tpu.memory_space<vmem_shared>>) offsets(%arg10 : memref<80xi32, #tpu.memory_space<vmem>>) semaphore(%arg30 : memref<!tpu.dma_semaphore, #tpu.memory_space<semaphore_mem>>) {add = true}
    %dma_wait3A_71 = arith.constant 0 : i32
    %dma_wait3A_72 = arith.constant 0 : i32
    %dma_wait3A_73 = tpu.memref_slice %arg34[%dma_wait3A_71, %dma_wait3A_72] : memref<10240x128xf32, #tpu.memory_space<vmem_shared>> -> memref<10240x128xf32, #tpu.memory_space<vmem_shared>>
    tpu.wait_indirect_dma semaphore(%arg33 : memref<!tpu.dma_semaphore, #tpu.memory_space<semaphore_mem>>) src(%arg17 : memref<80x128xf32, #tpu.memory_space<vmem>>) dst(%dma_wait3A_73 : memref<10240x128xf32, #tpu.memory_space<vmem_shared>>)
    %dma_wait3A_74 = arith.constant 0 : i32
    %dma_wait3A_75 = arith.constant 0 : i32
    %dma_wait3A_76 = tpu.memref_slice %arg34[%dma_wait3A_74, %dma_wait3A_75] : memref<10240x128xf32, #tpu.memory_space<vmem_shared>> -> memref<10240x128xf32, #tpu.memory_space<vmem_shared>>
    tpu.wait_indirect_dma semaphore(%arg30 : memref<!tpu.dma_semaphore, #tpu.memory_space<semaphore_mem>>) src(%arg14 : memref<80x128xf32, #tpu.memory_space<vmem>>) dst(%dma_wait3A_76 : memref<10240x128xf32, #tpu.memory_space<vmem_shared>>)
    %barrier3A_77 = arith.constant 0 : index
    tpu.barrier barrier_id(%barrier3A_77)
    %mul3A_78 = arith.constant 640 : i32
    %mul3A_79 = arith.muli %arg1, %mul3A_78 : i32
    %mul3A_80 = arith.constant 640 : i32
    %mul3A_81 = arith.muli %arg1, %mul3A_80 : i32
    "tpu.region"() ({
      %run_scoped3A = tpu.sem_alloc : memref<!tpu.dma_semaphore, #tpu.memory_space<semaphore_mem>>
      %dma_start3A_82 = arith.constant 0 : i32
      %dma_start3A_83 = tpu.memref_slice %arg5[%arg0, %mul3A_81, %dma_start3A_82] : memref<2x10240x128xf32, #tpu.memory_space<hbm>> -> memref<1x640x128xf32, #tpu.memory_space<hbm>>
      %dma_start3A_84 = tpu.memref_squeeze %dma_start3A_83 : memref<1x640x128xf32, #tpu.memory_space<hbm>> -> memref<640x128xf32, #tpu.memory_space<hbm>>
      %dma_start3A_85 = arith.constant 0 : i32
      %dma_start3A_86 = tpu.memref_slice %arg34[%mul3A_79, %dma_start3A_85] : memref<10240x128xf32, #tpu.memory_space<vmem_shared>> -> memref<640x128xf32, #tpu.memory_space<vmem_shared>>
      tpu.enqueue_dma source(%dma_start3A_86 : memref<640x128xf32, #tpu.memory_space<vmem_shared>>) target(%dma_start3A_84 : memref<640x128xf32, #tpu.memory_space<hbm>>) target_semaphore(%run_scoped3A : memref<!tpu.dma_semaphore, #tpu.memory_space<semaphore_mem>>)
      %dma_wait3A_87 = arith.constant 0 : i32
      %dma_wait3A_88 = tpu.memref_slice %arg5[%arg0, %mul3A_81, %dma_wait3A_87] : memref<2x10240x128xf32, #tpu.memory_space<hbm>> -> memref<1x640x128xf32, #tpu.memory_space<hbm>>
      %dma_wait3A_89 = tpu.memref_squeeze %dma_wait3A_88 : memref<1x640x128xf32, #tpu.memory_space<hbm>> -> memref<640x128xf32, #tpu.memory_space<hbm>>
      %dma_wait3A_90 = arith.constant 0 : i32
      %dma_wait3A_91 = tpu.memref_slice %arg34[%mul3A_79, %dma_wait3A_90] : memref<10240x128xf32, #tpu.memory_space<vmem_shared>> -> memref<640x128xf32, #tpu.memory_space<vmem_shared>>
      tpu.wait_dma2 semaphore(%run_scoped3A : memref<!tpu.dma_semaphore, #tpu.memory_space<semaphore_mem>>) src(%dma_wait3A_91 : memref<640x128xf32, #tpu.memory_space<vmem_shared>>) dst(%dma_wait3A_89 : memref<640x128xf32, #tpu.memory_space<hbm>>)
      tpu.yield
    }) : () -> ()
    return
  }
}

module attributes {stable_mosaic.version = 14 : i64} {
  func.func @_tc1_body(%arg0: i32, %arg1: memref<400x128xf32, #tpu.memory_space<vmem>>, %arg2: memref<2x400x128xf32, #tpu.memory_space<vmem>>, %arg3: memref<400x32xf32, #tpu.memory_space<vmem>>, %arg4: memref<256x128xf32, #tpu.memory_space<vmem>>, %arg5: memref<256x128xf32, #tpu.memory_space<vmem>>, %arg6: memref<1x256xf32, #tpu.memory_space<vmem>>, %arg7: memref<400x128xf32, #tpu.memory_space<vmem>>, %arg8: memref<400x128xf32, #tpu.memory_space<vmem>>) attributes {dimension_semantics = [#tpu.dimension_semantics<arbitrary>], iteration_bounds = array<i64: 25>, scalar_prefetch = 0 : i64, scratch_operands = 0 : i64, tpu.core_type = #tpu.core_type<tc>, window_params = [{transform_indices = @transform_0, window_bounds = array<i64: 400, 128>}, {transform_indices = @transform_1, window_bounds = array<i64: 2, 400, 128>}, {transform_indices = @transform_2, window_bounds = array<i64: 400, 32>}, {pipeline_mode = #tpu.pipeline_mode<synchronous>, transform_indices = @transform_3, window_bounds = array<i64: 256, 128>}, {pipeline_mode = #tpu.pipeline_mode<synchronous>, transform_indices = @transform_4, window_bounds = array<i64: 256, 128>}, {pipeline_mode = #tpu.pipeline_mode<synchronous>, transform_indices = @transform_5, window_bounds = array<i64: 1, 256>}, {transform_indices = @transform_6, window_bounds = array<i64: 400, 128>}, {transform_indices = @transform_7, window_bounds = array<i64: 400, 128>}]} {
    %get3A = arith.constant 0 : index
    %get3A_0 = arith.constant 0 : index
    %get3A_1 = vector.load %arg3[%get3A, %get3A_0] : memref<400x32xf32, #tpu.memory_space<vmem>>, vector<400x32xf32>
    %reduce_sum3A = arith.constant dense<0.000000e+00> : vector<400xf32>
    %reduce_sum3A_2 = vector.multi_reduction <add>, %get3A_1, %reduce_sum3A [1] : vector<400x32xf32> to vector<400xf32>
    %max3A = arith.constant 1.000000e+00 : f32
    %max3A_3 = vector.broadcast %max3A : f32 to vector<400xf32>
    %max3A_4 = arith.maximumf %reduce_sum3A_2, %max3A_3 : vector<400xf32>
    %div3A = arith.constant 1.000000e+00 : f32
    %div3A_5 = vector.broadcast %div3A : f32 to vector<400xf32>
    %div3A_6 = arith.divf %div3A_5, %max3A_4 : vector<400xf32>
    %get3A_7 = arith.constant 0 : index
    %get3A_8 = arith.constant 0 : index
    %get3A_9 = arith.constant 0 : index
    %get3A_10 = vector.load %arg2[%get3A_7, %get3A_8, %get3A_9] : memref<2x400x128xf32, #tpu.memory_space<vmem>>, vector<1x400x128xf32>
    %get3A_11 = vector.shape_cast %get3A_10 : vector<1x400x128xf32> to vector<400x128xf32>
    %get3A_12 = arith.constant 1 : index
    %get3A_13 = arith.constant 0 : index
    %get3A_14 = arith.constant 0 : index
    %get3A_15 = vector.load %arg2[%get3A_12, %get3A_13, %get3A_14] : memref<2x400x128xf32, #tpu.memory_space<vmem>>, vector<1x400x128xf32>
    %get3A_16 = vector.shape_cast %get3A_15 : vector<1x400x128xf32> to vector<400x128xf32>
    %add3A = arith.addf %get3A_11, %get3A_16 : vector<400x128xf32>
    %broadcast_in_dim3A = vector.shape_cast %div3A_6 : vector<400xf32> to vector<400x1xf32>
    %mul3A = vector.broadcast %broadcast_in_dim3A : vector<400x1xf32> to vector<400x128xf32>
    %mul3A_17 = arith.mulf %add3A, %mul3A : vector<400x128xf32>
    %get3A_18 = arith.constant 0 : index
    %get3A_19 = arith.constant 0 : index
    %get3A_20 = vector.load %arg4[%get3A_18, %get3A_19] : memref<256x128xf32, #tpu.memory_space<vmem>>, vector<256x128xf32>
    %dot_general3A = arith.constant dense<0.000000e+00> : vector<400x256xf32>
    %dot_general3A_21 = tpu.matmul %mul3A_17, %get3A_20, %dot_general3A {dimension_numbers = #tpu.dot_dimension_numbers<[1], [1], [0], [0], [0, 0, 1, 0], [], []>, transpose_lhs_hint = false} : vector<400x128xf32>, vector<256x128xf32>, vector<400x256xf32> -> vector<400x256xf32>
    %get3A_22 = arith.constant 0 : index
    %get3A_23 = arith.constant 0 : index
    %get3A_24 = vector.load %arg1[%get3A_22, %get3A_23] : memref<400x128xf32, #tpu.memory_space<vmem>>, vector<400x128xf32>
    %get3A_25 = arith.constant 0 : index
    %get3A_26 = arith.constant 0 : index
    %get3A_27 = vector.load %arg5[%get3A_25, %get3A_26] : memref<256x128xf32, #tpu.memory_space<vmem>>, vector<256x128xf32>
    %dot_general3A_28 = arith.constant dense<0.000000e+00> : vector<400x256xf32>
    %dot_general3A_29 = tpu.matmul %get3A_24, %get3A_27, %dot_general3A_28 {dimension_numbers = #tpu.dot_dimension_numbers<[1], [1], [0], [0], [0, 0, 1, 0], [], []>, transpose_lhs_hint = false} : vector<400x128xf32>, vector<256x128xf32>, vector<400x256xf32> -> vector<400x256xf32>
    %add3A_30 = arith.addf %dot_general3A_21, %dot_general3A_29 : vector<400x256xf32>
    %get3A_31 = arith.constant 0 : index
    %get3A_32 = arith.constant 0 : index
    %get3A_33 = vector.load %arg6[%get3A_31, %get3A_32] : memref<1x256xf32, #tpu.memory_space<vmem>>, vector<1x256xf32>
    %get3A_34 = vector.shape_cast %get3A_33 : vector<1x256xf32> to vector<256xf32>
    %broadcast_in_dim3A_35 = vector.shape_cast %get3A_34 : vector<256xf32> to vector<1x256xf32>
    %add3A_36 = vector.broadcast %broadcast_in_dim3A_35 : vector<1x256xf32> to vector<400x256xf32>
    %add3A_37 = arith.addf %add3A_30, %add3A_36 : vector<400x256xf32>
    %max3A_38 = arith.constant 0.000000e+00 : f32
    %max3A_39 = vector.broadcast %max3A_38 : f32 to vector<400x256xf32>
    %max3A_40 = arith.maximumf %add3A_37, %max3A_39 : vector<400x256xf32>
    %slice3A = vector.extract_strided_slice %max3A_40 {offsets = [0, 0], sizes = [400, 128], strides = [1, 1]} : vector<400x256xf32> to vector<400x128xf32>
    %swap3A = arith.constant 0 : index
    %swap3A_41 = arith.constant 0 : index
    %swap3A_42 = vector.load %arg7[%swap3A, %swap3A_41] : memref<400x128xf32, #tpu.memory_space<vmem>>, vector<400x128xf32>
    tpu.vector_store %arg7[%swap3A, %swap3A_41], %slice3A {strides = array<i32>} : memref<400x128xf32, #tpu.memory_space<vmem>>, vector<400x128xf32>,
    %slice3A_43 = vector.extract_strided_slice %max3A_40 {offsets = [0, 128], sizes = [400, 128], strides = [1, 1]} : vector<400x256xf32> to vector<400x128xf32>
    %swap3A_44 = arith.constant 0 : index
    %swap3A_45 = arith.constant 0 : index
    %swap3A_46 = vector.load %arg8[%swap3A_44, %swap3A_45] : memref<400x128xf32, #tpu.memory_space<vmem>>, vector<400x128xf32>
    tpu.vector_store %arg8[%swap3A_44, %swap3A_45], %slice3A_43 {strides = array<i32>} : memref<400x128xf32, #tpu.memory_space<vmem>>, vector<400x128xf32>,
    return
  }
  func.func @transform_0(%arg0: i32) -> (i32, i32) {
    %c0_i32 = arith.constant 0 : i32
    %c0_i32_0 = arith.constant 0 : i32
    return %arg0, %c0_i32 : i32, i32
  }
  func.func @transform_1(%arg0: i32) -> (i32, i32, i32) {
    %c0_i32 = arith.constant 0 : i32
    %c0_i32_0 = arith.constant 0 : i32
    %c0_i32_1 = arith.constant 0 : i32
    return %c0_i32, %arg0, %c0_i32_0 : i32, i32, i32
  }
  func.func @transform_2(%arg0: i32) -> (i32, i32) {
    %c0_i32 = arith.constant 0 : i32
    %c0_i32_0 = arith.constant 0 : i32
    return %arg0, %c0_i32 : i32, i32
  }
  func.func @transform_3(%arg0: i32) -> (i32, i32) {
    %c0_i32 = arith.constant 0 : i32
    %c0_i32_0 = arith.constant 0 : i32
    %c0_i32_1 = arith.constant 0 : i32
    return %c0_i32, %c0_i32_0 : i32, i32
  }
  func.func @transform_4(%arg0: i32) -> (i32, i32) {
    %c0_i32 = arith.constant 0 : i32
    %c0_i32_0 = arith.constant 0 : i32
    %c0_i32_1 = arith.constant 0 : i32
    return %c0_i32, %c0_i32_0 : i32, i32
  }
  func.func @transform_5(%arg0: i32) -> (i32, i32) {
    %c0_i32 = arith.constant 0 : i32
    %c0_i32_0 = arith.constant 0 : i32
    %c0_i32_1 = arith.constant 0 : i32
    return %c0_i32, %c0_i32_0 : i32, i32
  }
  func.func @transform_6(%arg0: i32) -> (i32, i32) {
    %c0_i32 = arith.constant 0 : i32
    %c0_i32_0 = arith.constant 0 : i32
    return %arg0, %c0_i32 : i32, i32
  }
  func.func @transform_7(%arg0: i32) -> (i32, i32) {
    %c0_i32 = arith.constant 0 : i32
    %c0_i32_0 = arith.constant 0 : i32
    return %arg0, %c0_i32 : i32, i32
  }
}

module attributes {stable_mosaic.version = 14 : i64} {
  func.func @_tc2_body(%arg0: i32, %arg1: memref<2x400x128xf32, #tpu.memory_space<vmem>>, %arg2: memref<400x128xf32, #tpu.memory_space<vmem>>, %arg3: memref<400x128xf32, #tpu.memory_space<vmem>>, %arg4: memref<400x32xf32, #tpu.memory_space<vmem>>, %arg5: memref<400x1xi32, #tpu.memory_space<vmem>>, %arg6: memref<256x256xf32, #tpu.memory_space<vmem>>, %arg7: memref<256x256xf32, #tpu.memory_space<vmem>>, %arg8: memref<1x256xf32, #tpu.memory_space<vmem>>, %arg9: memref<256x256xf32, #tpu.memory_space<vmem>>, %arg10: memref<1x256xf32, #tpu.memory_space<vmem>>, %arg11: memref<10x256xf32, #tpu.memory_space<vmem>>, %arg12: memref<1x10xf32, #tpu.memory_space<vmem>>, %arg13: memref<16x10xf32, #tpu.memory_space<vmem>>, %arg14: memref<2x16x128xf32, #tpu.memory_space<vmem>>, %arg15: memref<2x16x128xf32, #tpu.memory_space<vmem>>, %arg16: memref<1x16xf32, #tpu.memory_space<vmem>>) attributes {dimension_semantics = [#tpu.dimension_semantics<arbitrary>], iteration_bounds = array<i64: 25>, scalar_prefetch = 0 : i64, scratch_operands = 3 : i64, tpu.core_type = #tpu.core_type<tc>, window_params = [{transform_indices = @transform_0, window_bounds = array<i64: 2, 400, 128>}, {transform_indices = @transform_1, window_bounds = array<i64: 400, 128>}, {transform_indices = @transform_2, window_bounds = array<i64: 400, 128>}, {transform_indices = @transform_3, window_bounds = array<i64: 400, 32>}, {transform_indices = @transform_4, window_bounds = array<i64: 400, 1>}, {pipeline_mode = #tpu.pipeline_mode<synchronous>, transform_indices = @transform_5, window_bounds = array<i64: 256, 256>}, {pipeline_mode = #tpu.pipeline_mode<synchronous>, transform_indices = @transform_6, window_bounds = array<i64: 256, 256>}, {pipeline_mode = #tpu.pipeline_mode<synchronous>, transform_indices = @transform_7, window_bounds = array<i64: 1, 256>}, {pipeline_mode = #tpu.pipeline_mode<synchronous>, transform_indices = @transform_8, window_bounds = array<i64: 256, 256>}, {pipeline_mode = #tpu.pipeline_mode<synchronous>, transform_indices = @transform_9, window_bounds = array<i64: 1, 256>}, {pipeline_mode = #tpu.pipeline_mode<synchronous>, transform_indices = @transform_10, window_bounds = array<i64: 10, 256>}, {pipeline_mode = #tpu.pipeline_mode<synchronous>, transform_indices = @transform_11, window_bounds = array<i64: 1, 10>}, {pipeline_mode = #tpu.pipeline_mode<synchronous>, transform_indices = @transform_12, window_bounds = array<i64: 16, 10>}]} {
    %eq3A = arith.constant 0 : i32
    %eq3A_0 = arith.cmpi eq, %arg0, %eq3A : i32
    %convert_element_type3A = arith.extui %eq3A_0 : i1 to i32
    %cond3A = arith.constant 0 : i32
    %cond3A_1 = arith.cmpi ne, %convert_element_type3A, %cond3A : i32
    scf.if %cond3A_1 {
      %broadcast_in_dim3A_106 = arith.constant 0.000000e+00 : f32
      %broadcast_in_dim3A_107 = vector.broadcast %broadcast_in_dim3A_106 : f32 to vector<2x16x128xf32>
      %swap3A_108 = arith.constant 0 : index
      %swap3A_109 = arith.constant 0 : index
      %swap3A_110 = arith.constant 0 : index
      %swap3A_111 = vector.load %arg14[%swap3A_108, %swap3A_109, %swap3A_110] : memref<2x16x128xf32, #tpu.memory_space<vmem>>, vector<2x16x128xf32>
      tpu.vector_store %arg14[%swap3A_108, %swap3A_109, %swap3A_110], %broadcast_in_dim3A_107 {strides = array<i32>} : memref<2x16x128xf32, #tpu.memory_space<vmem>>, vector<2x16x128xf32>,
      %broadcast_in_dim3A_112 = arith.constant 0.000000e+00 : f32
      %broadcast_in_dim3A_113 = vector.broadcast %broadcast_in_dim3A_112 : f32 to vector<2x16x128xf32>
      %swap3A_114 = arith.constant 0 : index
      %swap3A_115 = arith.constant 0 : index
      %swap3A_116 = arith.constant 0 : index
      %swap3A_117 = vector.load %arg15[%swap3A_114, %swap3A_115, %swap3A_116] : memref<2x16x128xf32, #tpu.memory_space<vmem>>, vector<2x16x128xf32>
      tpu.vector_store %arg15[%swap3A_114, %swap3A_115, %swap3A_116], %broadcast_in_dim3A_113 {strides = array<i32>} : memref<2x16x128xf32, #tpu.memory_space<vmem>>, vector<2x16x128xf32>,
      %broadcast_in_dim3A_118 = arith.constant 0.000000e+00 : f32
      %broadcast_in_dim3A_119 = vector.broadcast %broadcast_in_dim3A_118 : f32 to vector<1x16xf32>
      %swap3A_120 = arith.constant 0 : index
      %swap3A_121 = arith.constant 0 : index
      %swap3A_122 = vector.load %arg16[%swap3A_120, %swap3A_121] : memref<1x16xf32, #tpu.memory_space<vmem>>, vector<1x16xf32>
      tpu.vector_store %arg16[%swap3A_120, %swap3A_121], %broadcast_in_dim3A_119 {strides = array<i32>} : memref<1x16xf32, #tpu.memory_space<vmem>>, vector<1x16xf32>,
    } else {
    }
    %get3A = arith.constant 0 : index
    %get3A_2 = arith.constant 0 : index
    %get3A_3 = vector.load %arg5[%get3A, %get3A_2] : memref<400x1xi32, #tpu.memory_space<vmem>>, vector<400x1xi32>
    %iota3A = tpu.iota {dimensions = array<i32: 1>} : vector<400x16xi32>
    %eq3A_4 = vector.broadcast %get3A_3 : vector<400x1xi32> to vector<400x16xi32>
    %eq3A_5 = arith.cmpi eq, %eq3A_4, %iota3A : vector<400x16xi32>
    %convert_element_type3A_6 = arith.extui %eq3A_5 : vector<400x16xi1> to vector<400x16xi32>
    %convert_element_type3A_7 = arith.sitofp %convert_element_type3A_6 : vector<400x16xi32> to vector<400x16xf32>
    %get3A_8 = arith.constant 0 : index
    %get3A_9 = arith.constant 0 : index
    %get3A_10 = vector.load %arg4[%get3A_8, %get3A_9] : memref<400x32xf32, #tpu.memory_space<vmem>>, vector<400x32xf32>
    %reduce_sum3A = arith.constant dense<0.000000e+00> : vector<400xf32>
    %reduce_sum3A_11 = vector.multi_reduction <add>, %get3A_10, %reduce_sum3A [1] : vector<400x32xf32> to vector<400xf32>
    %max3A = arith.constant 1.000000e+00 : f32
    %max3A_12 = vector.broadcast %max3A : f32 to vector<400xf32>
    %max3A_13 = arith.maximumf %reduce_sum3A_11, %max3A_12 : vector<400xf32>
    %div3A = arith.constant 1.000000e+00 : f32
    %div3A_14 = vector.broadcast %div3A : f32 to vector<400xf32>
    %div3A_15 = arith.divf %div3A_14, %max3A_13 : vector<400xf32>
    %get3A_16 = arith.constant 0 : index
    %get3A_17 = arith.constant 0 : index
    %get3A_18 = arith.constant 0 : index
    %get3A_19 = vector.load %arg14[%get3A_16, %get3A_17, %get3A_18] : memref<2x16x128xf32, #tpu.memory_space<vmem>>, vector<1x16x128xf32>
    %get3A_20 = vector.shape_cast %get3A_19 : vector<1x16x128xf32> to vector<16x128xf32>
    %get3A_21 = arith.constant 0 : index
    %get3A_22 = arith.constant 0 : index
    %get3A_23 = arith.constant 0 : index
    %get3A_24 = vector.load %arg1[%get3A_21, %get3A_22, %get3A_23] : memref<2x400x128xf32, #tpu.memory_space<vmem>>, vector<1x400x128xf32>
    %get3A_25 = vector.shape_cast %get3A_24 : vector<1x400x128xf32> to vector<400x128xf32>
    %broadcast_in_dim3A = vector.shape_cast %div3A_15 : vector<400xf32> to vector<400x1xf32>
    %mul3A = vector.broadcast %broadcast_in_dim3A : vector<400x1xf32> to vector<400x128xf32>
    %mul3A_26 = arith.mulf %get3A_25, %mul3A : vector<400x128xf32>
    %dot_general3A = arith.constant dense<0.000000e+00> : vector<16x128xf32>
    %dot_general3A_27 = tpu.matmul %convert_element_type3A_7, %mul3A_26, %dot_general3A {dimension_numbers = #tpu.dot_dimension_numbers<[0], [0], [1], [1], [0, 1, 1, 1], [], []>, transpose_lhs_hint = false} : vector<400x16xf32>, vector<400x128xf32>, vector<16x128xf32> -> vector<16x128xf32>
    %add3A = arith.addf %get3A_20, %dot_general3A_27 : vector<16x128xf32>
    %swap3A = arith.constant 0 : index
    %swap3A_28 = arith.constant 0 : index
    %swap3A_29 = arith.constant 0 : index
    %swap3A_30 = vector.load %arg14[%swap3A, %swap3A_28, %swap3A_29] : memref<2x16x128xf32, #tpu.memory_space<vmem>>, vector<1x16x128xf32>
    %swap3A_31 = vector.shape_cast %swap3A_30 : vector<1x16x128xf32> to vector<16x128xf32>
    %swap3A_32 = vector.shape_cast %add3A : vector<16x128xf32> to vector<1x16x128xf32>
    tpu.vector_store %arg14[%swap3A, %swap3A_28, %swap3A_29], %swap3A_32 {strides = array<i32>} : memref<2x16x128xf32, #tpu.memory_space<vmem>>, vector<1x16x128xf32>,
    %get3A_33 = arith.constant 1 : index
    %get3A_34 = arith.constant 0 : index
    %get3A_35 = arith.constant 0 : index
    %get3A_36 = vector.load %arg14[%get3A_33, %get3A_34, %get3A_35] : memref<2x16x128xf32, #tpu.memory_space<vmem>>, vector<1x16x128xf32>
    %get3A_37 = vector.shape_cast %get3A_36 : vector<1x16x128xf32> to vector<16x128xf32>
    %get3A_38 = arith.constant 1 : index
    %get3A_39 = arith.constant 0 : index
    %get3A_40 = arith.constant 0 : index
    %get3A_41 = vector.load %arg1[%get3A_38, %get3A_39, %get3A_40] : memref<2x400x128xf32, #tpu.memory_space<vmem>>, vector<1x400x128xf32>
    %get3A_42 = vector.shape_cast %get3A_41 : vector<1x400x128xf32> to vector<400x128xf32>
    %broadcast_in_dim3A_43 = vector.shape_cast %div3A_15 : vector<400xf32> to vector<400x1xf32>
    %mul3A_44 = vector.broadcast %broadcast_in_dim3A_43 : vector<400x1xf32> to vector<400x128xf32>
    %mul3A_45 = arith.mulf %get3A_42, %mul3A_44 : vector<400x128xf32>
    %dot_general3A_46 = arith.constant dense<0.000000e+00> : vector<16x128xf32>
    %dot_general3A_47 = tpu.matmul %convert_element_type3A_7, %mul3A_45, %dot_general3A_46 {dimension_numbers = #tpu.dot_dimension_numbers<[0], [0], [1], [1], [0, 1, 1, 1], [], []>, transpose_lhs_hint = false} : vector<400x16xf32>, vector<400x128xf32>, vector<16x128xf32> -> vector<16x128xf32>
    %add3A_48 = arith.addf %get3A_37, %dot_general3A_47 : vector<16x128xf32>
    %swap3A_49 = arith.constant 1 : index
    %swap3A_50 = arith.constant 0 : index
    %swap3A_51 = arith.constant 0 : index
    %swap3A_52 = vector.load %arg14[%swap3A_49, %swap3A_50, %swap3A_51] : memref<2x16x128xf32, #tpu.memory_space<vmem>>, vector<1x16x128xf32>
    %swap3A_53 = vector.shape_cast %swap3A_52 : vector<1x16x128xf32> to vector<16x128xf32>
    %swap3A_54 = vector.shape_cast %add3A_48 : vector<16x128xf32> to vector<1x16x128xf32>
    tpu.vector_store %arg14[%swap3A_49, %swap3A_50, %swap3A_51], %swap3A_54 {strides = array<i32>} : memref<2x16x128xf32, #tpu.memory_space<vmem>>, vector<1x16x128xf32>,
    %get3A_55 = arith.constant 0 : index
    %get3A_56 = arith.constant 0 : index
    %get3A_57 = arith.constant 0 : index
    %get3A_58 = vector.load %arg15[%get3A_55, %get3A_56, %get3A_57] : memref<2x16x128xf32, #tpu.memory_space<vmem>>, vector<1x16x128xf32>
    %get3A_59 = vector.shape_cast %get3A_58 : vector<1x16x128xf32> to vector<16x128xf32>
    %get3A_60 = arith.constant 0 : index
    %get3A_61 = arith.constant 0 : index
    %get3A_62 = vector.load %arg2[%get3A_60, %get3A_61] : memref<400x128xf32, #tpu.memory_space<vmem>>, vector<400x128xf32>
    %dot_general3A_63 = arith.constant dense<0.000000e+00> : vector<16x128xf32>
    %dot_general3A_64 = tpu.matmul %convert_element_type3A_7, %get3A_62, %dot_general3A_63 {dimension_numbers = #tpu.dot_dimension_numbers<[0], [0], [1], [1], [0, 1, 1, 1], [], []>, transpose_lhs_hint = false} : vector<400x16xf32>, vector<400x128xf32>, vector<16x128xf32> -> vector<16x128xf32>
    %add3A_65 = arith.addf %get3A_59, %dot_general3A_64 : vector<16x128xf32>
    %swap3A_66 = arith.constant 0 : index
    %swap3A_67 = arith.constant 0 : index
    %swap3A_68 = arith.constant 0 : index
    %swap3A_69 = vector.load %arg15[%swap3A_66, %swap3A_67, %swap3A_68] : memref<2x16x128xf32, #tpu.memory_space<vmem>>, vector<1x16x128xf32>
    %swap3A_70 = vector.shape_cast %swap3A_69 : vector<1x16x128xf32> to vector<16x128xf32>
    %swap3A_71 = vector.shape_cast %add3A_65 : vector<16x128xf32> to vector<1x16x128xf32>
    tpu.vector_store %arg15[%swap3A_66, %swap3A_67, %swap3A_68], %swap3A_71 {strides = array<i32>} : memref<2x16x128xf32, #tpu.memory_space<vmem>>, vector<1x16x128xf32>,
    %get3A_72 = arith.constant 1 : index
    %get3A_73 = arith.constant 0 : index
    %get3A_74 = arith.constant 0 : index
    %get3A_75 = vector.load %arg15[%get3A_72, %get3A_73, %get3A_74] : memref<2x16x128xf32, #tpu.memory_space<vmem>>, vector<1x16x128xf32>
    %get3A_76 = vector.shape_cast %get3A_75 : vector<1x16x128xf32> to vector<16x128xf32>
    %get3A_77 = arith.constant 0 : index
    %get3A_78 = arith.constant 0 : index
    %get3A_79 = vector.load %arg3[%get3A_77, %get3A_78] : memref<400x128xf32, #tpu.memory_space<vmem>>, vector<400x128xf32>
    %dot_general3A_80 = arith.constant dense<0.000000e+00> : vector<16x128xf32>
    %dot_general3A_81 = tpu.matmul %convert_element_type3A_7, %get3A_79, %dot_general3A_80 {dimension_numbers = #tpu.dot_dimension_numbers<[0], [0], [1], [1], [0, 1, 1, 1], [], []>, transpose_lhs_hint = false} : vector<400x16xf32>, vector<400x128xf32>, vector<16x128xf32> -> vector<16x128xf32>
    %add3A_82 = arith.addf %get3A_76, %dot_general3A_81 : vector<16x128xf32>
    %swap3A_83 = arith.constant 1 : index
    %swap3A_84 = arith.constant 0 : index
    %swap3A_85 = arith.constant 0 : index
    %swap3A_86 = vector.load %arg15[%swap3A_83, %swap3A_84, %swap3A_85] : memref<2x16x128xf32, #tpu.memory_space<vmem>>, vector<1x16x128xf32>
    %swap3A_87 = vector.shape_cast %swap3A_86 : vector<1x16x128xf32> to vector<16x128xf32>
    %swap3A_88 = vector.shape_cast %add3A_82 : vector<16x128xf32> to vector<1x16x128xf32>
    tpu.vector_store %arg15[%swap3A_83, %swap3A_84, %swap3A_85], %swap3A_88 {strides = array<i32>} : memref<2x16x128xf32, #tpu.memory_space<vmem>>, vector<1x16x128xf32>,
    %get3A_89 = arith.constant 0 : index
    %get3A_90 = arith.constant 0 : index
    %get3A_91 = vector.load %arg16[%get3A_89, %get3A_90] : memref<1x16xf32, #tpu.memory_space<vmem>>, vector<1x16xf32>
    %get3A_92 = vector.shape_cast %get3A_91 : vector<1x16xf32> to vector<16xf32>
    %reduce_sum3A_93 = arith.constant dense<0.000000e+00> : vector<16xf32>
    %reduce_sum3A_94 = vector.multi_reduction <add>, %convert_element_type3A_7, %reduce_sum3A_93 [0] : vector<400x16xf32> to vector<16xf32>
    %add3A_95 = arith.addf %get3A_92, %reduce_sum3A_94 : vector<16xf32>
    %swap3A_96 = arith.constant 0 : index
    %swap3A_97 = arith.constant 0 : index
    %swap3A_98 = vector.load %arg16[%swap3A_96, %swap3A_97] : memref<1x16xf32, #tpu.memory_space<vmem>>, vector<1x16xf32>
    %swap3A_99 = vector.shape_cast %swap3A_98 : vector<1x16xf32> to vector<16xf32>
    %swap3A_100 = vector.shape_cast %add3A_95 : vector<16xf32> to vector<1x16xf32>
    tpu.vector_store %arg16[%swap3A_96, %swap3A_97], %swap3A_100 {strides = array<i32>} : memref<1x16xf32, #tpu.memory_space<vmem>>, vector<1x16xf32>,
    %eq3A_101 = arith.constant 24 : i32
    %eq3A_102 = arith.cmpi eq, %arg0, %eq3A_101 : i32
    %convert_element_type3A_103 = arith.extui %eq3A_102 : i1 to i32
    %cond3A_104 = arith.constant 0 : i32
    %cond3A_105 = arith.cmpi ne, %convert_element_type3A_103, %cond3A_104 : i32
    scf.if %cond3A_105 {
      %get3A_106 = arith.constant 0 : index
      %get3A_107 = arith.constant 0 : index
      %get3A_108 = vector.load %arg16[%get3A_106, %get3A_107] : memref<1x16xf32, #tpu.memory_space<vmem>>, vector<1x16xf32>
      %get3A_109 = vector.shape_cast %get3A_108 : vector<1x16xf32> to vector<16xf32>
      %max3A_110 = arith.constant 1.000000e+00 : f32
      %max3A_111 = vector.broadcast %max3A_110 : f32 to vector<16xf32>
      %max3A_112 = arith.maximumf %get3A_109, %max3A_111 : vector<16xf32>
      %div3A_113 = arith.constant 1.000000e+00 : f32
      %div3A_114 = vector.broadcast %div3A_113 : f32 to vector<16xf32>
      %div3A_115 = arith.divf %div3A_114, %max3A_112 : vector<16xf32>
      %get3A_116 = arith.constant 0 : index
      %get3A_117 = arith.constant 0 : index
      %get3A_118 = vector.load %arg6[%get3A_116, %get3A_117] : memref<256x256xf32, #tpu.memory_space<vmem>>, vector<256x256xf32>
      %get3A_119 = arith.constant 0 : index
      %get3A_120 = arith.constant 0 : index
      %get3A_121 = vector.load %arg7[%get3A_119, %get3A_120] : memref<256x256xf32, #tpu.memory_space<vmem>>, vector<256x256xf32>
      %get3A_122 = arith.constant 0 : index
      %get3A_123 = arith.constant 0 : index
      %get3A_124 = arith.constant 0 : index
      %get3A_125 = vector.load %arg14[%get3A_122, %get3A_123, %get3A_124] : memref<2x16x128xf32, #tpu.memory_space<vmem>>, vector<1x16x128xf32>
      %get3A_126 = vector.shape_cast %get3A_125 : vector<1x16x128xf32> to vector<16x128xf32>
      %broadcast_in_dim3A_127 = vector.shape_cast %div3A_115 : vector<16xf32> to vector<16x1xf32>
      %mul3A_128 = vector.broadcast %broadcast_in_dim3A_127 : vector<16x1xf32> to vector<16x128xf32>
      %mul3A_129 = arith.mulf %get3A_126, %mul3A_128 : vector<16x128xf32>
      %slice3A = vector.extract_strided_slice %get3A_118 {offsets = [0, 0], sizes = [256, 128], strides = [1, 1]} : vector<256x256xf32> to vector<256x128xf32>
      %dot_general3A_130 = arith.constant dense<0.000000e+00> : vector<16x256xf32>
      %dot_general3A_131 = tpu.matmul %mul3A_129, %slice3A, %dot_general3A_130 {dimension_numbers = #tpu.dot_dimension_numbers<[1], [1], [0], [0], [0, 0, 1, 0], [], []>, transpose_lhs_hint = false} : vector<16x128xf32>, vector<256x128xf32>, vector<16x256xf32> -> vector<16x256xf32>
      %get3A_132 = arith.constant 1 : index
      %get3A_133 = arith.constant 0 : index
      %get3A_134 = arith.constant 0 : index
      %get3A_135 = vector.load %arg14[%get3A_132, %get3A_133, %get3A_134] : memref<2x16x128xf32, #tpu.memory_space<vmem>>, vector<1x16x128xf32>
      %get3A_136 = vector.shape_cast %get3A_135 : vector<1x16x128xf32> to vector<16x128xf32>
      %broadcast_in_dim3A_137 = vector.shape_cast %div3A_115 : vector<16xf32> to vector<16x1xf32>
      %mul3A_138 = vector.broadcast %broadcast_in_dim3A_137 : vector<16x1xf32> to vector<16x128xf32>
      %mul3A_139 = arith.mulf %get3A_136, %mul3A_138 : vector<16x128xf32>
      %slice3A_140 = vector.extract_strided_slice %get3A_118 {offsets = [0, 128], sizes = [256, 128], strides = [1, 1]} : vector<256x256xf32> to vector<256x128xf32>
      %dot_general3A_141 = arith.constant dense<0.000000e+00> : vector<16x256xf32>
      %dot_general3A_142 = tpu.matmul %mul3A_139, %slice3A_140, %dot_general3A_141 {dimension_numbers = #tpu.dot_dimension_numbers<[1], [1], [0], [0], [0, 0, 1, 0], [], []>, transpose_lhs_hint = false} : vector<16x128xf32>, vector<256x128xf32>, vector<16x256xf32> -> vector<16x256xf32>
      %add3A_143 = arith.addf %dot_general3A_131, %dot_general3A_142 : vector<16x256xf32>
      %get3A_144 = arith.constant 0 : index
      %get3A_145 = arith.constant 0 : index
      %get3A_146 = arith.constant 0 : index
      %get3A_147 = vector.load %arg15[%get3A_144, %get3A_145, %get3A_146] : memref<2x16x128xf32, #tpu.memory_space<vmem>>, vector<1x16x128xf32>
      %get3A_148 = vector.shape_cast %get3A_147 : vector<1x16x128xf32> to vector<16x128xf32>
      %broadcast_in_dim3A_149 = vector.shape_cast %div3A_115 : vector<16xf32> to vector<16x1xf32>
      %mul3A_150 = vector.broadcast %broadcast_in_dim3A_149 : vector<16x1xf32> to vector<16x128xf32>
      %mul3A_151 = arith.mulf %get3A_148, %mul3A_150 : vector<16x128xf32>
      %slice3A_152 = vector.extract_strided_slice %get3A_121 {offsets = [0, 0], sizes = [256, 128], strides = [1, 1]} : vector<256x256xf32> to vector<256x128xf32>
      %dot_general3A_153 = arith.constant dense<0.000000e+00> : vector<16x256xf32>
      %dot_general3A_154 = tpu.matmul %mul3A_151, %slice3A_152, %dot_general3A_153 {dimension_numbers = #tpu.dot_dimension_numbers<[1], [1], [0], [0], [0, 0, 1, 0], [], []>, transpose_lhs_hint = false} : vector<16x128xf32>, vector<256x128xf32>, vector<16x256xf32> -> vector<16x256xf32>
      %add3A_155 = arith.addf %add3A_143, %dot_general3A_154 : vector<16x256xf32>
      %get3A_156 = arith.constant 1 : index
      %get3A_157 = arith.constant 0 : index
      %get3A_158 = arith.constant 0 : index
      %get3A_159 = vector.load %arg15[%get3A_156, %get3A_157, %get3A_158] : memref<2x16x128xf32, #tpu.memory_space<vmem>>, vector<1x16x128xf32>
      %get3A_160 = vector.shape_cast %get3A_159 : vector<1x16x128xf32> to vector<16x128xf32>
      %broadcast_in_dim3A_161 = vector.shape_cast %div3A_115 : vector<16xf32> to vector<16x1xf32>
      %mul3A_162 = vector.broadcast %broadcast_in_dim3A_161 : vector<16x1xf32> to vector<16x128xf32>
      %mul3A_163 = arith.mulf %get3A_160, %mul3A_162 : vector<16x128xf32>
      %slice3A_164 = vector.extract_strided_slice %get3A_121 {offsets = [0, 128], sizes = [256, 128], strides = [1, 1]} : vector<256x256xf32> to vector<256x128xf32>
      %dot_general3A_165 = arith.constant dense<0.000000e+00> : vector<16x256xf32>
      %dot_general3A_166 = tpu.matmul %mul3A_163, %slice3A_164, %dot_general3A_165 {dimension_numbers = #tpu.dot_dimension_numbers<[1], [1], [0], [0], [0, 0, 1, 0], [], []>, transpose_lhs_hint = false} : vector<16x128xf32>, vector<256x128xf32>, vector<16x256xf32> -> vector<16x256xf32>
      %add3A_167 = arith.addf %add3A_155, %dot_general3A_166 : vector<16x256xf32>
      %get3A_168 = arith.constant 0 : index
      %get3A_169 = arith.constant 0 : index
      %get3A_170 = vector.load %arg8[%get3A_168, %get3A_169] : memref<1x256xf32, #tpu.memory_space<vmem>>, vector<1x256xf32>
      %get3A_171 = vector.shape_cast %get3A_170 : vector<1x256xf32> to vector<256xf32>
      %broadcast_in_dim3A_172 = vector.shape_cast %get3A_171 : vector<256xf32> to vector<1x256xf32>
      %add3A_173 = vector.broadcast %broadcast_in_dim3A_172 : vector<1x256xf32> to vector<16x256xf32>
      %add3A_174 = arith.addf %add3A_167, %add3A_173 : vector<16x256xf32>
      %get3A_175 = arith.constant 0 : index
      %get3A_176 = arith.constant 0 : index
      %get3A_177 = vector.load %arg9[%get3A_175, %get3A_176] : memref<256x256xf32, #tpu.memory_space<vmem>>, vector<256x256xf32>
      %dot_general3A_178 = arith.constant dense<0.000000e+00> : vector<16x256xf32>
      %dot_general3A_179 = tpu.matmul %add3A_174, %get3A_177, %dot_general3A_178 {dimension_numbers = #tpu.dot_dimension_numbers<[1], [1], [0], [0], [0, 0, 1, 0], [], []>, transpose_lhs_hint = false} : vector<16x256xf32>, vector<256x256xf32>, vector<16x256xf32> -> vector<16x256xf32>
      %get3A_180 = arith.constant 0 : index
      %get3A_181 = arith.constant 0 : index
      %get3A_182 = vector.load %arg10[%get3A_180, %get3A_181] : memref<1x256xf32, #tpu.memory_space<vmem>>, vector<1x256xf32>
      %get3A_183 = vector.shape_cast %get3A_182 : vector<1x256xf32> to vector<256xf32>
      %broadcast_in_dim3A_184 = vector.shape_cast %get3A_183 : vector<256xf32> to vector<1x256xf32>
      %add3A_185 = vector.broadcast %broadcast_in_dim3A_184 : vector<1x256xf32> to vector<16x256xf32>
      %add3A_186 = arith.addf %dot_general3A_179, %add3A_185 : vector<16x256xf32>
      %max3A_187 = arith.constant 0.000000e+00 : f32
      %max3A_188 = vector.broadcast %max3A_187 : f32 to vector<16x256xf32>
      %max3A_189 = arith.maximumf %add3A_186, %max3A_188 : vector<16x256xf32>
      %get3A_190 = arith.constant 0 : index
      %get3A_191 = arith.constant 0 : index
      %get3A_192 = vector.load %arg11[%get3A_190, %get3A_191] : memref<10x256xf32, #tpu.memory_space<vmem>>, vector<10x256xf32>
      %dot_general3A_193 = arith.constant dense<0.000000e+00> : vector<16x10xf32>
      %dot_general3A_194 = tpu.matmul %max3A_189, %get3A_192, %dot_general3A_193 {dimension_numbers = #tpu.dot_dimension_numbers<[1], [1], [0], [0], [0, 0, 1, 0], [], []>, transpose_lhs_hint = false} : vector<16x256xf32>, vector<10x256xf32>, vector<16x10xf32> -> vector<16x10xf32>
      %get3A_195 = arith.constant 0 : index
      %get3A_196 = arith.constant 0 : index
      %get3A_197 = vector.load %arg12[%get3A_195, %get3A_196] : memref<1x10xf32, #tpu.memory_space<vmem>>, vector<1x10xf32>
      %get3A_198 = vector.shape_cast %get3A_197 : vector<1x10xf32> to vector<10xf32>
      %broadcast_in_dim3A_199 = vector.shape_cast %get3A_198 : vector<10xf32> to vector<1x10xf32>
      %add3A_200 = vector.broadcast %broadcast_in_dim3A_199 : vector<1x10xf32> to vector<16x10xf32>
      %add3A_201 = arith.addf %dot_general3A_194, %add3A_200 : vector<16x10xf32>
      %swap3A_202 = arith.constant 0 : index
      %swap3A_203 = arith.constant 0 : index
      %swap3A_204 = vector.load %arg13[%swap3A_202, %swap3A_203] : memref<16x10xf32, #tpu.memory_space<vmem>>, vector<16x10xf32>
      tpu.vector_store %arg13[%swap3A_202, %swap3A_203], %add3A_201 {strides = array<i32>} : memref<16x10xf32, #tpu.memory_space<vmem>>, vector<16x10xf32>,
    } else {
    }
    return
  }
  func.func @transform_0(%arg0: i32) -> (i32, i32, i32) {
    %c0_i32 = arith.constant 0 : i32
    %c0_i32_0 = arith.constant 0 : i32
    %c0_i32_1 = arith.constant 0 : i32
    return %c0_i32, %arg0, %c0_i32_0 : i32, i32, i32
  }
  func.func @transform_1(%arg0: i32) -> (i32, i32) {
    %c0_i32 = arith.constant 0 : i32
    %c0_i32_0 = arith.constant 0 : i32
    return %arg0, %c0_i32 : i32, i32
  }
  func.func @transform_2(%arg0: i32) -> (i32, i32) {
    %c0_i32 = arith.constant 0 : i32
    %c0_i32_0 = arith.constant 0 : i32
    return %arg0, %c0_i32 : i32, i32
  }
  func.func @transform_3(%arg0: i32) -> (i32, i32) {
    %c0_i32 = arith.constant 0 : i32
    %c0_i32_0 = arith.constant 0 : i32
    return %arg0, %c0_i32 : i32, i32
  }
  func.func @transform_4(%arg0: i32) -> (i32, i32) {
    %c0_i32 = arith.constant 0 : i32
    %c0_i32_0 = arith.constant 0 : i32
    return %arg0, %c0_i32 : i32, i32
  }
  func.func @transform_5(%arg0: i32) -> (i32, i32) {
    %c0_i32 = arith.constant 0 : i32
    %c0_i32_0 = arith.constant 0 : i32
    %c0_i32_1 = arith.constant 0 : i32
    return %c0_i32, %c0_i32_0 : i32, i32
  }
  func.func @transform_6(%arg0: i32) -> (i32, i32) {
    %c0_i32 = arith.constant 0 : i32
    %c0_i32_0 = arith.constant 0 : i32
    %c0_i32_1 = arith.constant 0 : i32
    return %c0_i32, %c0_i32_0 : i32, i32
  }
  func.func @transform_7(%arg0: i32) -> (i32, i32) {
    %c0_i32 = arith.constant 0 : i32
    %c0_i32_0 = arith.constant 0 : i32
    %c0_i32_1 = arith.constant 0 : i32
    return %c0_i32, %c0_i32_0 : i32, i32
  }
  func.func @transform_8(%arg0: i32) -> (i32, i32) {
    %c0_i32 = arith.constant 0 : i32
    %c0_i32_0 = arith.constant 0 : i32
    %c0_i32_1 = arith.constant 0 : i32
    return %c0_i32, %c0_i32_0 : i32, i32
  }
  func.func @transform_9(%arg0: i32) -> (i32, i32) {
    %c0_i32 = arith.constant 0 : i32
    %c0_i32_0 = arith.constant 0 : i32
    %c0_i32_1 = arith.constant 0 : i32
    return %c0_i32, %c0_i32_0 : i32, i32
  }
  func.func @transform_10(%arg0: i32) -> (i32, i32) {
    %c0_i32 = arith.constant 0 : i32
    %c0_i32_0 = arith.constant 0 : i32
    %c0_i32_1 = arith.constant 0 : i32
    return %c0_i32, %c0_i32_0 : i32, i32
  }
  func.func @transform_11(%arg0: i32) -> (i32, i32) {
    %c0_i32 = arith.constant 0 : i32
    %c0_i32_0 = arith.constant 0 : i32
    %c0_i32_1 = arith.constant 0 : i32
    return %c0_i32, %c0_i32_0 : i32, i32
  }
  func.func @transform_12(%arg0: i32) -> (i32, i32) {
    %c0_i32 = arith.constant 0 : i32
    %c0_i32_0 = arith.constant 0 : i32
    %c0_i32_1 = arith.constant 0 : i32
    return %c0_i32, %c0_i32_0 : i32, i32
  }
}

</mosaic_0001>

<sc_bundles>
// kernel: kernel.10.cloned.1.call-start
scs
__scs_entry_jumppad:
0x0: {  	(pc) =	sbr.rel $0x88, $3  }
0x1: {  	(tag) =	ssettag $0x0;
	lr =	simm.s32 $0x1  }
0x2: {  	[smem:$0x3F94] =	sst lr;
	_ =	strace $0xD0000000  }
0x3: {  	_ = 	snop  }
0x4: {  	_ = 	snop  }
0x5: {  	_ = 	snop  }
0x6: {  	_ = 	snop  }
0x7: {  	_ = 	snop  }
__scs_overlays_trampoline_lowered:
0x8: {  	[smem:$0x3FA3] =	sst s0  }
0x9: {  	[smem:$0x3FA4] =	sst s1  }
0xa: {  	[smem:$0x3FA5] =	sst s2  }
0xb: {  	[smem:$0x3FA6] =	sst s3  }
0xc: {  	[smem:$0x3FA7] =	sst s4  }
0xd: {  	[smem:$0x3FA8] =	sst s5  }
0xe: {  	[smem:$0x3FA9] =	sst s6  }
0xf: {  	[smem:$0x3FAA] =	sst s7  }
0x10: {  	[smem:$0x3FAB] =	sst s8  }
0x11: {  	[smem:$0x3FAC] =	sst s9;
	s0 =	simm.s32 @!p0 $0x0  }
0x12: {  	s1 =	sld [smem:$0x3F92];
	s0 =	simm.s32 @p0 $0x1  }
0x13: {  	[smem:$0x3FAD] =	sst s0;
	s0 =	simm.s32 @!p1 $0x0  }
0x14: {  	s2 =	sld [smem:$0x3F91];
	s0 =	simm.s32 @p1 $0x1  }
0x15: {  	[smem:$0x3FAE] =	sst s0;
	s0 =	simm.s32 @!p2 $0x0  }
0x16: {  	s3 =	sld [smem:$0x3FDB];
	s0 =	simm.s32 @p2 $0x1  }
0x17: {  	s4 =	simm.s32 $0x1BF5;
	[smem:$0x3FB0] =	sst s0  }
0x18: {  	s0 =	sld [smem:$0x3F93];
	_ =	swait.ge [sflag:s4], $0x0  }
0x19: {  	s7 =	sld [smem:$0x3F94]  }
0x1a: {  	s8 =	sadd.s32 $0xFFFFE003, lr  }
0x1b: {  	s9 =	sadd.s32 $0xFFFFFEF7, lr;
	s5 =	simm.s32 $0xFFFFFFFF;
	p2 =	slt.u32 s8, $0xFFFFF086  }
0x1c: {  	p1 =	slt.u32 s9, $0xF7A;
	s5 =	simm.s32 @!p2 $0x0  }
0x1d: {  	s5 =	simm.s32 @p1 $0x1;
	p0 =	seq.s32 s7, s2  }
0x1e: {  	s7 =	smul.u32 @!p0 $0xF7A, s2;
	p2 =	seq.s32 @!p0 s5, $0x0  }
0x1f: {  	s9 =	smul.u32 $0xF7A, s1;
	s8 =	simm.s32 @!p0 $0x1BF5;
	p2 =	por !p2, p0  }
0x20: {  	[sflag:s8] =	ssyncset.s32 @!p0 $0xFFFFF086;
	s6 =	sadd.s32 @!p0 s3, s7;
	s7 =	simm.s32 @!p0 $0x108  }
0x21: {  	s3 =	sadd.s32 s3, s9;
	s6 =	sadd.s32 @!p0 $0x88, s6;
	s7 =	simm.s32 @p2 $0x1082  }
0x22: {  	[simem:s7], [sflag:s8] =	dma.local @!p0 [hbm:s6], $0xF7A  }
0x23: {  	s9 =	sor.u32 $0xD0000000, s2;
	s6 =	simm.s32 $0x108;
	_ =	swait.ge @!p0 [sflag:s8], $0x0  }
0x24: {  	s3 =	sadd.s32 $0x88, s3;
	s6 =	simm.s32 @!p1 $0x1082;
	[sflag:s4] =	ssyncset.s32 $0xFFFFF086  }
0x25: {  	[simem:s6], [sflag:s4] =	dma.local [hbm:s3], $0xF7A  }
0x26: {  	[smem:$0x3F94] =	sst s1;
	(tag) =	ssettag s2;
	_ =	strace s9  }
0x27: {  	s1 =	sld [smem:$0x3FA4]  }
0x28: {  	s2 =	sld [smem:$0x3FA5]  }
0x29: {  	s4 =	sld [smem:$0x3FA7]  }
0x2a: {  	p0 =	seq.s32 s5, $0x0;
	s5 =	sld [smem:$0x3FA8]  }
0x2b: {  	s6 =	sld [smem:$0x3FA9]  }
0x2c: {  	s7 =	sld [smem:$0x3FAA]  }
0x2d: {  	s3 =	simm.s32 $0x108;
	s8 =	sld [smem:$0x3FAB]  }
0x2e: {  	s3 =	simm.s32 @!p0 $0x1082;
	s9 =	sld [smem:$0x3FAC]  }
0x2f: {  	lr =	sadd.s32 s0, s3;
	s0 =	sld [smem:$0x3FA3]  }
0x30: {  	s3 =	sld [smem:$0x3FA6]  }
0x31: {  	[smem:$0x3FAF] =	sst s10  }
0x32: {  	s10 =	sld [smem:$0x3FAD];
	_ =	sdelay $0x3  }
0x33: {  	p0 =	seq.s32 s10, $0x1;
	s10 =	sld [smem:$0x3FAF];
	_ =	sdelay $0x3  }
0x34: {  	[smem:$0x3FAF] =	sst s10  }
0x35: {  	s10 =	sld [smem:$0x3FAE];
	_ =	sdelay $0x3  }
0x36: {  	p1 =	seq.s32 s10, $0x1;
	s10 =	sld [smem:$0x3FAF];
	_ =	sdelay $0x3  }
0x37: {  	[smem:$0x3FAF] =	sst s10  }
0x38: {  	s10 =	sld [smem:$0x3FB0]  }
0x39: {  	_ = 	snop;
	(pc) =	sbr.ind lr, $3  }
0x3a: {  	_ = 	snop  }
0x3b: {  	_ = 	snop  }
0x3c: {  	p2 =	seq.s32 s10, $0x1;
	s10 =	sld [smem:$0x3FAF]  }
0x3d: {  	_ =	shalt  }
0x3e: {  	_ =	shalt  }
0x3f: {  	_ =	shalt  }
0x40: {  	_ =	shalt  }
0x41: {  	_ =	shalt  }
0x42: {  	_ =	shalt  }
0x43: {  	_ =	shalt  }
0x44: {  	_ =	shalt  }
0x45: {  	_ =	shalt  }
0x46: {  	_ =	shalt  }
0x47: {  	_ =	shalt  }
0x48: {  	_ =	shalt  }
0x49: {  	_ =	shalt  }
0x4a: {  	_ =	shalt  }
0x4b: {  	_ =	shalt  }
0x4c: {  	_ =	shalt  }
0x4d: {  	_ =	shalt  }
0x4e: {  	_ =	shalt  }
0x4f: {  	_ =	shalt  }
0x50: {  	_ =	shalt  }
0x51: {  	_ =	shalt  }
0x52: {  	_ =	shalt  }
0x53: {  	_ =	shalt  }
0x54: {  	_ =	shalt  }
0x55: {  	_ =	shalt  }
0x56: {  	_ =	shalt  }
0x57: {  	_ =	shalt  }
0x58: {  	_ =	shalt  }
0x59: {  	_ =	shalt  }
0x5a: {  	_ =	shalt  }
0x5b: {  	_ =	shalt  }
0x5c: {  	_ =	shalt  }
0x5d: {  	_ =	shalt  }
0x5e: {  	_ =	shalt  }
0x5f: {  	_ =	shalt  }
0x60: {  	_ =	shalt  }
0x61: {  	_ =	shalt  }
0x62: {  	_ =	shalt  }
0x63: {  	_ =	shalt  }
0x64: {  	_ =	shalt  }
0x65: {  	_ =	shalt  }
0x66: {  	_ =	shalt  }
0x67: {  	_ =	shalt  }
0x68: {  	_ =	shalt  }
0x69: {  	_ =	shalt  }
0x6a: {  	_ =	shalt  }
0x6b: {  	_ =	shalt  }
0x6c: {  	_ =	shalt  }
0x6d: {  	_ =	shalt  }
0x6e: {  	_ =	shalt  }
0x6f: {  	_ =	shalt  }
0x70: {  	_ =	shalt  }
0x71: {  	_ =	shalt  }
0x72: {  	_ =	shalt  }
0x73: {  	_ =	shalt  }
0x74: {  	_ =	shalt  }
0x75: {  	_ =	shalt  }
0x76: {  	_ =	shalt  }
0x77: {  	_ =	shalt  }
0x78: {  	_ =	shalt  }
0x79: {  	_ =	shalt  }
0x7a: {  	_ =	shalt  }
0x7b: {  	_ =	shalt  }
0x7c: {  	_ =	shalt  }
0x7d: {  	_ =	shalt  }
0x7e: {  	_ =	shalt  }
0x7f: {  	_ =	shalt  }
0x80: {  	_ =	shalt  }
0x81: {  	_ =	shalt  }
0x82: {  	_ =	shalt  }
0x83: {  	_ =	shalt  }
0x84: {  	_ =	shalt  }
0x85: {  	_ =	shalt  }
0x86: {  	_ =	shalt  }
0x87: {  	_ =	shalt  }
.Lfunc_end0:
.L_simem_size_0:
called_computation.1_lowered:
.L_overlay_start_0:
0x88: {  	s2 =	sld [smem:$0x3FD9]  }
0x89: {  	s3 =	sld [smem:$0x3FFE];
	_ =	sdelay $0x1  }
0x8a: {  	s1 =	srdreg.scid  }
0x8b: {  	s0 =	sand.u32 $0x1, s1  }
0x8c: {  	s17 =	sshll.u32 s0, $0xA;
	s2 =	sadd.s32 s3, s2  }
0x8d: {  	s2 =	sadd.s32 s2, s17  }
0x8e: {  	[smem:$0x3FBB] =	sst s2  }
0x8f: {  	_ = 	snop  }
0x90: {  	s18 =	sld [smem:$0x3FC9];
	(tm) =	ssettm $0x1  }
0x91: {  	s19 =	sld [smem:$0x3FFB];
	_ =	sdelay $0x3  }
0x92: {  	_ =	strace s19  }
0x93: {  	s2 =	sld [smem:$0x3FFC];
	_ =	sdelay $0x3  }
0x94: {  	_ =	strace s2  }
0x95: {  	s2 =	sld [smem:$0x3FFD];
	_ =	sdelay $0x3  }
0x96: {  	_ =	strace s2  }
0x97: {  	_ =	strace $0x8FFFFFFF  }
0x98: {  	s20 =	sld [smem:$0x3FDB];
	_ =	sdelay $0x1  }
0x99: {  	s4 =	simm.s32 $_scs_section_size  }
0x9a: {  	s5 =	simm.s32 $_size__tile_overlayer_lowered;
	s6 =	simm.s32 $_tile_overlayer_lowered  }
0x9b: {  	s7 =	simm.s32 $0x1BFF;
	s21 =	sshll.u32 s6, $0x1;
	s4 =	sadd.s32 s4, s20  }
0x9c: {  	s22 =	simm.s32 $0x0;
	s5 =	sshll.u32 s5, $0x1;
	s6 =	sadd.s32 s21, s4  }
0x9d: {  	[timem:s22], [sflag:s7] =	dma.local [hbm:s6], s5  }
0x9e: {  	_ =	swait.ge [sflag:s7], s5  }
0x9f: {  	s5 =	ssub.s32 $0x0, s5;
	[sflag:s7] =	ssyncset.done $0x0  }
0xa0: {  	[sflag:s7] =	ssyncadd.s32 s5;
	_ =	sdelay $0x1  }
0xa1: {  	s23 =	simm.s32 $0x1B8B  }
0xa2: {  	_ =	swait.ge [sflag:s23], $0x1  }
0xa3: {  	[sflag:s23] =	ssyncset.done $0x0  }
0xa4: {  	[sflag:s23] =	ssyncadd.s32 $0xFFFFFFFF  }
0xa5: {  	s5 =	sld [smem:$0x0]  }
0xa6: {  	s6 =	sand.u32 $0xFFFFFFFE, s1  }
0xa7: {  	p0 =	sne.s32 s1, s6  }
0xa8: {  	s6 =	sshll.u32 @p0 s6, $0xE  }
0xa9: {  	s6 =	sadd.s32 @p0 $0x11B8D, s6;
	s7 =	sshll.u32 @p0 s5, $0x11  }
0xaa: {  	s6 =	sor.u32 @p0 s7, s6  }
0xab: {  	[sflag:s6] =	ssyncadd.remote.s32 @p0 $0x1;
	_ =	sdelay $0x1  }
0xac: {  	s6 =	simm.s32 @p0 $0x1B8D  }
0xad: {  	_ =	swait.eq @p0 [sflag:s6], $0x1  }
0xae: {  	[sflag:s6] =	ssyncadd.s32 @p0 $0xFFFFFFFF  }
0xaf: {  	s7 =	sshll.u32 @!p0 s1, $0xE  }
0xb0: {  	s7 =	sor.u32 @!p0 $0x4000, s7;
	s6 =	simm.s32 @!p0 $0x1B8D  }
0xb1: {  	s5 =	sshll.u32 @!p0 s5, $0x11;
	s7 =	sadd.s32 @!p0 $0x11B8D, s7;
	_ =	swait.eq @!p0 [sflag:s6], $0x1  }
0xb2: {  	s5 =	sor.u32 @!p0 s5, s7;
	[sflag:s6] =	ssyncadd.s32 @!p0 $0xFFFFFFFF  }
0xb3: {  	s25 =	simm.s32 $0x1B8E;
	s24 =	sld [smem:$0x3FFE];
	[sflag:s5] =	ssyncadd.remote.s32 @!p0 $0x1  }
0xb4: {  	s26 =	simm.s32 $execute0_lowered;
	[smem:$0x3FD2] =	sst s25  }
0xb5: {  	s6 =	sshll.u32 s26, $0x1;
	_ =	strace $0x80000049;
	[dreg:$0x1] =	wrdreg $0xFFFFFFFF  }
0xb6: {  	s28 =	simm.s32 $_size_execute0_lowered;
	s4 =	sadd.s32 s4, s6;
	[dreg:$0x0] =	wrdreg $0x0  }
0xb7: {  	s6 =	sshll.u32 s28, $0x1;
	[dreg:$0x2] =	wrdreg s4  }
0xb8: {  	[dreg:$0x3] =	wrdreg s6  }
0xb9: {  	[dreg:$0x4] =	wrdreg $0xC0  }
0xba: {  	_ =	task [dreg:s22], $0x5FFFF  }
0xbb: {  	[dreg:$0x1] =	wrdreg $0xFFFFFFFF  }
0xbc: {  	[dreg:$0x0] =	wrdreg $0x60  }
0xbd: {  	[dreg:$0x2] =	wrdreg s18  }
0xbe: {  	[dreg:$0x3] =	wrdreg s24  }
0xbf: {  	[dreg:$0x4] =	wrdreg $0xA4000  }
0xc0: {  	[dreg:$0x5] =	wrdreg $0xA  }
0xc1: {  	_ =	task.clear_ibuf [dreg:s22], $0x6FFFF;
	_ =	strace $0x90000049  }
0xc2: {  	s29 =	simm.s32 $0xA;
	_ =	strace $0x8000004B  }
0xc3: {  	_ =	swait.ge [sflag:s29], $0x1  }
0xc4: {  	[sflag:s29] =	ssyncadd.s32 $0xFFFFFFFF  }
0xc5: {  	_ =	strace $0x9000004B  }
0xc6: {  	_ =	sfence  }
0xc7: {  	s30 =	sld [smem:$0x0];
	_ =	sdelay $0x2  }
0xc8: {  	s31 =	sshll.u32 s1, $0xD;
	s1 =	sshrl.u32 s1, $0x2  }
0xc9: {  	s4 =	sand.u32 $0x4000, s31;
	s1 =	sadd.s32 s1, s30  }
0xca: {  	s0 =	sor.u32 s4, s0;
	s1 =	sshll.u32 s1, $0x11  }
0xcb: {  	s0 =	sor.u32 s1, s0  }
0xcc: {  	s0 =	sadd.s32 $0x8F2B, s0  }
0xcd: {  	[sflag:s0] =	ssyncadd.remote.s32 $0x1  }
0xce: {  	_ =	sfence.sel $0xFFFF  }
0xcf: {  	[dreg:$0x0] =	wrdreg $0xFFFFFFFF;
	(pc) =	sbr.abs _section_cstart, $3  }
0xd0: {  	[dreg:$0x1] =	wrdreg $0xFFFFFFFF  }
0xd1: {  	_ =	task.clear_ibuf [dreg:s22], $0x2FFFF;
	_ =	strace $0x9FFFFFFF  }
0xd2: {  	(tm) =	ssettm $0x7FFFFFFF  }
0xd3: {  	_ =	shalt  }
tec
execute0_lowered:
.L_overlay_start_1:
0x0: {  	(tag) =	ssettag $0x1  }
0x1: {  	s1 =	rddreg [dreg:$0x0]  }
0x2: {  	s0 =	rddreg [dreg:$0x1]  }
0x3: {  	s2 =	rddreg [dreg:$0x2];
	s3 =	srdreg.scid  }
0x4: {  	s4 =	simm.s32 $0x0;
	s9 =	stileid.u32;
	s29 =	simm.s32 $0xB  }
0x5: {  	s31 =	simm.s32 $0x7;
	s28 =	simm.s32 $0x2C00;
	s7 =	smul.u32 $0x14000, s9  }
0x6: {  	s3 =	sand.u32 $0x1, s3;
	s5 =	sshll.u32 s9, $0x1;
	s9 =	smul.u32 $0x50000, s9  }
0x7: {  	[smem:$0x7FF] =	sst s4;
	s6 =	smul.u32 $0x140000, s3;
	s8 =	sor.u32 s3, s5  }
0x8: {  	_ =	strace $0x8000004A;
	s3 =	ssub.s32 $0x2, s3;
	s10 =	smul.u32 $0x2710, s8  }
0x9: {  	s5 =	sadd.s32 $0xD600, s0;
	s30 =	sshrl.u32 s3, $0x1;
	s17 =	sshrl.u32 s9, $0x2  }
0xa: {  	s6 =	sadd.s32 s7, s6;
	s16 =	sadd.s32 $0x140, s10;
	[dreg:$0x4] =	wrdreg s10  }
0xb: {  	s7 =	sadd.s32 $0x3800, s0;
	s18 =	sadd.s32 $0x190, s10;
	[dreg:$0xb] =	wrdreg s16  }
0xc: {  	s3 =	ssub.s32 s3, s30;
	s19 =	sadd.s32 $0x1E0, s10;
	[dreg:$0xc] =	wrdreg s18  }
0xd: {  	s8 =	sshrl.u32 s10, $0x3;
	s20 =	smax.u32 s3, $0x1;
	[dreg:$0xd] =	wrdreg s19  }
0xe: {  	s6 =	sshrl.u32 s6, $0x3;
	s11 =	sadd.s32 s5, s8;
	[dreg:$0x10] =	wrdreg s20  }
0xf: {  	s12 =	sadd.s32 s7, s8;
	s13 =	sadd.s32 $0xA, s8;
	[dreg:$0x5] =	wrdreg s11  }
0x10: {  	s0 =	sadd.s32 s6, s0;
	[dreg:$0x6] =	wrdreg s12;
	s11 =	sadd.s32 s5, s13  }
0x11: {  	s8 =	sadd.s32 $0x14, s8;
	s6 =	sadd.s32 s7, s13;
	[dreg:$0x7] =	wrdreg s11  }
0x12: {  	s9 =	simm.s32 $0x380;
	s14 =	sadd.s32 s5, s8;
	[dreg:$0x8] =	wrdreg s6  }
0x13: {  	s10 =	simm.s32 $0x50;
	s15 =	sadd.s32 s7, s8;
	[dreg:$0x9] =	wrdreg s14  }
0x14: {  	s19 =	simm.s32 $0x11;
	s0 =	sadd.s32 $0x21400, s0;
	[dreg:$0xa] =	wrdreg s15  }
0x15: {  	s20 =	simm.s32 $0x200;
	s12 =	sadd.s32 s17, s2;
	[dreg:$0xf] =	wrdreg s0  }
0x16: {  	s18 =	simm.s32 $0x5;
	s21 =	sadd.s32 $0x2800, s12;
	[dreg:$0xe] =	wrdreg s12  }
0x17: {  	s16 =	simm.s32 $0x8;
	s22 =	sadd.s32 $0x5000, s12;
	[dreg:$0x11] =	wrdreg s21  }
0x18: {  	s17 =	simm.s32 $0x300;
	s23 =	sadd.s32 $0x7800, s12;
	[dreg:$0x12] =	wrdreg s22  }
0x19: {  	s13 =	simm.s32 $0x9;
	s24 =	sadd.s32 $0xA000, s12;
	[dreg:$0x13] =	wrdreg s23  }
0x1a: {  	s8 =	simm.s32 $0x0;
	s25 =	sadd.s32 $0xC800, s12;
	[dreg:$0x14] =	wrdreg s24  }
.Ltmp0:
0x1b: {  	s26 =	sadd.s32 $0xF000, s12;
	[dreg:$0x15] =	wrdreg s25;
	(pc) =	sbr.rel .LBB2_1-.Ltmp0, $4  }
0x1c: {  	s30 =	sadd.s32 $0x11800, s12;
	s0 =	simm.s32 $0xE;
	[dreg:$0x16] =	wrdreg s26  }
0x1d: {  	s6 =	simm.s32 $0xC;
	s14 =	simm.s32 $0xF;
	[dreg:$0x17] =	wrdreg s30  }
0x1e: {  	s22 =	simm.s32 $0x2C00;
	s24 =	simm.s32 $0x6;
	s25 =	simm.s32 $0xD  }
0x1f: {  	v0 =	vimm.f32 $0.0e+00;
	s26 =	simm.s32 $0x4;
	s21 =	simm.s32 $0x5400;
	s23 =	simm.s32 $0x7C00  }
.LBB2_6:
0x20: {  	_ =	swait.ge [sflag:s13], $0x2800  }
0x21: {  	[sflag:s13] =	ssyncset.done $0x0  }
0x22: {  	[sflag:s13] =	ssyncadd.s32 $0xFFFFD800  }
0x23: {  	_ =	swait.ge [sflag:s18], $0x50  }
0x24: {  	[sflag:s18] =	ssyncset.done $0x0  }
0x25: {  	s3 =	simm.s32 $0x10;
	[sflag:s18] =	ssyncadd.s32 $0xFFFFFFB0  }
0x26: {  	[spmem:s2] =	stream.indirect.scatter.add.f32 [tilespmem:s8], [sflag:$0xD], $0x80, s20, s10, $0xb8;
	[tilespmem:$0x1E400] =	vst v63  }
0x27: {  	_ =	swait.ge [sflag:s3], $0x2800  }
0x28: {  	[sflag:s3] =	ssyncset.done $0x0  }
0x29: {  	[sflag:s3] =	ssyncadd.s32 $0xFFFFD800  }
0x2a: {  	_ =	swait.ge [sflag:s25], $0x2800  }
0x2b: {  	[sflag:s25] =	ssyncset.done $0x0  }
0x2c: {  	[sflag:s25] =	ssyncadd.s32 $0xFFFFD800  }
0x2d: {  	s17 =	stileid.u32;
	[bflag:$0x0] =	sbarrier.arrive $0xFFFF  }
0x2e: {  	s3 =	sshll.u32 s17, $0x6;
	s12 =	rddreg [dreg:$0xe]  }
0x2f: {  	s3 =	sor.u32 $0x1C11, s3;
	s15 =	rddreg [dreg:$0xf];
	s19 =	sshrl.u32 s12, $0x3  }
0x30: {  	[hbm:s15], [sflag:s3] =	dma.local [spmem:s19], $0x2800  }
0x31: {  	s19 =	simm.s32 $0x11  }
0x32: {  	_ =	swait.ge [sflag:s19], $0x2800  }
0x33: {  	s22 =	rddreg [dreg:$0x18]  }
0x34: {  	s30 =	rddreg [dreg:$0x10];
	s8 =	sadd.s32 $0x1, s22  }
0x35: {  	p0 =	sne.s32 s8, s30  }
.Ltmp1:
0x36: {  	_ = 	snop;
	(pc) =	sbr.rel @!p0 .LBB2_7-.Ltmp1, $3  }
0x37: {  	_ =	sdelay $0x1  }
0x38: {  	[sflag:s19] =	ssyncset.done $0x0  }
0x39: {  	s17 =	simm.s32 $0x300;
	[sflag:s19] =	ssyncadd.s32 $0xFFFFD800;
	s22 =	simm.s32 $0x2C00  }
.LBB2_1:
0x3a: {  	s3 =	sand.u32 $0xFE00, s4  }
0x3b: {  	[dreg:$0x18] =	wrdreg s8;
	s30 =	sand.u32 $0x70, s4;
	s15 =	sshrl.u32 s3, $0x2  }
0x3c: {  	s3 =	simm.s32 $0x40;
	s8 =	sor.u32 s30, s15;
	s15 =	simm.s32 $0x0  }
.LBB2_2:
0x3d: {  	p0 =	sne.s32 s3, $0x9FC0  }
0x3e: {  	[tilespmem:s8+$0x400] =	vst v0;
	s15 =	sadd.s32 $0x10, s15;
	s8 =	smov.u32 s3;
	s3 =	sadd.s32 $0x40, s3  }
.Ltmp2:
0x3f: {  	(pc) =	sbr.rel @p0 .LBB2_2-.Ltmp2, $4  }
0x40: {  	_ = 	snop  }
0x41: {  	s8 =	sand.u32 $0xFE00, s8  }
0x42: {  	s30 =	sand.u32 $0x70, s15;
	s8 =	sshrl.u32 s8, $0x2  }
0x43: {  	s8 =	sor.u32 s30, s8  }
0x44: {  	[tilespmem:s8+$0x400] =	vst v0;
	s11 =	simm.s32 $0x400  }
0x45: {  	[spmem:s12] =	stream.linear.scatter [tilespmem:s11], [sflag:$0x11], $0x2800, $0x38;
	[tilespmem:$0x1E400] =	vst v63  }
0x46: {  	_ =	swait.ge [sflag:s19], $0x2800  }
0x47: {  	[sflag:s19] =	ssyncset.done $0x0  }
0x48: {  	s3 =	rddreg [dreg:$0x11];
	[sflag:s19] =	ssyncadd.s32 $0xFFFFD800  }
0x49: {  	[spmem:s3] =	stream.linear.scatter [tilespmem:s11], [sflag:$0x11], $0x2800, $0x38;
	[tilespmem:$0x1E400] =	vst v63  }
0x4a: {  	_ =	swait.ge [sflag:s19], $0x2800  }
0x4b: {  	[sflag:s19] =	ssyncset.done $0x0  }
0x4c: {  	s30 =	rddreg [dreg:$0x12];
	[sflag:s19] =	ssyncadd.s32 $0xFFFFD800  }
0x4d: {  	[spmem:s30] =	stream.linear.scatter [tilespmem:s11], [sflag:$0x11], $0x2800, $0x38;
	[tilespmem:$0x1E400] =	vst v63  }
0x4e: {  	_ =	swait.ge [sflag:s19], $0x2800  }
0x4f: {  	[sflag:s19] =	ssyncset.done $0x0  }
0x50: {  	s8 =	rddreg [dreg:$0x13];
	[sflag:s19] =	ssyncadd.s32 $0xFFFFD800  }
0x51: {  	[spmem:s8] =	stream.linear.scatter [tilespmem:s11], [sflag:$0x11], $0x2800, $0x38;
	[tilespmem:$0x1E400] =	vst v63  }
0x52: {  	_ =	swait.ge [sflag:s19], $0x2800  }
0x53: {  	[sflag:s19] =	ssyncset.done $0x0  }
0x54: {  	s12 =	rddreg [dreg:$0x14];
	[sflag:s19] =	ssyncadd.s32 $0xFFFFD800  }
0x55: {  	[spmem:s12] =	stream.linear.scatter [tilespmem:s11], [sflag:$0x11], $0x2800, $0x38;
	[tilespmem:$0x1E400] =	vst v63  }
0x56: {  	_ =	swait.ge [sflag:s19], $0x2800  }
0x57: {  	[sflag:s19] =	ssyncset.done $0x0  }
0x58: {  	s15 =	rddreg [dreg:$0x15];
	[sflag:s19] =	ssyncadd.s32 $0xFFFFD800  }
0x59: {  	[spmem:s15] =	stream.linear.scatter [tilespmem:s11], [sflag:$0x11], $0x2800, $0x38;
	[tilespmem:$0x1E400] =	vst v63  }
0x5a: {  	_ =	swait.ge [sflag:s19], $0x2800  }
0x5b: {  	[sflag:s19] =	ssyncset.done $0x0  }
0x5c: {  	s30 =	rddreg [dreg:$0x16];
	[sflag:s19] =	ssyncadd.s32 $0xFFFFD800  }
0x5d: {  	[spmem:s30] =	stream.linear.scatter [tilespmem:s11], [sflag:$0x11], $0x2800, $0x38;
	[tilespmem:$0x1E400] =	vst v63  }
0x5e: {  	_ =	swait.ge [sflag:s19], $0x2800  }
0x5f: {  	[sflag:s19] =	ssyncset.done $0x0  }
0x60: {  	s8 =	rddreg [dreg:$0x17];
	[sflag:s19] =	ssyncadd.s32 $0xFFFFD800  }
0x61: {  	[spmem:s8] =	stream.linear.scatter [tilespmem:s11], [sflag:$0x11], $0x2800, $0x38;
	[tilespmem:$0x1E400] =	vst v63  }
0x62: {  	_ =	swait.ge [sflag:s19], $0x2800  }
0x63: {  	[sflag:s19] =	ssyncset.done $0x0  }
0x64: {  	[sflag:s19] =	ssyncadd.s32 $0xFFFFD800  }
0x65: {  	[bflag:$0x0] =	sbarrier.arrive $0xFFFF  }
0x66: {  	s3 =	simm.s32 $0x0;
	s12 =	rddreg [dreg:$0x5]  }
0x67: {  	[tilespmem:s3], [sflag:$0x1] =	stream.linear.gather [hbm4b:s12+s3], $0x50, $0x38;
	[tilespmem:$0x1E400] =	vst v63  }
0x68: {  	s15 =	rddreg [dreg:$0x6]  }
0x69: {  	[tilespmem:s20], [sflag:$0x5] =	stream.linear.gather [hbm4b:s15+s3], $0x50, $0x38;
	[tilespmem:$0x1E400] =	vst v63  }
0x6a: {  	s19 =	rddreg [dreg:$0x7];
	s12 =	simm.s32 $0x80  }
0x6b: {  	[tilespmem:s12], [sflag:$0x2] =	stream.linear.gather [hbm4b:s19+s3], $0x50, $0x38;
	[tilespmem:$0x1E400] =	vst v63  }
0x6c: {  	s20 =	rddreg [dreg:$0x8];
	s15 =	simm.s32 $0x280  }
0x6d: {  	[tilespmem:s15], [sflag:$0x6] =	stream.linear.gather [hbm4b:s20+s3], $0x50, $0x38;
	[tilespmem:$0x1E400] =	vst v63  }
0x6e: {  	s30 =	rddreg [dreg:$0x9];
	s20 =	simm.s32 $0x100  }
0x6f: {  	[tilespmem:s20], [sflag:$0x3] =	stream.linear.gather [hbm4b:s30+s3], $0x50, $0x38;
	[tilespmem:$0x1E400] =	vst v63  }
0x70: {  	s19 =	simm.s32 $0x1;
	s15 =	rddreg [dreg:$0xa]  }
0x71: {  	[tilespmem:s17], [sflag:$0x7] =	stream.linear.gather [hbm4b:s15+s3], $0x50, $0x38;
	[tilespmem:$0x1E400] =	vst v63  }
0x72: {  	_ =	swait.ge [sflag:s19], $0x50  }
0x73: {  	[sflag:s19] =	ssyncset.done $0x0  }
0x74: {  	s30 =	simm.s32 $0x2;
	[sflag:s19] =	ssyncadd.s32 $0xFFFFFFB0  }
0x75: {  	[tilespmem:s11], [sflag:$0x9] =	stream.indirect.gather [hbm4b:s1+s10], $0x80, s3, s10, $0xb8;
	[tilespmem:$0x1E400] =	vst v63  }
0x76: {  	_ =	swait.ge [sflag:s30], $0x50  }
0x77: {  	[sflag:s30] =	ssyncset.done $0x0  }
0x78: {  	s17 =	simm.s32 $0x300;
	[sflag:s30] =	ssyncadd.s32 $0xFFFFFFB0  }
0x79: {  	[tilespmem:s22], [sflag:$0xA] =	stream.indirect.gather [hbm4b:s1+s10], $0x80, s12, s10, $0xb8;
	[tilespmem:$0x1E400] =	vst v63  }
.LBB2_4:
0x7a: {  	_ =	swait.ge [sflag:s13], $0x2800  }
0x7b: {  	[sflag:s13] =	ssyncset.done $0x0  }
0x7c: {  	[sflag:s13] =	ssyncadd.s32 $0xFFFFD800  }
0x7d: {  	_ =	swait.ge [sflag:s18], $0x50  }
0x7e: {  	s19 =	simm.s32 $0x200;
	p0 =	seq.s32 s3, $0x0;
	[sflag:s18] =	ssyncset.done $0x0  }
0x7f: {  	s11 =	simm.s32 $0x400;
	s15 =	simm.s32 @!p0 $0x10;
	[sflag:s18] =	ssyncadd.s32 $0xFFFFFFB0  }
0x80: {  	[spmem:s2] =	stream.indirect.scatter.add.f32 [tilespmem:s11], [sflag:$0xD], $0x80, s19, s10, $0xb8;
	[tilespmem:$0x1E400] =	vst v63  }
0x81: {  	s8 =	sadd.s32 @!p0 $0xF0, s3;
	_ =	swait.ge @!p0 [sflag:s15], $0x2800  }
0x82: {  	s8 =	simm.s32 @p0 $0xF0;
	s12 =	rddreg [dreg:$0x4]  }
0x83: {  	s8 =	sadd.s32 s12, s8  }
0x84: {  	[sflag:s15] =	ssyncset.done @!p0 $0x0;
	s8 =	sshrl.u32 s8, $0x3  }
0x85: {  	[sflag:s15] =	ssyncadd.s32 @!p0 $0xFFFFD800;
	s12 =	simm.s32 $0x180;
	s30 =	sadd.s32 s5, s8  }
0x86: {  	[tilespmem:s12], [sflag:$0x4] =	stream.linear.gather [hbm4b:s30+s4], $0x50, $0x38;
	[tilespmem:$0x1E400] =	vst v63  }
0x87: {  	s8 =	sadd.s32 s7, s8;
	s30 =	simm.s32 $0x3  }
0x88: {  	[tilespmem:s9], [sflag:$0x8] =	stream.linear.gather [hbm4b:s8+s4], $0x50, $0x38;
	[tilespmem:$0x1E400] =	vst v63  }
0x89: {  	_ =	swait.ge [sflag:s30], $0x50  }
0x8a: {  	[sflag:s30] =	ssyncset.done $0x0  }
0x8b: {  	s15 =	simm.s32 $0xA;
	[sflag:s30] =	ssyncadd.s32 $0xFFFFFFB0  }
0x8c: {  	[tilespmem:s21], [sflag:$0xB] =	stream.indirect.gather [hbm4b:s1+s10], $0x80, s20, s10, $0xb8;
	[tilespmem:$0x1E400] =	vst v63  }
0x8d: {  	_ =	swait.ge [sflag:s15], $0x2800  }
0x8e: {  	[sflag:s15] =	ssyncset.done $0x0  }
0x8f: {  	[sflag:s15] =	ssyncadd.s32 $0xFFFFD800  }
0x90: {  	_ =	swait.ge [sflag:s24], $0x50  }
0x91: {  	[sflag:s24] =	ssyncset.done $0x0  }
0x92: {  	s20 =	simm.s32 $0x280;
	[sflag:s24] =	ssyncadd.s32 $0xFFFFFFB0  }
0x93: {  	[spmem:s2] =	stream.indirect.scatter.add.f32 [tilespmem:s22], [sflag:$0xE], $0x80, s20, s10, $0xb8;
	[tilespmem:$0x1E400] =	vst v63  }
0x94: {  	s15 =	smov.u32 s3;
	_ =	swait.ge [sflag:s25], $0x2800  }
0x95: {  	s15 =	simm.s32 @p0 $0x0;
	s22 =	rddreg [dreg:$0xb]  }
0x96: {  	s8 =	sadd.s32 s15, s22  }
0x97: {  	[sflag:s25] =	ssyncset.done $0x0;
	s8 =	sshrl.u32 s8, $0x3  }
0x98: {  	[sflag:s25] =	ssyncadd.s32 $0xFFFFD800;
	s30 =	sadd.s32 s5, s8  }
0x99: {  	[tilespmem:s4], [sflag:$0x1] =	stream.linear.gather [hbm4b:s30+s4], $0x50, $0x38;
	[tilespmem:$0x1E400] =	vst v63  }
0x9a: {  	s8 =	sadd.s32 s7, s8  }
0x9b: {  	[tilespmem:s19], [sflag:$0x5] =	stream.linear.gather [hbm4b:s8+s4], $0x50, $0x38;
	[tilespmem:$0x1E400] =	vst v63  }
0x9c: {  	_ =	swait.ge [sflag:s26], $0x50  }
0x9d: {  	[sflag:s26] =	ssyncset.done $0x0  }
0x9e: {  	[sflag:s26] =	ssyncadd.s32 $0xFFFFFFB0  }
0x9f: {  	[tilespmem:s23], [sflag:$0xC] =	stream.indirect.gather [hbm4b:s1+s10], $0x80, s12, s10, $0xb8;
	[tilespmem:$0x1E400] =	vst v63  }
0xa0: {  	_ =	swait.ge [sflag:s29], $0x2800  }
0xa1: {  	[sflag:s29] =	ssyncset.done $0x0  }
0xa2: {  	[sflag:s29] =	ssyncadd.s32 $0xFFFFD800  }
0xa3: {  	_ =	swait.ge [sflag:s31], $0x50  }
0xa4: {  	[sflag:s31] =	ssyncset.done $0x0  }
0xa5: {  	[sflag:s31] =	ssyncadd.s32 $0xFFFFFFB0  }
0xa6: {  	[spmem:s2] =	stream.indirect.scatter.add.f32 [tilespmem:s21], [sflag:$0xF], $0x80, s17, s10, $0xb8;
	[tilespmem:$0x1E400] =	vst v63  }
0xa7: {  	_ =	swait.ge [sflag:s0], $0x2800  }
0xa8: {  	p0 =	seq.s32 s3, $0x2580;
	s8 =	rddreg [dreg:$0xc]  }
0xa9: {  	s8 =	sadd.s32 @!p0 s15, s8  }
0xaa: {  	s19 =	simm.s32 @!p0 $0x80;
	[sflag:s0] =	ssyncset.done $0x0;
	s8 =	sshrl.u32 @!p0 s8, $0x3  }
0xab: {  	s12 =	simm.s32 @!p0 $0x0;
	[sflag:s0] =	ssyncadd.s32 $0xFFFFD800;
	s30 =	sadd.s32 @!p0 s5, s8  }
0xac: {  	[tilespmem:s19], [sflag:$0x2] =	stream.linear.gather @!p0 [hbm4b:s30+s12], $0x50, $0x38;
	[tilespmem:$0x1E400] =	vst v63  }
0xad: {  	s8 =	sadd.s32 @!p0 s7, s8;
	s19 =	simm.s32 @!p0 $0x280;
	s30 =	simm.s32 $0x1  }
0xae: {  	[tilespmem:s19], [sflag:$0x6] =	stream.linear.gather @!p0 [hbm4b:s8+s12], $0x50, $0x38;
	[tilespmem:$0x1E400] =	vst v63  }
0xaf: {  	_ =	swait.ge [sflag:s30], $0x50  }
0xb0: {  	[sflag:s30] =	ssyncset.done $0x0  }
0xb1: {  	[sflag:s30] =	ssyncadd.s32 $0xFFFFFFB0  }
0xb2: {  	[tilespmem:s11], [sflag:$0x9] =	stream.indirect.gather [hbm4b:s1+s10], $0x80, s4, s10, $0xb8;
	[tilespmem:$0x1E400] =	vst v63  }
0xb3: {  	_ =	swait.ge [sflag:s6], $0x2800  }
0xb4: {  	[sflag:s6] =	ssyncset.done $0x0  }
0xb5: {  	[sflag:s6] =	ssyncadd.s32 $0xFFFFD800  }
0xb6: {  	_ =	swait.ge [sflag:s16], $0x50  }
0xb7: {  	[sflag:s16] =	ssyncset.done $0x0  }
.Ltmp3:
0xb8: {  	[sflag:s16] =	ssyncadd.s32 $0xFFFFFFB0;
	(pc) =	sbr.rel @p0 .LBB2_6-.Ltmp3, $4  }
0xb9: {  	[spmem:s2] =	stream.indirect.scatter.add.f32 [tilespmem:s23], [sflag:$0x10], $0x80, s9, s10, $0xb8;
	[tilespmem:$0x1E400] =	vst v63  }
0xba: {  	_ =	swait.ge [sflag:s14], $0x2800  }
0xbb: {  	s20 =	simm.s32 $0x200;
	[sflag:s14] =	ssyncset.done $0x0  }
0xbc: {  	s22 =	simm.s32 $0x100;
	s8 =	simm.s32 $0x400;
	[sflag:s14] =	ssyncadd.s32 $0xFFFFD800  }
0xbd: {  	s8 =	rddreg [dreg:$0xd]  }
0xbe: {  	s8 =	sadd.s32 s15, s8  }
0xbf: {  	s8 =	sshrl.u32 s8, $0x3  }
0xc0: {  	s12 =	sadd.s32 s5, s8  }
0xc1: {  	[tilespmem:s22], [sflag:$0x3] =	stream.linear.gather [hbm4b:s12+s4], $0x50, $0x38;
	[tilespmem:$0x1E400] =	vst v63  }
0xc2: {  	s8 =	sadd.s32 s7, s8  }
0xc3: {  	[tilespmem:s17], [sflag:$0x7] =	stream.linear.gather [hbm4b:s8+s4], $0x50, $0x38;
	[tilespmem:$0x1E400] =	vst v63  }
.Ltmp4:
0xc4: {  	s22 =	simm.s32 $0x2;
	(pc) =	sbr.rel .LBB2_4-.Ltmp4, $4  }
0xc5: {  	_ =	swait.ge [sflag:s22], $0x50  }
0xc6: {  	s30 =	simm.s32 $0x80;
	s3 =	sadd.s32 $0x140, s3;
	[sflag:s22] =	ssyncset.done $0x0  }
0xc7: {  	s20 =	simm.s32 $0x100;
	[sflag:s22] =	ssyncadd.s32 $0xFFFFFFB0;
	s22 =	simm.s32 $0x2C00  }
0xc8: {  	[tilespmem:s28], [sflag:$0xA] =	stream.indirect.gather [hbm4b:s1+s10], $0x80, s30, s10, $0xb8;
	[tilespmem:$0x1E400] =	vst v63  }
.LBB2_7:
0xc9: {  	_ =	sfence.sel $0x180000  }
0xca: {  	[bflag:$0x0] =	sbarrier.arrive $0xFFFF  }
0xcb: {  	_ =	strace $0x9000004A  }
0xcc: {  	s0 =	stileid.u32;
	[bflag:$0x2] =	sbarrier.arrive $0xFFFF  }
0xcd: {  	p0 =	sne.s32 s0, $0x0;
	s0 =	rddreg [dreg:$0x3]  }
0xce: {  	s0 =	sadd.s32 @!p0 $0x100000, s0  }
0xcf: {  	[sflag:s0] =	ssyncadd.tile.s32 @!p0 $0x1;
	_ =	shalt  }
.Lfunc_end2:
_tile_overlayer_lowered:
.L_overlay_start_2:
0xd0: {  	(tag) =	ssettag $0x2  }
0xd1: {  	s0 =	rddreg [dreg:$0x0];
	s2 =	stileid.u32  }
0xd2: {  	s1 =	rddreg [dreg:$0x1];
	p0 =	sne.s32 s2, $0x0  }
0xd3: {  	s3 =	rddreg [dreg:$0x2];
	[bflag:$0x3] =	sbarrier.arrive $0xFFFF;
	s2 =	simm.s32 @!p0 $0x1C11  }
0xd4: {  	[timem:s3], [sflag:s2] =	dma.local @!p0 [hbm:s0], s1  }
0xd5: {  	s0 =	simm.s32 @!p0 $0x11  }
0xd6: {  	_ =	swait.ge @!p0 [sflag:s0], s1  }
0xd7: {  	s1 =	ssub.s32 @!p0 $0x0, s1;
	[sflag:s0] =	ssyncset.done @!p0 $0x0  }
0xd8: {  	[sflag:s0] =	ssyncadd.s32 @!p0 s1  }
0xd9: {  	[bflag:$0x3] =	sbarrier.arrive $0xFFFF  }
0xda: {  	_ =	shalt  }

// kernel: kernel.13.cloned.1.call-start
scs
__scs_entry_jumppad:
0x0: {  	(pc) =	sbr.rel $0x88, $3  }
0x1: {  	(tag) =	ssettag $0x0;
	lr =	simm.s32 $0x1  }
0x2: {  	[smem:$0x3F94] =	sst lr;
	_ =	strace $0xD0000000  }
0x3: {  	_ = 	snop  }
0x4: {  	_ = 	snop  }
0x5: {  	_ = 	snop  }
0x6: {  	_ = 	snop  }
0x7: {  	_ = 	snop  }
__scs_overlays_trampoline_lowered:
0x8: {  	[smem:$0x3FA3] =	sst s0  }
0x9: {  	[smem:$0x3FA4] =	sst s1  }
0xa: {  	[smem:$0x3FA5] =	sst s2  }
0xb: {  	[smem:$0x3FA6] =	sst s3  }
0xc: {  	[smem:$0x3FA7] =	sst s4  }
0xd: {  	[smem:$0x3FA8] =	sst s5  }
0xe: {  	[smem:$0x3FA9] =	sst s6  }
0xf: {  	[smem:$0x3FAA] =	sst s7  }
0x10: {  	[smem:$0x3FAB] =	sst s8  }
0x11: {  	[smem:$0x3FAC] =	sst s9;
	s0 =	simm.s32 @!p0 $0x0  }
0x12: {  	s1 =	sld [smem:$0x3F92];
	s0 =	simm.s32 @p0 $0x1  }
0x13: {  	[smem:$0x3FAD] =	sst s0;
	s0 =	simm.s32 @!p1 $0x0  }
0x14: {  	s2 =	sld [smem:$0x3F91];
	s0 =	simm.s32 @p1 $0x1  }
0x15: {  	[smem:$0x3FAE] =	sst s0;
	s0 =	simm.s32 @!p2 $0x0  }
0x16: {  	s3 =	sld [smem:$0x3FDB];
	s0 =	simm.s32 @p2 $0x1  }
0x17: {  	s4 =	simm.s32 $0x1BF5;
	[smem:$0x3FB0] =	sst s0  }
0x18: {  	s0 =	sld [smem:$0x3F93];
	_ =	swait.ge [sflag:s4], $0x0  }
0x19: {  	s7 =	sld [smem:$0x3F94]  }
0x1a: {  	s8 =	sadd.s32 $0xFFFFE003, lr  }
0x1b: {  	s9 =	sadd.s32 $0xFFFFFEF7, lr;
	s5 =	simm.s32 $0xFFFFFFFF;
	p2 =	slt.u32 s8, $0xFFFFF086  }
0x1c: {  	p1 =	slt.u32 s9, $0xF7A;
	s5 =	simm.s32 @!p2 $0x0  }
0x1d: {  	s5 =	simm.s32 @p1 $0x1;
	p0 =	seq.s32 s7, s2  }
0x1e: {  	s7 =	smul.u32 @!p0 $0xF7A, s2;
	p2 =	seq.s32 @!p0 s5, $0x0  }
0x1f: {  	s9 =	smul.u32 $0xF7A, s1;
	s8 =	simm.s32 @!p0 $0x1BF5;
	p2 =	por !p2, p0  }
0x20: {  	[sflag:s8] =	ssyncset.s32 @!p0 $0xFFFFF086;
	s6 =	sadd.s32 @!p0 s3, s7;
	s7 =	simm.s32 @!p0 $0x108  }
0x21: {  	s3 =	sadd.s32 s3, s9;
	s6 =	sadd.s32 @!p0 $0x88, s6;
	s7 =	simm.s32 @p2 $0x1082  }
0x22: {  	[simem:s7], [sflag:s8] =	dma.local @!p0 [hbm:s6], $0xF7A  }
0x23: {  	s9 =	sor.u32 $0xD0000000, s2;
	s6 =	simm.s32 $0x108;
	_ =	swait.ge @!p0 [sflag:s8], $0x0  }
0x24: {  	s3 =	sadd.s32 $0x88, s3;
	s6 =	simm.s32 @!p1 $0x1082;
	[sflag:s4] =	ssyncset.s32 $0xFFFFF086  }
0x25: {  	[simem:s6], [sflag:s4] =	dma.local [hbm:s3], $0xF7A  }
0x26: {  	[smem:$0x3F94] =	sst s1;
	(tag) =	ssettag s2;
	_ =	strace s9  }
0x27: {  	s1 =	sld [smem:$0x3FA4]  }
0x28: {  	s2 =	sld [smem:$0x3FA5]  }
0x29: {  	s4 =	sld [smem:$0x3FA7]  }
0x2a: {  	p0 =	seq.s32 s5, $0x0;
	s5 =	sld [smem:$0x3FA8]  }
0x2b: {  	s6 =	sld [smem:$0x3FA9]  }
0x2c: {  	s7 =	sld [smem:$0x3FAA]  }
0x2d: {  	s3 =	simm.s32 $0x108;
	s8 =	sld [smem:$0x3FAB]  }
0x2e: {  	s3 =	simm.s32 @!p0 $0x1082;
	s9 =	sld [smem:$0x3FAC]  }
0x2f: {  	lr =	sadd.s32 s0, s3;
	s0 =	sld [smem:$0x3FA3]  }
0x30: {  	s3 =	sld [smem:$0x3FA6]  }
0x31: {  	[smem:$0x3FAF] =	sst s10  }
0x32: {  	s10 =	sld [smem:$0x3FAD];
	_ =	sdelay $0x3  }
0x33: {  	p0 =	seq.s32 s10, $0x1;
	s10 =	sld [smem:$0x3FAF];
	_ =	sdelay $0x3  }
0x34: {  	[smem:$0x3FAF] =	sst s10  }
0x35: {  	s10 =	sld [smem:$0x3FAE];
	_ =	sdelay $0x3  }
0x36: {  	p1 =	seq.s32 s10, $0x1;
	s10 =	sld [smem:$0x3FAF];
	_ =	sdelay $0x3  }
0x37: {  	[smem:$0x3FAF] =	sst s10  }
0x38: {  	s10 =	sld [smem:$0x3FB0]  }
0x39: {  	_ = 	snop;
	(pc) =	sbr.ind lr, $3  }
0x3a: {  	_ = 	snop  }
0x3b: {  	_ = 	snop  }
0x3c: {  	p2 =	seq.s32 s10, $0x1;
	s10 =	sld [smem:$0x3FAF]  }
0x3d: {  	_ =	shalt  }
0x3e: {  	_ =	shalt  }
0x3f: {  	_ =	shalt  }
0x40: {  	_ =	shalt  }
0x41: {  	_ =	shalt  }
0x42: {  	_ =	shalt  }
0x43: {  	_ =	shalt  }
0x44: {  	_ =	shalt  }
0x45: {  	_ =	shalt  }
0x46: {  	_ =	shalt  }
0x47: {  	_ =	shalt  }
0x48: {  	_ =	shalt  }
0x49: {  	_ =	shalt  }
0x4a: {  	_ =	shalt  }
0x4b: {  	_ =	shalt  }
0x4c: {  	_ =	shalt  }
0x4d: {  	_ =	shalt  }
0x4e: {  	_ =	shalt  }
0x4f: {  	_ =	shalt  }
0x50: {  	_ =	shalt  }
0x51: {  	_ =	shalt  }
0x52: {  	_ =	shalt  }
0x53: {  	_ =	shalt  }
0x54: {  	_ =	shalt  }
0x55: {  	_ =	shalt  }
0x56: {  	_ =	shalt  }
0x57: {  	_ =	shalt  }
0x58: {  	_ =	shalt  }
0x59: {  	_ =	shalt  }
0x5a: {  	_ =	shalt  }
0x5b: {  	_ =	shalt  }
0x5c: {  	_ =	shalt  }
0x5d: {  	_ =	shalt  }
0x5e: {  	_ =	shalt  }
0x5f: {  	_ =	shalt  }
0x60: {  	_ =	shalt  }
0x61: {  	_ =	shalt  }
0x62: {  	_ =	shalt  }
0x63: {  	_ =	shalt  }
0x64: {  	_ =	shalt  }
0x65: {  	_ =	shalt  }
0x66: {  	_ =	shalt  }
0x67: {  	_ =	shalt  }
0x68: {  	_ =	shalt  }
0x69: {  	_ =	shalt  }
0x6a: {  	_ =	shalt  }
0x6b: {  	_ =	shalt  }
0x6c: {  	_ =	shalt  }
0x6d: {  	_ =	shalt  }
0x6e: {  	_ =	shalt  }
0x6f: {  	_ =	shalt  }
0x70: {  	_ =	shalt  }
0x71: {  	_ =	shalt  }
0x72: {  	_ =	shalt  }
0x73: {  	_ =	shalt  }
0x74: {  	_ =	shalt  }
0x75: {  	_ =	shalt  }
0x76: {  	_ =	shalt  }
0x77: {  	_ =	shalt  }
0x78: {  	_ =	shalt  }
0x79: {  	_ =	shalt  }
0x7a: {  	_ =	shalt  }
0x7b: {  	_ =	shalt  }
0x7c: {  	_ =	shalt  }
0x7d: {  	_ =	shalt  }
0x7e: {  	_ =	shalt  }
0x7f: {  	_ =	shalt  }
0x80: {  	_ =	shalt  }
0x81: {  	_ =	shalt  }
0x82: {  	_ =	shalt  }
0x83: {  	_ =	shalt  }
0x84: {  	_ =	shalt  }
0x85: {  	_ =	shalt  }
0x86: {  	_ =	shalt  }
0x87: {  	_ =	shalt  }
.Lfunc_end0:
.L_simem_size_0:
called_computation.2_lowered:
.L_overlay_start_0:
0x88: {  	s2 =	sld [smem:$0x3FD9]  }
0x89: {  	s3 =	sld [smem:$0x3FFE];
	_ =	sdelay $0x1  }
0x8a: {  	s1 =	srdreg.scid  }
0x8b: {  	s0 =	sand.u32 $0x1, s1  }
0x8c: {  	s16 =	sshll.u32 s0, $0xA;
	s2 =	sadd.s32 s3, s2  }
0x8d: {  	s2 =	sadd.s32 s2, s16  }
0x8e: {  	[smem:$0x3FBB] =	sst s2  }
0x8f: {  	_ = 	snop  }
0x90: {  	(tm) =	ssettm $0x1  }
0x91: {  	s17 =	sld [smem:$0x3FFB];
	_ =	sdelay $0x3  }
0x92: {  	_ =	strace s17  }
0x93: {  	s2 =	sld [smem:$0x3FFC];
	_ =	sdelay $0x3  }
0x94: {  	_ =	strace s2  }
0x95: {  	s2 =	sld [smem:$0x3FFD];
	_ =	sdelay $0x3  }
0x96: {  	_ =	strace s2  }
0x97: {  	_ =	strace $0x8FFFFFFF  }
0x98: {  	s18 =	sld [smem:$0x3FDB];
	_ =	sdelay $0x1  }
0x99: {  	s19 =	simm.s32 $_scs_section_size  }
0x9a: {  	s4 =	simm.s32 $_size__tile_overlayer_lowered;
	s5 =	simm.s32 $_tile_overlayer_lowered  }
0x9b: {  	s22 =	simm.s32 $0x1BFF;
	s21 =	sshll.u32 s5, $0x1;
	s2 =	sadd.s32 s19, s18  }
0x9c: {  	s6 =	simm.s32 $0x0;
	s20 =	sshll.u32 s4, $0x1;
	s4 =	sadd.s32 s21, s2  }
0x9d: {  	[timem:s6], [sflag:s22] =	dma.local [hbm:s4], s20  }
0x9e: {  	_ =	swait.ge [sflag:s22], s20  }
0x9f: {  	s3 =	ssub.s32 $0x0, s20;
	[sflag:s22] =	ssyncset.done $0x0  }
0xa0: {  	[sflag:s22] =	ssyncadd.s32 s3;
	_ =	sdelay $0x1  }
0xa1: {  	s23 =	simm.s32 $0x1B8B  }
0xa2: {  	_ =	swait.ge [sflag:s23], $0x1  }
0xa3: {  	[sflag:s23] =	ssyncset.done $0x0  }
0xa4: {  	s25 =	simm.s32 $0x1B8E;
	s24 =	sld [smem:$0x3FFE];
	[sflag:s23] =	ssyncadd.s32 $0xFFFFFFFF  }
0xa5: {  	s26 =	simm.s32 $execute0_lowered;
	[smem:$0x3FD2] =	sst s25  }
0xa6: {  	s4 =	sshll.u32 s26, $0x1;
	_ =	strace $0x8000004C;
	[dreg:$0x1] =	wrdreg $0xFFFFFFFF  }
0xa7: {  	s28 =	simm.s32 $_size_execute0_lowered;
	s2 =	sadd.s32 s2, s4;
	[dreg:$0x0] =	wrdreg $0x0  }
0xa8: {  	s4 =	sshll.u32 s28, $0x1;
	[dreg:$0x2] =	wrdreg s2  }
0xa9: {  	[dreg:$0x3] =	wrdreg s4  }
0xaa: {  	[dreg:$0x4] =	wrdreg $0xC0  }
0xab: {  	_ =	task [dreg:s6], $0x5FFFF  }
0xac: {  	[dreg:$0x1] =	wrdreg $0xFFFFFFFF  }
0xad: {  	[dreg:$0x0] =	wrdreg $0x60  }
0xae: {  	[dreg:$0x2] =	wrdreg s24  }
0xaf: {  	[dreg:$0x3] =	wrdreg $0xA4000  }
0xb0: {  	[dreg:$0x4] =	wrdreg $0x9  }
0xb1: {  	_ =	task.clear_ibuf [dreg:s6], $0x5FFFF;
	_ =	strace $0x9000004C  }
0xb2: {  	s29 =	simm.s32 $0x9;
	_ =	strace $0x8000004E  }
0xb3: {  	_ =	swait.ge [sflag:s29], $0x1  }
0xb4: {  	[sflag:s29] =	ssyncadd.s32 $0xFFFFFFFF  }
0xb5: {  	_ =	strace $0x9000004E  }
0xb6: {  	_ =	sfence  }
0xb7: {  	s30 =	sld [smem:$0x0];
	_ =	sdelay $0x2  }
0xb8: {  	s31 =	sshll.u32 s1, $0xD;
	s1 =	sshrl.u32 s1, $0x2  }
0xb9: {  	s3 =	sand.u32 $0x4000, s31;
	s1 =	sadd.s32 s1, s30  }
0xba: {  	s0 =	sor.u32 s3, s0;
	s1 =	sshll.u32 s1, $0x11  }
0xbb: {  	s0 =	sor.u32 s1, s0  }
0xbc: {  	s0 =	sadd.s32 $0x8F2B, s0  }
0xbd: {  	[sflag:s0] =	ssyncadd.remote.s32 $0x1  }
0xbe: {  	_ =	sfence.sel $0xFFFF  }
0xbf: {  	[dreg:$0x0] =	wrdreg $0xFFFFFFFF;
	(pc) =	sbr.abs _section_cstart, $3  }
0xc0: {  	[dreg:$0x1] =	wrdreg $0xFFFFFFFF  }
0xc1: {  	_ =	task.clear_ibuf [dreg:s6], $0x2FFFF;
	_ =	strace $0x9FFFFFFF  }
0xc2: {  	(tm) =	ssettm $0x7FFFFFFF  }
0xc3: {  	_ =	shalt  }
tec
execute0_lowered:
.L_overlay_start_1:
0x0: {  	(tag) =	ssettag $0x1  }
0x1: {  	s0 =	rddreg [dreg:$0x0]  }
0x2: {  	s1 =	rddreg [dreg:$0x1];
	s3 =	simm.s32 $0x0;
	s2 =	srdreg.scid  }
0x3: {  	s11 =	stileid.u32;
	[smem:$0x7FF] =	sst s3  }
0x4: {  	s2 =	sand.u32 $0x1, s2;
	s8 =	smul.u32 $0x14000, s11;
	s16 =	sadd.s32 $0x17400, s0  }
0x5: {  	s5 =	sadd.s32 $0x3E600, s0;
	s6 =	sadd.s32 $0xD600, s0;
	s22 =	smul.u32 $0x4E20, s11  }
0x6: {  	_ =	strace $0x8000004D;
	s9 =	ssub.s32 $0x2, s2;
	[dreg:$0x18] =	wrdreg s5  }
0x7: {  	s7 =	smul.u32 $0x140000, s2;
	[dreg:$0x19] =	wrdreg s16;
	s10 =	sshrl.u32 s9, $0x1  }
0x8: {  	s31 =	sshrl.u32 s22, $0x3;
	s30 =	sadd.s32 $0x1E0, s22;
	[dreg:$0x3] =	wrdreg s22  }
0x9: {  	s14 =	sadd.s32 $0x140, s22;
	s21 =	sadd.s32 $0x190, s22;
	[dreg:$0x4] =	wrdreg s30  }
0xa: {  	s7 =	sadd.s32 s8, s7;
	s8 =	sadd.s32 $0x3800, s0;
	[dreg:$0x5] =	wrdreg s14  }
0xb: {  	s29 =	ssub.s32 s9, s10;
	s4 =	sadd.s32 s6, s31;
	[dreg:$0x6] =	wrdreg s21  }
0xc: {  	s12 =	sadd.s32 $0xA, s31;
	[dreg:$0x7] =	wrdreg s4;
	s10 =	sadd.s32 s8, s31  }
0xd: {  	p0 =	seq.s32 s2, $0x1;
	s15 =	sadd.s32 s6, s12;
	[dreg:$0x8] =	wrdreg s10  }
0xe: {  	s9 =	sadd.s32 $0x14, s31;
	s2 =	sadd.s32 s8, s12;
	[dreg:$0x9] =	wrdreg s15  }
0xf: {  	s13 =	smul.u32 $0x50000, s11;
	s17 =	sadd.s32 s6, s9;
	[dreg:$0xa] =	wrdreg s2  }
0x10: {  	s18 =	sadd.s32 s8, s9;
	[dreg:$0xb] =	wrdreg s17  }
0x11: {  	s19 =	sshrl.u32 s13, $0x2;
	s20 =	smax.u32 s29, $0x1;
	[dreg:$0xc] =	wrdreg s18  }
0x12: {  	s9 =	sadd.s32 s19, s1;
	[dreg:$0xf] =	wrdreg s20  }
0x13: {  	s23 =	sadd.s32 $0x2800, s9;
	[dreg:$0xd] =	wrdreg s9  }
0x14: {  	s24 =	sadd.s32 $0x5000, s9;
	[dreg:$0x10] =	wrdreg s23  }
0x15: {  	s25 =	sadd.s32 $0x7800, s9;
	[dreg:$0x11] =	wrdreg s24  }
0x16: {  	s7 =	sshrl.u32 s7, $0x3;
	s26 =	sadd.s32 $0xA000, s9;
	[dreg:$0x12] =	wrdreg s25  }
.Ltmp0:
0x17: {  	s28 =	sadd.s32 $0xC800, s9;
	[dreg:$0x13] =	wrdreg s26;
	(pc) =	sbr.rel .LBB2_1-.Ltmp0, $4  }
0x18: {  	s12 =	simm.s32 $0x50;
	s29 =	sadd.s32 $0xF000, s9;
	[dreg:$0x14] =	wrdreg s28  }
0x19: {  	s0 =	sadd.s32 s7, s0;
	s31 =	sadd.s32 $0x11800, s9;
	[dreg:$0x15] =	wrdreg s29  }
0x1a: {  	s10 =	simm.s32 $0x7C00;
	s0 =	sadd.s32 $0x65800, s0;
	[dreg:$0x16] =	wrdreg s31  }
0x1b: {  	v0 =	vimm.f32 $0.0e+00;
	s7 =	simm.s32 $0x0;
	s24 =	simm.s32 $0x11;
	[dreg:$0xe] =	wrdreg s0  }
.LBB2_6:
0x1c: {  	s9 =	rddreg [dreg:$0xd]  }
0x1d: {  	s1 =	smov.u32 s23;
	[sflag:s0] =	ssyncset.done $0x0;
	s7 =	rddreg [dreg:$0x17]  }
0x1e: {  	s11 =	simm.s32 $0x2C00;
	s5 =	rddreg [dreg:$0x18];
	[sflag:s0] =	ssyncadd.s32 $0xFFFFFFB0  }
0x1f: {  	[tilespmem:s20], [sflag:$0xA] =	stream.indirect.gather [hbm4b:s16+s12], $0x80, s4, s12, $0xb8;
	[tilespmem:$0x1E400] =	vst v63  }
.LBB2_10:
0x20: {  	s0 =	simm.s32 $0x9  }
0x21: {  	_ =	swait.ge [sflag:s0], $0x2800  }
0x22: {  	[sflag:s0] =	ssyncset.done $0x0  }
0x23: {  	s18 =	simm.s32 $0x5;
	[sflag:s0] =	ssyncadd.s32 $0xFFFFD800  }
0x24: {  	_ =	swait.ge [sflag:s18], $0x50  }
0x25: {  	s19 =	simm.s32 $0x400;
	[sflag:s18] =	ssyncset.done $0x0  }
0x26: {  	s2 =	simm.s32 $0x200;
	s20 =	simm.s32 $0x10;
	[sflag:s18] =	ssyncadd.s32 $0xFFFFFFB0  }
0x27: {  	[spmem:s1] =	stream.indirect.scatter.add.f32 [tilespmem:s19], [sflag:$0xD], $0x80, s2, s12, $0xb8;
	[tilespmem:$0x1E400] =	vst v63  }
0x28: {  	_ =	swait.ge [sflag:s20], $0x2800  }
0x29: {  	[sflag:s20] =	ssyncset.done $0x0  }
0x2a: {  	s23 =	simm.s32 $0xA;
	[sflag:s20] =	ssyncadd.s32 $0xFFFFD800  }
0x2b: {  	_ =	swait.ge [sflag:s23], $0x2800  }
0x2c: {  	[sflag:s23] =	ssyncset.done $0x0  }
0x2d: {  	s24 =	simm.s32 $0x6;
	[sflag:s23] =	ssyncadd.s32 $0xFFFFD800  }
0x2e: {  	_ =	swait.ge [sflag:s24], $0x50  }
0x2f: {  	[sflag:s24] =	ssyncset.done $0x0  }
0x30: {  	s25 =	simm.s32 $0xD;
	[sflag:s24] =	ssyncadd.s32 $0xFFFFFFB0  }
0x31: {  	[spmem:s1] =	stream.indirect.scatter.add.f32 [tilespmem:s11], [sflag:$0xE], $0x80, s13, s12, $0xb8;
	[tilespmem:$0x1E400] =	vst v63  }
0x32: {  	_ =	swait.ge [sflag:s25], $0x2800  }
0x33: {  	[sflag:s25] =	ssyncset.done $0x0  }
0x34: {  	s26 =	simm.s32 $0xE;
	[sflag:s25] =	ssyncadd.s32 $0xFFFFD800  }
0x35: {  	_ =	swait.ge [sflag:s26], $0x2800  }
0x36: {  	[sflag:s26] =	ssyncset.done $0x0  }
0x37: {  	s28 =	stileid.u32;
	[sflag:s26] =	ssyncadd.s32 $0xFFFFD800  }
0x38: {  	s0 =	sshll.u32 s28, $0x6;
	[bflag:$0x0] =	sbarrier.arrive $0xFFFF  }
0x39: {  	s29 =	sshrl.u32 s9, $0x3;
	s0 =	sor.u32 $0x1C11, s0;
	s24 =	rddreg [dreg:$0xe]  }
0x3a: {  	[hbm:s24], [sflag:s0] =	dma.local [spmem:s29], $0x2800  }
0x3b: {  	s24 =	simm.s32 $0x11  }
0x3c: {  	_ =	swait.ge [sflag:s24], $0x2800  }
0x3d: {  	s7 =	sadd.s32 $0x1, s7;
	s31 =	rddreg [dreg:$0xf]  }
0x3e: {  	p1 =	sne.s32 s7, s31  }
.Ltmp1:
0x3f: {  	_ = 	snop;
	(pc) =	sbr.rel @!p1 .LBB2_11-.Ltmp1, $3  }
0x40: {  	_ =	sdelay $0x1  }
0x41: {  	[sflag:s24] =	ssyncset.done $0x0  }
0x42: {  	s10 =	simm.s32 $0x7C00;
	s30 =	rddreg [dreg:$0x4];
	[sflag:s24] =	ssyncadd.s32 $0xFFFFD800  }
.LBB2_1:
0x43: {  	s0 =	sand.u32 $0xFE00, s3  }
0x44: {  	[dreg:$0x17] =	wrdreg s7;
	s2 =	sand.u32 $0x70, s3;
	s29 =	sshrl.u32 s0, $0x2  }
0x45: {  	s0 =	simm.s32 $0x40;
	s29 =	sor.u32 s2, s29;
	s2 =	simm.s32 $0x0  }
.LBB2_2:
0x46: {  	p1 =	sne.s32 s0, $0x9FC0  }
0x47: {  	[tilespmem:s29+$0x400] =	vst v0;
	s2 =	sadd.s32 $0x10, s2;
	s29 =	smov.u32 s0;
	s0 =	sadd.s32 $0x40, s0  }
.Ltmp2:
0x48: {  	(pc) =	sbr.rel @p1 .LBB2_2-.Ltmp2, $4  }
0x49: {  	_ = 	snop  }
0x4a: {  	s29 =	sand.u32 $0xFE00, s29  }
0x4b: {  	s31 =	sand.u32 $0x70, s2;
	s29 =	sshrl.u32 s29, $0x2  }
0x4c: {  	s29 =	sor.u32 s31, s29  }
0x4d: {  	[tilespmem:s29+$0x400] =	vst v0;
	s11 =	simm.s32 $0x400  }
0x4e: {  	[spmem:s9] =	stream.linear.scatter [tilespmem:s11], [sflag:$0x11], $0x2800, $0x38;
	[tilespmem:$0x1E400] =	vst v63  }
0x4f: {  	_ =	swait.ge [sflag:s24], $0x2800  }
0x50: {  	[sflag:s24] =	ssyncset.done $0x0  }
0x51: {  	s0 =	rddreg [dreg:$0x10];
	[sflag:s24] =	ssyncadd.s32 $0xFFFFD800  }
0x52: {  	[spmem:s0] =	stream.linear.scatter [tilespmem:s11], [sflag:$0x11], $0x2800, $0x38;
	[tilespmem:$0x1E400] =	vst v63  }
0x53: {  	_ =	swait.ge [sflag:s24], $0x2800  }
0x54: {  	[sflag:s24] =	ssyncset.done $0x0  }
0x55: {  	s4 =	rddreg [dreg:$0x11];
	[sflag:s24] =	ssyncadd.s32 $0xFFFFD800  }
0x56: {  	[spmem:s4] =	stream.linear.scatter [tilespmem:s11], [sflag:$0x11], $0x2800, $0x38;
	[tilespmem:$0x1E400] =	vst v63  }
0x57: {  	_ =	swait.ge [sflag:s24], $0x2800  }
0x58: {  	[sflag:s24] =	ssyncset.done $0x0  }
0x59: {  	s7 =	rddreg [dreg:$0x12];
	[sflag:s24] =	ssyncadd.s32 $0xFFFFD800  }
0x5a: {  	[spmem:s7] =	stream.linear.scatter [tilespmem:s11], [sflag:$0x11], $0x2800, $0x38;
	[tilespmem:$0x1E400] =	vst v63  }
0x5b: {  	_ =	swait.ge [sflag:s24], $0x2800  }
0x5c: {  	[sflag:s24] =	ssyncset.done $0x0  }
0x5d: {  	s9 =	rddreg [dreg:$0x13];
	[sflag:s24] =	ssyncadd.s32 $0xFFFFD800  }
0x5e: {  	[spmem:s9] =	stream.linear.scatter [tilespmem:s11], [sflag:$0x11], $0x2800, $0x38;
	[tilespmem:$0x1E400] =	vst v63  }
0x5f: {  	_ =	swait.ge [sflag:s24], $0x2800  }
0x60: {  	[sflag:s24] =	ssyncset.done $0x0  }
0x61: {  	s13 =	rddreg [dreg:$0x14];
	[sflag:s24] =	ssyncadd.s32 $0xFFFFD800  }
0x62: {  	[spmem:s13] =	stream.linear.scatter [tilespmem:s11], [sflag:$0x11], $0x2800, $0x38;
	[tilespmem:$0x1E400] =	vst v63  }
0x63: {  	_ =	swait.ge [sflag:s24], $0x2800  }
0x64: {  	[sflag:s24] =	ssyncset.done $0x0  }
0x65: {  	s15 =	rddreg [dreg:$0x15];
	[sflag:s24] =	ssyncadd.s32 $0xFFFFD800  }
0x66: {  	[spmem:s15] =	stream.linear.scatter [tilespmem:s11], [sflag:$0x11], $0x2800, $0x38;
	[tilespmem:$0x1E400] =	vst v63  }
0x67: {  	_ =	swait.ge [sflag:s24], $0x2800  }
0x68: {  	[sflag:s24] =	ssyncset.done $0x0  }
0x69: {  	s17 =	rddreg [dreg:$0x16];
	[sflag:s24] =	ssyncadd.s32 $0xFFFFD800  }
0x6a: {  	[spmem:s17] =	stream.linear.scatter [tilespmem:s11], [sflag:$0x11], $0x2800, $0x38;
	[tilespmem:$0x1E400] =	vst v63  }
0x6b: {  	_ =	swait.ge [sflag:s24], $0x2800  }
0x6c: {  	[sflag:s24] =	ssyncset.done $0x0  }
0x6d: {  	[sflag:s24] =	ssyncadd.s32 $0xFFFFD800  }
0x6e: {  	[bflag:$0x0] =	sbarrier.arrive $0xFFFF  }
0x6f: {  	s18 =	rddreg [dreg:$0x7]  }
0x70: {  	[tilespmem:s3], [sflag:$0x1] =	stream.linear.gather [hbm4b:s18+s3], $0x50, $0x38;
	[tilespmem:$0x1E400] =	vst v63  }
0x71: {  	s24 =	simm.s32 $0x200;
	s19 =	rddreg [dreg:$0x8]  }
0x72: {  	[tilespmem:s24], [sflag:$0x5] =	stream.linear.gather [hbm4b:s19+s3], $0x50, $0x38;
	[tilespmem:$0x1E400] =	vst v63  }
0x73: {  	s13 =	simm.s32 $0x80;
	s20 =	rddreg [dreg:$0x9]  }
0x74: {  	[tilespmem:s13], [sflag:$0x2] =	stream.linear.gather [hbm4b:s20+s3], $0x50, $0x38;
	[tilespmem:$0x1E400] =	vst v63  }
0x75: {  	s2 =	simm.s32 $0x280;
	s23 =	rddreg [dreg:$0xa]  }
0x76: {  	[tilespmem:s2], [sflag:$0x6] =	stream.linear.gather [hbm4b:s23+s3], $0x50, $0x38;
	[tilespmem:$0x1E400] =	vst v63  }
0x77: {  	s29 =	simm.s32 $0x100;
	s31 =	simm.s32 $0x300;
	s25 =	rddreg [dreg:$0xb]  }
0x78: {  	[tilespmem:s29], [sflag:$0x3] =	stream.linear.gather [hbm4b:s25+s3], $0x50, $0x38;
	[tilespmem:$0x1E400] =	vst v63  }
.Ltmp3:
0x79: {  	s28 =	simm.s32 $0x1;
	s26 =	rddreg [dreg:$0xc];
	(pc) =	sbr.rel @!p0 .LBB2_4-.Ltmp3, $4  }
0x7a: {  	[tilespmem:s31], [sflag:$0x7] =	stream.linear.gather [hbm4b:s26+s3], $0x50, $0x38;
	[tilespmem:$0x1E400] =	vst v63  }
0x7b: {  	_ =	swait.ge [sflag:s28], $0x50  }
0x7c: {  	[sflag:s28] =	ssyncset.done $0x0  }
0x7d: {  	s0 =	simm.s32 $0x0;
	[sflag:s28] =	ssyncadd.s32 $0xFFFFFFB0  }
0x7e: {  	[tilespmem:s11], [sflag:$0x9] =	stream.indirect.gather [hbm4b:s5+s12], $0x80, s0, s12, $0xb8;
	[tilespmem:$0x1E400] =	vst v63  }
0x7f: {  	s2 =	simm.s32 $0x2  }
0x80: {  	_ =	swait.ge [sflag:s2], $0x50  }
0x81: {  	[sflag:s2] =	ssyncset.done $0x0  }
0x82: {  	s7 =	simm.s32 $0x2C00;
	s23 =	simm.s32 $0x9;
	[sflag:s2] =	ssyncadd.s32 $0xFFFFFFB0  }
0x83: {  	[tilespmem:s7], [sflag:$0xA] =	stream.indirect.gather [hbm4b:s5+s12], $0x80, s13, s12, $0xb8;
	[tilespmem:$0x1E400] =	vst v63  }
0x84: {  	_ =	swait.ge [sflag:s23], $0x2800  }
0x85: {  	[sflag:s23] =	ssyncset.done $0x0  }
0x86: {  	s4 =	simm.s32 $0x5;
	[sflag:s23] =	ssyncadd.s32 $0xFFFFD800  }
0x87: {  	p1 =	por $0x1, $0x1;
	_ =	swait.ge [sflag:s4], $0x50  }
0x88: {  	s9 =	smov.u32 s14;
	s2 =	simm.s32 @!p1 $0xF0;
	[sflag:s4] =	ssyncset.done $0x0  }
0x89: {  	s14 =	simm.s32 @!p1 $0x10;
	s2 =	simm.s32 @p1 $0xF0;
	[sflag:s4] =	ssyncadd.s32 $0xFFFFFFB0  }
0x8a: {  	[spmem:s1] =	stream.indirect.scatter.add.f32 [tilespmem:s11], [sflag:$0xD], $0x80, s24, s12, $0xb8;
	[tilespmem:$0x1E400] =	vst v63  }
0x8b: {  	s2 =	sadd.s32 s22, s2;
	_ =	swait.ge @!p1 [sflag:s14], $0x2800  }
0x8c: {  	s2 =	sshrl.u32 s2, $0x3;
	[sflag:s14] =	ssyncset.done @!p1 $0x0  }
0x8d: {  	s26 =	simm.s32 $0x180;
	s25 =	sadd.s32 s6, s2;
	[sflag:s14] =	ssyncadd.s32 @!p1 $0xFFFFD800  }
0x8e: {  	[tilespmem:s26], [sflag:$0x4] =	stream.linear.gather [hbm4b:s25+s3], $0x50, $0x38;
	[tilespmem:$0x1E400] =	vst v63  }
0x8f: {  	s19 =	simm.s32 $0x380;
	s18 =	simm.s32 $0x3;
	s2 =	sadd.s32 s8, s2  }
0x90: {  	[tilespmem:s19], [sflag:$0x8] =	stream.linear.gather [hbm4b:s2+s3], $0x50, $0x38;
	[tilespmem:$0x1E400] =	vst v63  }
0x91: {  	_ =	swait.ge [sflag:s18], $0x50  }
0x92: {  	[sflag:s18] =	ssyncset.done $0x0  }
0x93: {  	s17 =	simm.s32 $0x5400;
	s20 =	simm.s32 $0xA;
	[sflag:s18] =	ssyncadd.s32 $0xFFFFFFB0  }
0x94: {  	[tilespmem:s17], [sflag:$0xB] =	stream.indirect.gather [hbm4b:s5+s12], $0x80, s29, s12, $0xb8;
	[tilespmem:$0x1E400] =	vst v63  }
0x95: {  	_ =	swait.ge [sflag:s20], $0x2800  }
0x96: {  	[sflag:s20] =	ssyncset.done $0x0  }
0x97: {  	s28 =	simm.s32 $0x6;
	[sflag:s20] =	ssyncadd.s32 $0xFFFFD800  }
0x98: {  	_ =	swait.ge [sflag:s28], $0x50  }
0x99: {  	s16 =	simm.s32 $0x280;
	[sflag:s28] =	ssyncset.done $0x0  }
0x9a: {  	s0 =	simm.s32 @p1 $0x0;
	s18 =	simm.s32 $0xD;
	[sflag:s28] =	ssyncadd.s32 $0xFFFFFFB0  }
0x9b: {  	[spmem:s1] =	stream.indirect.scatter.add.f32 [tilespmem:s7], [sflag:$0xE], $0x80, s16, s12, $0xb8;
	[tilespmem:$0x1E400] =	vst v63  }
0x9c: {  	s15 =	smov.u32 s21;
	s21 =	sadd.s32 s0, s9;
	_ =	swait.ge [sflag:s18], $0x2800  }
0x9d: {  	s2 =	sshrl.u32 s21, $0x3;
	[sflag:s18] =	ssyncset.done $0x0  }
0x9e: {  	s23 =	sadd.s32 s6, s2;
	[sflag:s18] =	ssyncadd.s32 $0xFFFFD800  }
0x9f: {  	[tilespmem:s3], [sflag:$0x1] =	stream.linear.gather [hbm4b:s23+s3], $0x50, $0x38;
	[tilespmem:$0x1E400] =	vst v63  }
0xa0: {  	s9 =	simm.s32 $0x4;
	s2 =	sadd.s32 s8, s2  }
0xa1: {  	[tilespmem:s24], [sflag:$0x5] =	stream.linear.gather [hbm4b:s2+s3], $0x50, $0x38;
	[tilespmem:$0x1E400] =	vst v63  }
0xa2: {  	_ =	swait.ge [sflag:s9], $0x50  }
0xa3: {  	[sflag:s9] =	ssyncset.done $0x0  }
0xa4: {  	[sflag:s9] =	ssyncadd.s32 $0xFFFFFFB0  }
0xa5: {  	[tilespmem:s10], [sflag:$0xC] =	stream.indirect.gather [hbm4b:s5+s12], $0x80, s26, s12, $0xb8;
	[tilespmem:$0x1E400] =	vst v63  }
0xa6: {  	s10 =	simm.s32 $0xB  }
0xa7: {  	_ =	swait.ge [sflag:s10], $0x2800  }
0xa8: {  	[sflag:s10] =	ssyncset.done $0x0  }
0xa9: {  	s7 =	simm.s32 $0x7;
	[sflag:s10] =	ssyncadd.s32 $0xFFFFD800  }
0xaa: {  	_ =	swait.ge [sflag:s7], $0x50  }
0xab: {  	[sflag:s7] =	ssyncset.done $0x0  }
0xac: {  	s25 =	sadd.s32 s0, s15;
	s15 =	simm.s32 $0xE;
	[sflag:s7] =	ssyncadd.s32 $0xFFFFFFB0  }
0xad: {  	[spmem:s1] =	stream.indirect.scatter.add.f32 [tilespmem:s17], [sflag:$0xF], $0x80, s31, s12, $0xb8;
	[tilespmem:$0x1E400] =	vst v63  }
0xae: {  	_ =	swait.ge [sflag:s15], $0x2800  }
0xaf: {  	s2 =	sshrl.u32 s25, $0x3;
	[sflag:s15] =	ssyncset.done $0x0  }
0xb0: {  	s26 =	sadd.s32 s6, s2;
	[sflag:s15] =	ssyncadd.s32 $0xFFFFD800  }
0xb1: {  	[tilespmem:s13], [sflag:$0x2] =	stream.linear.gather [hbm4b:s26+s3], $0x50, $0x38;
	[tilespmem:$0x1E400] =	vst v63  }
0xb2: {  	s29 =	simm.s32 $0x1;
	s2 =	sadd.s32 s8, s2  }
0xb3: {  	[tilespmem:s16], [sflag:$0x6] =	stream.linear.gather [hbm4b:s2+s3], $0x50, $0x38;
	[tilespmem:$0x1E400] =	vst v63  }
0xb4: {  	_ =	swait.ge [sflag:s29], $0x50  }
0xb5: {  	[sflag:s29] =	ssyncset.done $0x0  }
0xb6: {  	s16 =	simm.s32 $0xC;
	[sflag:s29] =	ssyncadd.s32 $0xFFFFFFB0  }
0xb7: {  	[tilespmem:s11], [sflag:$0x9] =	stream.indirect.gather [hbm4b:s5+s12], $0x80, s3, s12, $0xb8;
	[tilespmem:$0x1E400] =	vst v63  }
0xb8: {  	_ =	swait.ge [sflag:s16], $0x2800  }
0xb9: {  	[sflag:s16] =	ssyncset.done $0x0  }
0xba: {  	s17 =	simm.s32 $0x8;
	[sflag:s16] =	ssyncadd.s32 $0xFFFFD800  }
0xbb: {  	p1 =	por $0x0, $0x0;
	_ =	swait.ge [sflag:s17], $0x50  }
0xbc: {  	s0 =	sadd.s32 @!p1 s0, s30;
	[sflag:s17] =	ssyncset.done $0x0  }
0xbd: {  	s30 =	simm.s32 $0xF;
	s24 =	simm.s32 $0x7C00;
	[sflag:s17] =	ssyncadd.s32 $0xFFFFFFB0  }
0xbe: {  	[spmem:s1] =	stream.indirect.scatter.add.f32 [tilespmem:s24], [sflag:$0x10], $0x80, s19, s12, $0xb8;
	[tilespmem:$0x1E400] =	vst v63  }
0xbf: {  	_ =	swait.ge [sflag:s30], $0x2800  }
0xc0: {  	s14 =	simm.s32 @!p1 $0x0;
	s0 =	sshrl.u32 @!p1 s0, $0x3;
	[sflag:s30] =	ssyncset.done $0x0  }
0xc1: {  	s21 =	simm.s32 @!p1 $0x100;
	s2 =	sadd.s32 @!p1 s6, s0;
	[sflag:s30] =	ssyncadd.s32 $0xFFFFD800  }
0xc2: {  	[tilespmem:s21], [sflag:$0x3] =	stream.linear.gather @!p1 [hbm4b:s2+s14], $0x50, $0x38;
	[tilespmem:$0x1E400] =	vst v63  }
0xc3: {  	s0 =	sadd.s32 @!p1 s8, s0;
	s2 =	simm.s32 @!p1 $0x300  }
0xc4: {  	[tilespmem:s2], [sflag:$0x7] =	stream.linear.gather @!p1 [hbm4b:s0+s14], $0x50, $0x38;
	[tilespmem:$0x1E400] =	vst v63  }
0xc5: {  	s0 =	simm.s32 $0x2  }
0xc6: {  	s31 =	simm.s32 $0x140;
	_ =	swait.ge [sflag:s0], $0x50  }
.LBB2_8:
0xc7: {  	[sflag:s0] =	ssyncset.done $0x0;
	s2 =	simm.s32 $0x2;
	s0 =	smov.u32 s31  }
0xc8: {  	s24 =	simm.s32 $0x2C00;
	s23 =	simm.s32 $0x80;
	s29 =	simm.s32 $0x9  }
0xc9: {  	s4 =	simm.s32 $0x5;
	s25 =	simm.s32 $0x400;
	[sflag:s2] =	ssyncadd.s32 $0xFFFFFFB0  }
0xca: {  	[tilespmem:s24], [sflag:$0xA] =	stream.indirect.gather [hbm4b:s5+s12], $0x80, s23, s12, $0xb8;
	[tilespmem:$0x1E400] =	vst v63  }
0xcb: {  	s26 =	simm.s32 $0x200;
	s19 =	simm.s32 $0x180;
	_ =	swait.ge [sflag:s29], $0x2800  }
0xcc: {  	s20 =	simm.s32 $0x3;
	p3 =	seq.s32 s0, $0x0;
	[sflag:s29] =	ssyncset.done $0x0  }
0xcd: {  	p2 =	seq.s32 s0, $0x4C40;
	s2 =	sadd.s32 @!p3 $0xF0, s0;
	[sflag:s29] =	ssyncadd.s32 $0xFFFFD800  }
0xce: {  	s14 =	simm.s32 @!p3 $0x10;
	s2 =	simm.s32 @p3 $0xF0;
	_ =	swait.ge [sflag:s4], $0x50  }
0xcf: {  	s0 =	simm.s32 @p3 $0x0;
	s2 =	sadd.s32 s22, s2;
	[sflag:s4] =	ssyncset.done $0x0  }
0xd0: {  	s29 =	sshrl.u32 s2, $0x3;
	s11 =	rddreg [dreg:$0x5];
	[sflag:s4] =	ssyncadd.s32 $0xFFFFFFB0  }
0xd1: {  	[spmem:s1] =	stream.indirect.scatter.add.f32 [tilespmem:s25], [sflag:$0xD], $0x80, s26, s12, $0xb8;
	[tilespmem:$0x1E400] =	vst v63  }
0xd2: {  	s13 =	sadd.s32 s6, s29;
	s4 =	rddreg [dreg:$0x6];
	_ =	swait.ge @!p3 [sflag:s14], $0x2800  }
0xd3: {  	s29 =	sadd.s32 s8, s29;
	s21 =	sadd.s32 s0, s11;
	[sflag:s14] =	ssyncset.done @!p3 $0x0  }
0xd4: {  	s11 =	sadd.s32 s0, s4;
	s4 =	rddreg [dreg:$0x4];
	[sflag:s14] =	ssyncadd.s32 @!p3 $0xFFFFD800  }
0xd5: {  	[tilespmem:s19], [sflag:$0x4] =	stream.linear.gather [hbm4b:s13+s3], $0x50, $0x38;
	[tilespmem:$0x1E400] =	vst v63  }
0xd6: {  	s22 =	rddreg [dreg:$0x3];
	s0 =	sadd.s32 @!p2 s0, s4;
	s4 =	simm.s32 $0x380  }
0xd7: {  	[tilespmem:s4], [sflag:$0x8] =	stream.linear.gather [hbm4b:s29+s3], $0x50, $0x38;
	[tilespmem:$0x1E400] =	vst v63  }
0xd8: {  	s14 =	sshrl.u32 @!p2 s0, $0x3;
	s13 =	simm.s32 $0x100;
	_ =	swait.ge [sflag:s20], $0x50  }
0xd9: {  	s0 =	sadd.s32 @!p2 s6, s14;
	s29 =	sadd.s32 @!p2 s8, s14;
	[sflag:s20] =	ssyncset.done $0x0  }
0xda: {  	s14 =	simm.s32 $0xA;
	[sflag:s20] =	ssyncadd.s32 $0xFFFFFFB0;
	s20 =	simm.s32 $0x5400  }
0xdb: {  	[tilespmem:s20], [sflag:$0xB] =	stream.indirect.gather [hbm4b:s5+s12], $0x80, s13, s12, $0xb8;
	[tilespmem:$0x1E400] =	vst v63  }
0xdc: {  	_ =	swait.ge [sflag:s14], $0x2800  }
0xdd: {  	[sflag:s14] =	ssyncset.done $0x0  }
0xde: {  	[sflag:s14] =	ssyncadd.s32 $0xFFFFD800  }
0xdf: {  	_ =	swait.ge [sflag:s28], $0x50  }
0xe0: {  	[sflag:s28] =	ssyncset.done $0x0  }
0xe1: {  	s13 =	simm.s32 $0x280;
	[sflag:s28] =	ssyncadd.s32 $0xFFFFFFB0  }
0xe2: {  	[spmem:s1] =	stream.indirect.scatter.add.f32 [tilespmem:s24], [sflag:$0xE], $0x80, s13, s12, $0xb8;
	[tilespmem:$0x1E400] =	vst v63  }
0xe3: {  	_ =	swait.ge [sflag:s18], $0x2800  }
0xe4: {  	s14 =	sshrl.u32 s21, $0x3;
	[sflag:s18] =	ssyncset.done $0x0  }
0xe5: {  	s21 =	sadd.s32 s6, s14;
	[sflag:s18] =	ssyncadd.s32 $0xFFFFD800  }
0xe6: {  	[tilespmem:s3], [sflag:$0x1] =	stream.linear.gather [hbm4b:s21+s3], $0x50, $0x38;
	[tilespmem:$0x1E400] =	vst v63  }
0xe7: {  	s14 =	sadd.s32 s8, s14  }
0xe8: {  	[tilespmem:s26], [sflag:$0x5] =	stream.linear.gather [hbm4b:s14+s3], $0x50, $0x38;
	[tilespmem:$0x1E400] =	vst v63  }
0xe9: {  	_ =	swait.ge [sflag:s9], $0x50  }
0xea: {  	[sflag:s9] =	ssyncset.done $0x0  }
0xeb: {  	s21 =	simm.s32 $0x7C00;
	[sflag:s9] =	ssyncadd.s32 $0xFFFFFFB0  }
0xec: {  	[tilespmem:s21], [sflag:$0xC] =	stream.indirect.gather [hbm4b:s5+s12], $0x80, s19, s12, $0xb8;
	[tilespmem:$0x1E400] =	vst v63  }
0xed: {  	_ =	swait.ge [sflag:s10], $0x2800  }
0xee: {  	[sflag:s10] =	ssyncset.done $0x0  }
0xef: {  	[sflag:s10] =	ssyncadd.s32 $0xFFFFD800  }
0xf0: {  	_ =	swait.ge [sflag:s7], $0x50  }
0xf1: {  	[sflag:s7] =	ssyncset.done $0x0  }
0xf2: {  	s19 =	simm.s32 $0x300;
	[sflag:s7] =	ssyncadd.s32 $0xFFFFFFB0  }
0xf3: {  	[spmem:s1] =	stream.indirect.scatter.add.f32 [tilespmem:s20], [sflag:$0xF], $0x80, s19, s12, $0xb8;
	[tilespmem:$0x1E400] =	vst v63  }
0xf4: {  	_ =	swait.ge [sflag:s15], $0x2800  }
0xf5: {  	s2 =	sshrl.u32 s11, $0x3;
	[sflag:s15] =	ssyncset.done $0x0  }
0xf6: {  	s24 =	sadd.s32 s6, s2;
	[sflag:s15] =	ssyncadd.s32 $0xFFFFD800  }
0xf7: {  	[tilespmem:s23], [sflag:$0x2] =	stream.linear.gather [hbm4b:s24+s3], $0x50, $0x38;
	[tilespmem:$0x1E400] =	vst v63  }
0xf8: {  	s2 =	sadd.s32 s8, s2;
	s26 =	simm.s32 $0x1  }
0xf9: {  	[tilespmem:s13], [sflag:$0x6] =	stream.linear.gather [hbm4b:s2+s3], $0x50, $0x38;
	[tilespmem:$0x1E400] =	vst v63  }
0xfa: {  	_ =	swait.ge [sflag:s26], $0x50  }
0xfb: {  	[sflag:s26] =	ssyncset.done $0x0  }
0xfc: {  	[sflag:s26] =	ssyncadd.s32 $0xFFFFFFB0  }
0xfd: {  	[tilespmem:s25], [sflag:$0x9] =	stream.indirect.gather [hbm4b:s5+s12], $0x80, s3, s12, $0xb8;
	[tilespmem:$0x1E400] =	vst v63  }
0xfe: {  	_ =	swait.ge [sflag:s16], $0x2800  }
0xff: {  	[sflag:s16] =	ssyncset.done $0x0  }
0x100: {  	[sflag:s16] =	ssyncadd.s32 $0xFFFFD800  }
0x101: {  	_ =	swait.ge [sflag:s17], $0x50  }
0x102: {  	[sflag:s17] =	ssyncset.done $0x0  }
0x103: {  	[sflag:s17] =	ssyncadd.s32 $0xFFFFFFB0  }
0x104: {  	[spmem:s1] =	stream.indirect.scatter.add.f32 [tilespmem:s21], [sflag:$0x10], $0x80, s4, s12, $0xb8;
	[tilespmem:$0x1E400] =	vst v63  }
0x105: {  	s31 =	sadd.s32 $0x140, s31;
	_ =	swait.ge [sflag:s30], $0x2800  }
0x106: {  	p1 =	sne.s32 s31, $0x4D80;
	s14 =	simm.s32 @!p2 $0x100;
	[sflag:s30] =	ssyncset.done $0x0  }
.Ltmp4:
0x107: {  	s2 =	simm.s32 @!p2 $0x0;
	[sflag:s30] =	ssyncadd.s32 $0xFFFFD800;
	(pc) =	sbr.rel @p1 .LBB2_8-.Ltmp4, $4  }
0x108: {  	[tilespmem:s14], [sflag:$0x3] =	stream.linear.gather @!p2 [hbm4b:s0+s2], $0x50, $0x38;
	[tilespmem:$0x1E400] =	vst v63  }
0x109: {  	s21 =	simm.s32 @!p2 $0x300;
	s0 =	simm.s32 $0x2  }
0x10a: {  	[tilespmem:s21], [sflag:$0x7] =	stream.linear.gather @!p2 [hbm4b:s29+s2], $0x50, $0x38;
	[tilespmem:$0x1E400] =	vst v63  }
0x10b: {  	s11 =	simm.s32 $0x2C00;
	s19 =	simm.s32 $0x80;
	_ =	swait.ge [sflag:s0], $0x50  }
0x10c: {  	s14 =	rddreg [dreg:$0x5]  }
.Ltmp5:
0x10d: {  	s21 =	rddreg [dreg:$0x6];
	(pc) =	sbr.rel .LBB2_10-.Ltmp5, $4  }
0x10e: {  	[sflag:s0] =	ssyncset.done $0x0;
	s7 =	rddreg [dreg:$0x17]  }
0x10f: {  	s9 =	rddreg [dreg:$0xd];
	[sflag:s0] =	ssyncadd.s32 $0xFFFFFFB0  }
0x110: {  	[tilespmem:s11], [sflag:$0xA] =	stream.indirect.gather [hbm4b:s5+s12], $0x80, s19, s12, $0xb8;
	[tilespmem:$0x1E400] =	vst v63  }
0x111: {  	s13 =	simm.s32 $0x280;
	s16 =	rddreg [dreg:$0x19];
	s11 =	simm.s32 $0x2C00  }
.LBB2_4:
0x112: {  	[tilespmem:s11], [sflag:$0x9] =	stream.indirect.gather [hbm4b:s16+s12], $0x80, s0, s12, $0xb8;
	[tilespmem:$0x1E400] =	vst v63  }
0x113: {  	s2 =	simm.s32 $0x2  }
0x114: {  	_ =	swait.ge [sflag:s2], $0x50  }
0x115: {  	[sflag:s2] =	ssyncset.done $0x0  }
0x116: {  	s18 =	simm.s32 $0x2C00;
	s20 =	simm.s32 $0x9;
	[sflag:s2] =	ssyncadd.s32 $0xFFFFFFB0  }
0x117: {  	[tilespmem:s18], [sflag:$0xA] =	stream.indirect.gather [hbm4b:s16+s12], $0x80, s13, s12, $0xb8;
	[tilespmem:$0x1E400] =	vst v63  }
0x118: {  	_ =	swait.ge [sflag:s20], $0x2800  }
0x119: {  	[sflag:s20] =	ssyncset.done $0x0  }
0x11a: {  	s7 =	simm.s32 $0x5;
	[sflag:s20] =	ssyncadd.s32 $0xFFFFD800  }
0x11b: {  	p1 =	por $0x1, $0x1;
	_ =	swait.ge [sflag:s7], $0x50  }
0x11c: {  	s23 =	smov.u32 s1;
	s2 =	simm.s32 @!p1 $0xF0;
	[sflag:s7] =	ssyncset.done $0x0  }
0x11d: {  	s29 =	simm.s32 @!p1 $0x10;
	s2 =	simm.s32 @p1 $0xF0;
	[sflag:s7] =	ssyncadd.s32 $0xFFFFFFB0  }
0x11e: {  	[spmem:s23] =	stream.indirect.scatter.add.f32 [tilespmem:s11], [sflag:$0xD], $0x80, s24, s12, $0xb8;
	[tilespmem:$0x1E400] =	vst v63  }
0x11f: {  	s2 =	sadd.s32 s22, s2;
	_ =	swait.ge @!p1 [sflag:s29], $0x2800  }
0x120: {  	s2 =	sshrl.u32 s2, $0x3;
	[sflag:s29] =	ssyncset.done @!p1 $0x0  }
0x121: {  	s15 =	simm.s32 $0x180;
	s31 =	sadd.s32 s6, s2;
	[sflag:s29] =	ssyncadd.s32 @!p1 $0xFFFFD800  }
0x122: {  	[tilespmem:s15], [sflag:$0x4] =	stream.linear.gather [hbm4b:s31+s3], $0x50, $0x38;
	[tilespmem:$0x1E400] =	vst v63  }
0x123: {  	s19 =	simm.s32 $0x380;
	s26 =	simm.s32 $0x3;
	s2 =	sadd.s32 s8, s2  }
0x124: {  	[tilespmem:s19], [sflag:$0x8] =	stream.linear.gather [hbm4b:s2+s3], $0x50, $0x38;
	[tilespmem:$0x1E400] =	vst v63  }
0x125: {  	_ =	swait.ge [sflag:s26], $0x50  }
0x126: {  	s9 =	simm.s32 $0x100;
	[sflag:s26] =	ssyncset.done $0x0  }
0x127: {  	s17 =	simm.s32 $0x5400;
	s28 =	simm.s32 $0xA;
	[sflag:s26] =	ssyncadd.s32 $0xFFFFFFB0  }
0x128: {  	[tilespmem:s17], [sflag:$0xB] =	stream.indirect.gather [hbm4b:s16+s12], $0x80, s9, s12, $0xb8;
	[tilespmem:$0x1E400] =	vst v63  }
0x129: {  	_ =	swait.ge [sflag:s28], $0x2800  }
0x12a: {  	[sflag:s28] =	ssyncset.done $0x0  }
0x12b: {  	s29 =	simm.s32 $0x6;
	[sflag:s28] =	ssyncadd.s32 $0xFFFFD800  }
0x12c: {  	_ =	swait.ge [sflag:s29], $0x50  }
0x12d: {  	[sflag:s29] =	ssyncset.done $0x0  }
0x12e: {  	s11 =	simm.s32 $0x280;
	[sflag:s29] =	ssyncadd.s32 $0xFFFFFFB0  }
0x12f: {  	[spmem:s23] =	stream.indirect.scatter.add.f32 [tilespmem:s18], [sflag:$0xE], $0x80, s11, s12, $0xb8;
	[tilespmem:$0x1E400] =	vst v63  }
0x130: {  	s0 =	simm.s32 @p1 $0x0;
	s18 =	simm.s32 $0xD  }
0x131: {  	s9 =	sadd.s32 s0, s14;
	_ =	swait.ge [sflag:s18], $0x2800  }
0x132: {  	s2 =	sshrl.u32 s9, $0x3;
	[sflag:s18] =	ssyncset.done $0x0  }
0x133: {  	s20 =	sadd.s32 s6, s2;
	[sflag:s18] =	ssyncadd.s32 $0xFFFFD800  }
0x134: {  	[tilespmem:s3], [sflag:$0x1] =	stream.linear.gather [hbm4b:s20+s3], $0x50, $0x38;
	[tilespmem:$0x1E400] =	vst v63  }
0x135: {  	s25 =	simm.s32 $0x200;
	s24 =	simm.s32 $0x4;
	s2 =	sadd.s32 s8, s2  }
0x136: {  	[tilespmem:s25], [sflag:$0x5] =	stream.linear.gather [hbm4b:s2+s3], $0x50, $0x38;
	[tilespmem:$0x1E400] =	vst v63  }
0x137: {  	_ =	swait.ge [sflag:s24], $0x50  }
0x138: {  	[sflag:s24] =	ssyncset.done $0x0  }
0x139: {  	[sflag:s24] =	ssyncadd.s32 $0xFFFFFFB0  }
0x13a: {  	[tilespmem:s10], [sflag:$0xC] =	stream.indirect.gather [hbm4b:s16+s12], $0x80, s15, s12, $0xb8;
	[tilespmem:$0x1E400] =	vst v63  }
0x13b: {  	s10 =	simm.s32 $0xB  }
0x13c: {  	_ =	swait.ge [sflag:s10], $0x2800  }
0x13d: {  	[sflag:s10] =	ssyncset.done $0x0  }
0x13e: {  	s7 =	simm.s32 $0x7;
	[sflag:s10] =	ssyncadd.s32 $0xFFFFD800  }
0x13f: {  	_ =	swait.ge [sflag:s7], $0x50  }
0x140: {  	[sflag:s7] =	ssyncset.done $0x0  }
0x141: {  	s13 =	simm.s32 $0x300;
	s15 =	simm.s32 $0xE;
	[sflag:s7] =	ssyncadd.s32 $0xFFFFFFB0  }
0x142: {  	[spmem:s23] =	stream.indirect.scatter.add.f32 [tilespmem:s17], [sflag:$0xF], $0x80, s13, s12, $0xb8;
	[tilespmem:$0x1E400] =	vst v63  }
0x143: {  	s26 =	sadd.s32 s0, s21;
	_ =	swait.ge [sflag:s15], $0x2800  }
0x144: {  	s2 =	sshrl.u32 s26, $0x3;
	[sflag:s15] =	ssyncset.done $0x0  }
0x145: {  	s4 =	simm.s32 $0x80;
	s28 =	sadd.s32 s6, s2;
	[sflag:s15] =	ssyncadd.s32 $0xFFFFD800  }
0x146: {  	[tilespmem:s4], [sflag:$0x2] =	stream.linear.gather [hbm4b:s28+s3], $0x50, $0x38;
	[tilespmem:$0x1E400] =	vst v63  }
0x147: {  	s29 =	simm.s32 $0x1;
	s2 =	sadd.s32 s8, s2  }
0x148: {  	[tilespmem:s11], [sflag:$0x6] =	stream.linear.gather [hbm4b:s2+s3], $0x50, $0x38;
	[tilespmem:$0x1E400] =	vst v63  }
0x149: {  	_ =	swait.ge [sflag:s29], $0x50  }
0x14a: {  	[sflag:s29] =	ssyncset.done $0x0  }
0x14b: {  	s5 =	simm.s32 $0x400;
	[sflag:s29] =	ssyncadd.s32 $0xFFFFFFB0  }
0x14c: {  	[tilespmem:s5], [sflag:$0x9] =	stream.indirect.gather [hbm4b:s16+s12], $0x80, s3, s12, $0xb8;
	[tilespmem:$0x1E400] =	vst v63  }
0x14d: {  	s5 =	simm.s32 $0xC  }
0x14e: {  	_ =	swait.ge [sflag:s5], $0x2800  }
0x14f: {  	[sflag:s5] =	ssyncset.done $0x0  }
0x150: {  	s17 =	simm.s32 $0x8;
	[sflag:s5] =	ssyncadd.s32 $0xFFFFD800  }
0x151: {  	_ =	swait.ge [sflag:s17], $0x50  }
0x152: {  	p1 =	por $0x0, $0x0;
	[sflag:s17] =	ssyncset.done $0x0  }
0x153: {  	s25 =	simm.s32 $0x7C00;
	s11 =	simm.s32 $0xF;
	[sflag:s17] =	ssyncadd.s32 $0xFFFFFFB0  }
0x154: {  	[spmem:s23] =	stream.indirect.scatter.add.f32 [tilespmem:s25], [sflag:$0x10], $0x80, s19, s12, $0xb8;
	[tilespmem:$0x1E400] =	vst v63  }
0x155: {  	s0 =	sadd.s32 @!p1 s0, s30;
	_ =	swait.ge [sflag:s11], $0x2800  }
0x156: {  	s31 =	simm.s32 @!p1 $0x100;
	s0 =	sshrl.u32 @!p1 s0, $0x3;
	[sflag:s11] =	ssyncset.done $0x0  }
0x157: {  	s2 =	sadd.s32 @!p1 s6, s0;
	s29 =	simm.s32 @!p1 $0x0;
	[sflag:s11] =	ssyncadd.s32 $0xFFFFD800  }
0x158: {  	[tilespmem:s31], [sflag:$0x3] =	stream.linear.gather @!p1 [hbm4b:s2+s29], $0x50, $0x38;
	[tilespmem:$0x1E400] =	vst v63  }
0x159: {  	s0 =	sadd.s32 @!p1 s8, s0;
	s2 =	simm.s32 @!p1 $0x300  }
0x15a: {  	[tilespmem:s2], [sflag:$0x7] =	stream.linear.gather @!p1 [hbm4b:s0+s29], $0x50, $0x38;
	[tilespmem:$0x1E400] =	vst v63  }
0x15b: {  	s0 =	simm.s32 $0x2  }
0x15c: {  	s13 =	simm.s32 $0x280;
	s31 =	simm.s32 $0x140;
	_ =	swait.ge [sflag:s0], $0x50  }
.LBB2_5:
0x15d: {  	[sflag:s0] =	ssyncset.done $0x0  }
0x15e: {  	s2 =	simm.s32 $0x2;
	s0 =	smov.u32 s31;
	s1 =	simm.s32 $0x2C00  }
0x15f: {  	s19 =	simm.s32 $0x80;
	s25 =	simm.s32 $0x9;
	s20 =	simm.s32 $0x5  }
0x160: {  	s30 =	smov.u32 s14;
	s24 =	smov.u32 s21;
	[sflag:s2] =	ssyncadd.s32 $0xFFFFFFB0  }
0x161: {  	[tilespmem:s1], [sflag:$0xA] =	stream.indirect.gather [hbm4b:s16+s12], $0x80, s19, s12, $0xb8;
	[tilespmem:$0x1E400] =	vst v63  }
0x162: {  	s4 =	simm.s32 $0x200;
	s18 =	simm.s32 $0x3;
	_ =	swait.ge [sflag:s25], $0x2800  }
0x163: {  	p3 =	seq.s32 s0, $0x0;
	p2 =	seq.s32 s0, $0x4C40;
	[sflag:s25] =	ssyncset.done $0x0  }
0x164: {  	s29 =	simm.s32 @!p3 $0x10;
	s2 =	sadd.s32 @!p3 $0xF0, s0;
	[sflag:s25] =	ssyncadd.s32 $0xFFFFD800  }
0x165: {  	s0 =	simm.s32 @p3 $0x0;
	s2 =	simm.s32 @p3 $0xF0;
	_ =	swait.ge [sflag:s20], $0x50  }
0x166: {  	s14 =	sadd.s32 s0, s14;
	s26 =	sadd.s32 s0, s21;
	[sflag:s20] =	ssyncset.done $0x0  }
0x167: {  	s2 =	sadd.s32 s22, s2;
	s25 =	simm.s32 $0x400;
	[sflag:s20] =	ssyncadd.s32 $0xFFFFFFB0  }
0x168: {  	[spmem:s23] =	stream.indirect.scatter.add.f32 [tilespmem:s25], [sflag:$0xD], $0x80, s4, s12, $0xb8;
	[tilespmem:$0x1E400] =	vst v63  }
0x169: {  	s22 =	sshrl.u32 s2, $0x3;
	s2 =	sshrl.u32 s26, $0x3;
	_ =	swait.ge @!p3 [sflag:s29], $0x2800  }
0x16a: {  	s26 =	simm.s32 $0x180;
	s28 =	sadd.s32 s6, s22;
	[sflag:s29] =	ssyncset.done @!p3 $0x0  }
0x16b: {  	s22 =	sadd.s32 s8, s22;
	s9 =	rddreg [dreg:$0x4];
	[sflag:s29] =	ssyncadd.s32 @!p3 $0xFFFFD800  }
0x16c: {  	[tilespmem:s26], [sflag:$0x4] =	stream.linear.gather [hbm4b:s28+s3], $0x50, $0x38;
	[tilespmem:$0x1E400] =	vst v63  }
0x16d: {  	s0 =	sadd.s32 @!p2 s0, s9;
	s9 =	simm.s32 $0x100;
	s28 =	simm.s32 $0x380  }
0x16e: {  	[tilespmem:s28], [sflag:$0x8] =	stream.linear.gather [hbm4b:s22+s3], $0x50, $0x38;
	[tilespmem:$0x1E400] =	vst v63  }
0x16f: {  	s21 =	sshrl.u32 @!p2 s0, $0x3;
	s22 =	rddreg [dreg:$0x3];
	_ =	swait.ge [sflag:s18], $0x50  }
0x170: {  	s0 =	sadd.s32 @!p2 s6, s21;
	s29 =	sadd.s32 @!p2 s8, s21;
	[sflag:s18] =	ssyncset.done $0x0  }
0x171: {  	s21 =	simm.s32 $0xA;
	[sflag:s18] =	ssyncadd.s32 $0xFFFFFFB0;
	s18 =	simm.s32 $0x5400  }
0x172: {  	[tilespmem:s18], [sflag:$0xB] =	stream.indirect.gather [hbm4b:s16+s12], $0x80, s9, s12, $0xb8;
	[tilespmem:$0x1E400] =	vst v63  }
0x173: {  	_ =	swait.ge [sflag:s21], $0x2800  }
0x174: {  	[sflag:s21] =	ssyncset.done $0x0  }
0x175: {  	s9 =	simm.s32 $0x6;
	[sflag:s21] =	ssyncadd.s32 $0xFFFFD800  }
0x176: {  	_ =	swait.ge [sflag:s9], $0x50  }
0x177: {  	[sflag:s9] =	ssyncset.done $0x0  }
0x178: {  	s21 =	simm.s32 $0xD;
	[sflag:s9] =	ssyncadd.s32 $0xFFFFFFB0  }
0x179: {  	[spmem:s23] =	stream.indirect.scatter.add.f32 [tilespmem:s1], [sflag:$0xE], $0x80, s13, s12, $0xb8;
	[tilespmem:$0x1E400] =	vst v63  }
0x17a: {  	_ =	swait.ge [sflag:s21], $0x2800  }
0x17b: {  	s14 =	sshrl.u32 s14, $0x3;
	[sflag:s21] =	ssyncset.done $0x0  }
0x17c: {  	s1 =	sadd.s32 s6, s14;
	[sflag:s21] =	ssyncadd.s32 $0xFFFFD800  }
0x17d: {  	[tilespmem:s3], [sflag:$0x1] =	stream.linear.gather [hbm4b:s1+s3], $0x50, $0x38;
	[tilespmem:$0x1E400] =	vst v63  }
0x17e: {  	s14 =	sadd.s32 s8, s14;
	s21 =	simm.s32 $0x4  }
0x17f: {  	[tilespmem:s4], [sflag:$0x5] =	stream.linear.gather [hbm4b:s14+s3], $0x50, $0x38;
	[tilespmem:$0x1E400] =	vst v63  }
0x180: {  	_ =	swait.ge [sflag:s21], $0x50  }
0x181: {  	[sflag:s21] =	ssyncset.done $0x0  }
0x182: {  	s1 =	simm.s32 $0x7C00;
	[sflag:s21] =	ssyncadd.s32 $0xFFFFFFB0  }
0x183: {  	[tilespmem:s1], [sflag:$0xC] =	stream.indirect.gather [hbm4b:s16+s12], $0x80, s26, s12, $0xb8;
	[tilespmem:$0x1E400] =	vst v63  }
0x184: {  	_ =	swait.ge [sflag:s10], $0x2800  }
0x185: {  	[sflag:s10] =	ssyncset.done $0x0  }
0x186: {  	[sflag:s10] =	ssyncadd.s32 $0xFFFFD800  }
0x187: {  	_ =	swait.ge [sflag:s7], $0x50  }
0x188: {  	[sflag:s7] =	ssyncset.done $0x0  }
0x189: {  	s14 =	simm.s32 $0x300;
	[sflag:s7] =	ssyncadd.s32 $0xFFFFFFB0  }
0x18a: {  	[spmem:s23] =	stream.indirect.scatter.add.f32 [tilespmem:s18], [sflag:$0xF], $0x80, s14, s12, $0xb8;
	[tilespmem:$0x1E400] =	vst v63  }
0x18b: {  	_ =	swait.ge [sflag:s15], $0x2800  }
0x18c: {  	[sflag:s15] =	ssyncset.done $0x0  }
0x18d: {  	s21 =	sadd.s32 s6, s2;
	[sflag:s15] =	ssyncadd.s32 $0xFFFFD800  }
0x18e: {  	[tilespmem:s19], [sflag:$0x2] =	stream.linear.gather [hbm4b:s21+s3], $0x50, $0x38;
	[tilespmem:$0x1E400] =	vst v63  }
0x18f: {  	s2 =	sadd.s32 s8, s2;
	s26 =	simm.s32 $0x1  }
0x190: {  	[tilespmem:s13], [sflag:$0x6] =	stream.linear.gather [hbm4b:s2+s3], $0x50, $0x38;
	[tilespmem:$0x1E400] =	vst v63  }
0x191: {  	_ =	swait.ge [sflag:s26], $0x50  }
0x192: {  	[sflag:s26] =	ssyncset.done $0x0  }
0x193: {  	[sflag:s26] =	ssyncadd.s32 $0xFFFFFFB0  }
0x194: {  	[tilespmem:s25], [sflag:$0x9] =	stream.indirect.gather [hbm4b:s16+s12], $0x80, s3, s12, $0xb8;
	[tilespmem:$0x1E400] =	vst v63  }
0x195: {  	_ =	swait.ge [sflag:s5], $0x2800  }
0x196: {  	[sflag:s5] =	ssyncset.done $0x0  }
0x197: {  	[sflag:s5] =	ssyncadd.s32 $0xFFFFD800  }
0x198: {  	_ =	swait.ge [sflag:s17], $0x50  }
0x199: {  	[sflag:s17] =	ssyncset.done $0x0  }
0x19a: {  	s31 =	sadd.s32 $0x140, s31;
	[sflag:s17] =	ssyncadd.s32 $0xFFFFFFB0  }
0x19b: {  	[spmem:s23] =	stream.indirect.scatter.add.f32 [tilespmem:s1], [sflag:$0x10], $0x80, s28, s12, $0xb8;
	[tilespmem:$0x1E400] =	vst v63  }
0x19c: {  	p1 =	seq.s32 s31, $0x4D80;
	_ =	swait.ge [sflag:s11], $0x2800  }
0x19d: {  	s20 =	simm.s32 $0x2C00;
	s14 =	simm.s32 @!p2 $0x100;
	[sflag:s11] =	ssyncset.done $0x0  }
.Ltmp6:
0x19e: {  	s2 =	simm.s32 @!p2 $0x0;
	[sflag:s11] =	ssyncadd.s32 $0xFFFFD800;
	(pc) =	sbr.rel @!p1 .LBB2_5-.Ltmp6, $4  }
0x19f: {  	[tilespmem:s14], [sflag:$0x3] =	stream.linear.gather @!p2 [hbm4b:s0+s2], $0x50, $0x38;
	[tilespmem:$0x1E400] =	vst v63  }
0x1a0: {  	s4 =	simm.s32 $0x80;
	s21 =	simm.s32 @!p2 $0x300;
	s0 =	simm.s32 $0x2  }
0x1a1: {  	[tilespmem:s21], [sflag:$0x7] =	stream.linear.gather @!p2 [hbm4b:s29+s2], $0x50, $0x38;
	[tilespmem:$0x1E400] =	vst v63  }
0x1a2: {  	s14 =	smov.u32 s30;
	s21 =	smov.u32 s24;
	_ =	swait.ge [sflag:s0], $0x50  }
.Ltmp7:
0x1a3: {  	_ = 	snop;
	(pc) =	sbr.rel .LBB2_6-.Ltmp7, $1  }
0x1a4: {  	_ =	sdelay $0x3  }
.LBB2_11:
0x1a5: {  	_ =	sfence.sel $0x180000  }
0x1a6: {  	[bflag:$0x0] =	sbarrier.arrive $0xFFFF  }
0x1a7: {  	_ =	strace $0x9000004D  }
0x1a8: {  	s0 =	stileid.u32;
	[bflag:$0x2] =	sbarrier.arrive $0xFFFF  }
0x1a9: {  	p0 =	sne.s32 s0, $0x0;
	s0 =	rddreg [dreg:$0x2]  }
0x1aa: {  	s0 =	sadd.s32 @!p0 $0x100000, s0  }
0x1ab: {  	[sflag:s0] =	ssyncadd.tile.s32 @!p0 $0x1;
	_ =	shalt  }
.Lfunc_end2:
_tile_overlayer_lowered:
.L_overlay_start_2:
0x1ac: {  	(tag) =	ssettag $0x2  }
0x1ad: {  	s0 =	rddreg [dreg:$0x0];
	s2 =	stileid.u32  }
0x1ae: {  	s1 =	rddreg [dreg:$0x1];
	p0 =	sne.s32 s2, $0x0  }
0x1af: {  	s3 =	rddreg [dreg:$0x2];
	[bflag:$0x3] =	sbarrier.arrive $0xFFFF;
	s2 =	simm.s32 @!p0 $0x1C11  }
0x1b0: {  	[timem:s3], [sflag:s2] =	dma.local @!p0 [hbm:s0], s1  }
0x1b1: {  	s0 =	simm.s32 @!p0 $0x11  }
0x1b2: {  	_ =	swait.ge @!p0 [sflag:s0], s1  }
0x1b3: {  	s1 =	ssub.s32 @!p0 $0x0, s1;
	[sflag:s0] =	ssyncset.done @!p0 $0x0  }
0x1b4: {  	[sflag:s0] =	ssyncadd.s32 @!p0 s1  }
0x1b5: {  	[bflag:$0x3] =	sbarrier.arrive $0xFFFF  }
0x1b6: {  	_ =	shalt  }

// kernel: kernel.7.cloned.1.call-start
scs
__scs_entry_jumppad:
0x0: {  	(pc) =	sbr.rel $0x88, $3  }
0x1: {  	(tag) =	ssettag $0x0;
	lr =	simm.s32 $0x1  }
0x2: {  	[smem:$0x3F94] =	sst lr;
	_ =	strace $0xD0000000  }
0x3: {  	_ = 	snop  }
0x4: {  	_ = 	snop  }
0x5: {  	_ = 	snop  }
0x6: {  	_ = 	snop  }
0x7: {  	_ = 	snop  }
__scs_overlays_trampoline_lowered:
0x8: {  	[smem:$0x3FA3] =	sst s0  }
0x9: {  	[smem:$0x3FA4] =	sst s1  }
0xa: {  	[smem:$0x3FA5] =	sst s2  }
0xb: {  	[smem:$0x3FA6] =	sst s3  }
0xc: {  	[smem:$0x3FA7] =	sst s4  }
0xd: {  	[smem:$0x3FA8] =	sst s5  }
0xe: {  	[smem:$0x3FA9] =	sst s6  }
0xf: {  	[smem:$0x3FAA] =	sst s7  }
0x10: {  	[smem:$0x3FAB] =	sst s8  }
0x11: {  	[smem:$0x3FAC] =	sst s9;
	s0 =	simm.s32 @!p0 $0x0  }
0x12: {  	s1 =	sld [smem:$0x3F92];
	s0 =	simm.s32 @p0 $0x1  }
0x13: {  	[smem:$0x3FAD] =	sst s0;
	s0 =	simm.s32 @!p1 $0x0  }
0x14: {  	s2 =	sld [smem:$0x3F91];
	s0 =	simm.s32 @p1 $0x1  }
0x15: {  	[smem:$0x3FAE] =	sst s0;
	s0 =	simm.s32 @!p2 $0x0  }
0x16: {  	s3 =	sld [smem:$0x3FDB];
	s0 =	simm.s32 @p2 $0x1  }
0x17: {  	s4 =	simm.s32 $0x1BF5;
	[smem:$0x3FB0] =	sst s0  }
0x18: {  	s0 =	sld [smem:$0x3F93];
	_ =	swait.ge [sflag:s4], $0x0  }
0x19: {  	s7 =	sld [smem:$0x3F94]  }
0x1a: {  	s8 =	sadd.s32 $0xFFFFE003, lr  }
0x1b: {  	s9 =	sadd.s32 $0xFFFFFEF7, lr;
	s5 =	simm.s32 $0xFFFFFFFF;
	p2 =	slt.u32 s8, $0xFFFFF086  }
0x1c: {  	p1 =	slt.u32 s9, $0xF7A;
	s5 =	simm.s32 @!p2 $0x0  }
0x1d: {  	s5 =	simm.s32 @p1 $0x1;
	p0 =	seq.s32 s7, s2  }
0x1e: {  	s7 =	smul.u32 @!p0 $0xF7A, s2;
	p2 =	seq.s32 @!p0 s5, $0x0  }
0x1f: {  	s9 =	smul.u32 $0xF7A, s1;
	s8 =	simm.s32 @!p0 $0x1BF5;
	p2 =	por !p2, p0  }
0x20: {  	[sflag:s8] =	ssyncset.s32 @!p0 $0xFFFFF086;
	s6 =	sadd.s32 @!p0 s3, s7;
	s7 =	simm.s32 @!p0 $0x108  }
0x21: {  	s3 =	sadd.s32 s3, s9;
	s6 =	sadd.s32 @!p0 $0x88, s6;
	s7 =	simm.s32 @p2 $0x1082  }
0x22: {  	[simem:s7], [sflag:s8] =	dma.local @!p0 [hbm:s6], $0xF7A  }
0x23: {  	s9 =	sor.u32 $0xD0000000, s2;
	s6 =	simm.s32 $0x108;
	_ =	swait.ge @!p0 [sflag:s8], $0x0  }
0x24: {  	s3 =	sadd.s32 $0x88, s3;
	s6 =	simm.s32 @!p1 $0x1082;
	[sflag:s4] =	ssyncset.s32 $0xFFFFF086  }
0x25: {  	[simem:s6], [sflag:s4] =	dma.local [hbm:s3], $0xF7A  }
0x26: {  	[smem:$0x3F94] =	sst s1;
	(tag) =	ssettag s2;
	_ =	strace s9  }
0x27: {  	s1 =	sld [smem:$0x3FA4]  }
0x28: {  	s2 =	sld [smem:$0x3FA5]  }
0x29: {  	s4 =	sld [smem:$0x3FA7]  }
0x2a: {  	p0 =	seq.s32 s5, $0x0;
	s5 =	sld [smem:$0x3FA8]  }
0x2b: {  	s6 =	sld [smem:$0x3FA9]  }
0x2c: {  	s7 =	sld [smem:$0x3FAA]  }
0x2d: {  	s3 =	simm.s32 $0x108;
	s8 =	sld [smem:$0x3FAB]  }
0x2e: {  	s3 =	simm.s32 @!p0 $0x1082;
	s9 =	sld [smem:$0x3FAC]  }
0x2f: {  	lr =	sadd.s32 s0, s3;
	s0 =	sld [smem:$0x3FA3]  }
0x30: {  	s3 =	sld [smem:$0x3FA6]  }
0x31: {  	[smem:$0x3FAF] =	sst s10  }
0x32: {  	s10 =	sld [smem:$0x3FAD];
	_ =	sdelay $0x3  }
0x33: {  	p0 =	seq.s32 s10, $0x1;
	s10 =	sld [smem:$0x3FAF];
	_ =	sdelay $0x3  }
0x34: {  	[smem:$0x3FAF] =	sst s10  }
0x35: {  	s10 =	sld [smem:$0x3FAE];
	_ =	sdelay $0x3  }
0x36: {  	p1 =	seq.s32 s10, $0x1;
	s10 =	sld [smem:$0x3FAF];
	_ =	sdelay $0x3  }
0x37: {  	[smem:$0x3FAF] =	sst s10  }
0x38: {  	s10 =	sld [smem:$0x3FB0]  }
0x39: {  	_ = 	snop;
	(pc) =	sbr.ind lr, $3  }
0x3a: {  	_ = 	snop  }
0x3b: {  	_ = 	snop  }
0x3c: {  	p2 =	seq.s32 s10, $0x1;
	s10 =	sld [smem:$0x3FAF]  }
0x3d: {  	_ =	shalt  }
0x3e: {  	_ =	shalt  }
0x3f: {  	_ =	shalt  }
0x40: {  	_ =	shalt  }
0x41: {  	_ =	shalt  }
0x42: {  	_ =	shalt  }
0x43: {  	_ =	shalt  }
0x44: {  	_ =	shalt  }
0x45: {  	_ =	shalt  }
0x46: {  	_ =	shalt  }
0x47: {  	_ =	shalt  }
0x48: {  	_ =	shalt  }
0x49: {  	_ =	shalt  }
0x4a: {  	_ =	shalt  }
0x4b: {  	_ =	shalt  }
0x4c: {  	_ =	shalt  }
0x4d: {  	_ =	shalt  }
0x4e: {  	_ =	shalt  }
0x4f: {  	_ =	shalt  }
0x50: {  	_ =	shalt  }
0x51: {  	_ =	shalt  }
0x52: {  	_ =	shalt  }
0x53: {  	_ =	shalt  }
0x54: {  	_ =	shalt  }
0x55: {  	_ =	shalt  }
0x56: {  	_ =	shalt  }
0x57: {  	_ =	shalt  }
0x58: {  	_ =	shalt  }
0x59: {  	_ =	shalt  }
0x5a: {  	_ =	shalt  }
0x5b: {  	_ =	shalt  }
0x5c: {  	_ =	shalt  }
0x5d: {  	_ =	shalt  }
0x5e: {  	_ =	shalt  }
0x5f: {  	_ =	shalt  }
0x60: {  	_ =	shalt  }
0x61: {  	_ =	shalt  }
0x62: {  	_ =	shalt  }
0x63: {  	_ =	shalt  }
0x64: {  	_ =	shalt  }
0x65: {  	_ =	shalt  }
0x66: {  	_ =	shalt  }
0x67: {  	_ =	shalt  }
0x68: {  	_ =	shalt  }
0x69: {  	_ =	shalt  }
0x6a: {  	_ =	shalt  }
0x6b: {  	_ =	shalt  }
0x6c: {  	_ =	shalt  }
0x6d: {  	_ =	shalt  }
0x6e: {  	_ =	shalt  }
0x6f: {  	_ =	shalt  }
0x70: {  	_ =	shalt  }
0x71: {  	_ =	shalt  }
0x72: {  	_ =	shalt  }
0x73: {  	_ =	shalt  }
0x74: {  	_ =	shalt  }
0x75: {  	_ =	shalt  }
0x76: {  	_ =	shalt  }
0x77: {  	_ =	shalt  }
0x78: {  	_ =	shalt  }
0x79: {  	_ =	shalt  }
0x7a: {  	_ =	shalt  }
0x7b: {  	_ =	shalt  }
0x7c: {  	_ =	shalt  }
0x7d: {  	_ =	shalt  }
0x7e: {  	_ =	shalt  }
0x7f: {  	_ =	shalt  }
0x80: {  	_ =	shalt  }
0x81: {  	_ =	shalt  }
0x82: {  	_ =	shalt  }
0x83: {  	_ =	shalt  }
0x84: {  	_ =	shalt  }
0x85: {  	_ =	shalt  }
0x86: {  	_ =	shalt  }
0x87: {  	_ =	shalt  }
.Lfunc_end0:
.L_simem_size_0:
called_computation_lowered:
.L_overlay_start_0:
0x88: {  	s2 =	sld [smem:$0x3FD9]  }
0x89: {  	s3 =	sld [smem:$0x3FFE];
	_ =	sdelay $0x1  }
0x8a: {  	s1 =	srdreg.scid  }
0x8b: {  	s0 =	sand.u32 $0x1, s1  }
0x8c: {  	s16 =	sshll.u32 s0, $0xA;
	s2 =	sadd.s32 s3, s2  }
0x8d: {  	s2 =	sadd.s32 s2, s16  }
0x8e: {  	[smem:$0x3FBB] =	sst s2  }
0x8f: {  	_ = 	snop  }
0x90: {  	(tm) =	ssettm $0x1  }
0x91: {  	s17 =	sld [smem:$0x3FFB];
	_ =	sdelay $0x3  }
0x92: {  	_ =	strace s17  }
0x93: {  	s2 =	sld [smem:$0x3FFC];
	_ =	sdelay $0x3  }
0x94: {  	_ =	strace s2  }
0x95: {  	s2 =	sld [smem:$0x3FFD];
	_ =	sdelay $0x3  }
0x96: {  	_ =	strace s2  }
0x97: {  	_ =	strace $0x8FFFFFFF  }
0x98: {  	s18 =	sld [smem:$0x3FDB];
	_ =	sdelay $0x1  }
0x99: {  	s19 =	simm.s32 $_scs_section_size  }
0x9a: {  	s4 =	simm.s32 $_size__tile_overlayer_lowered;
	s5 =	simm.s32 $_tile_overlayer_lowered  }
0x9b: {  	s22 =	simm.s32 $0x1BFF;
	s21 =	sshll.u32 s5, $0x1;
	s2 =	sadd.s32 s19, s18  }
0x9c: {  	s6 =	simm.s32 $0x0;
	s20 =	sshll.u32 s4, $0x1;
	s4 =	sadd.s32 s21, s2  }
0x9d: {  	[timem:s6], [sflag:s22] =	dma.local [hbm:s4], s20  }
0x9e: {  	_ =	swait.ge [sflag:s22], s20  }
0x9f: {  	s3 =	ssub.s32 $0x0, s20;
	[sflag:s22] =	ssyncset.done $0x0  }
0xa0: {  	[sflag:s22] =	ssyncadd.s32 s3;
	_ =	sdelay $0x1  }
0xa1: {  	s23 =	simm.s32 $0x1B8B  }
0xa2: {  	_ =	swait.ge [sflag:s23], $0x1  }
0xa3: {  	[sflag:s23] =	ssyncset.done $0x0  }
0xa4: {  	s25 =	simm.s32 $0x1B8E;
	s24 =	sld [smem:$0x3FFE];
	[sflag:s23] =	ssyncadd.s32 $0xFFFFFFFF  }
0xa5: {  	s26 =	simm.s32 $execute0_lowered;
	[smem:$0x3FD2] =	sst s25  }
0xa6: {  	s4 =	sshll.u32 s26, $0x1;
	_ =	strace $0x80000046;
	[dreg:$0x1] =	wrdreg $0xFFFFFFFF  }
0xa7: {  	s28 =	simm.s32 $_size_execute0_lowered;
	s2 =	sadd.s32 s2, s4;
	[dreg:$0x0] =	wrdreg $0x0  }
0xa8: {  	s4 =	sshll.u32 s28, $0x1;
	[dreg:$0x2] =	wrdreg s2  }
0xa9: {  	[dreg:$0x3] =	wrdreg s4  }
0xaa: {  	[dreg:$0x4] =	wrdreg $0xC0  }
0xab: {  	_ =	task [dreg:s6], $0x5FFFF  }
0xac: {  	[dreg:$0x1] =	wrdreg $0xFFFFFFFF  }
0xad: {  	[dreg:$0x0] =	wrdreg $0x60  }
0xae: {  	[dreg:$0x2] =	wrdreg s24  }
0xaf: {  	[dreg:$0x3] =	wrdreg $0x9  }
0xb0: {  	_ =	task.clear_ibuf [dreg:s6], $0x4FFFF;
	_ =	strace $0x90000046  }
0xb1: {  	s29 =	simm.s32 $0x9;
	_ =	strace $0x80000048  }
0xb2: {  	_ =	swait.ge [sflag:s29], $0x1  }
0xb3: {  	[sflag:s29] =	ssyncadd.s32 $0xFFFFFFFF  }
0xb4: {  	_ =	strace $0x90000048  }
0xb5: {  	_ =	sfence  }
0xb6: {  	s30 =	sld [smem:$0x0];
	_ =	sdelay $0x2  }
0xb7: {  	s31 =	sshll.u32 s1, $0xD;
	s1 =	sshrl.u32 s1, $0x2  }
0xb8: {  	s3 =	sand.u32 $0x4000, s31;
	s1 =	sadd.s32 s1, s30  }
0xb9: {  	s0 =	sor.u32 s3, s0;
	s1 =	sshll.u32 s1, $0x11  }
0xba: {  	s0 =	sor.u32 s1, s0  }
0xbb: {  	s0 =	sadd.s32 $0x8F2B, s0  }
0xbc: {  	[sflag:s0] =	ssyncadd.remote.s32 $0x1  }
0xbd: {  	_ =	sfence.sel $0xFFFF  }
0xbe: {  	[dreg:$0x0] =	wrdreg $0xFFFFFFFF;
	(pc) =	sbr.abs _section_cstart, $3  }
0xbf: {  	[dreg:$0x1] =	wrdreg $0xFFFFFFFF  }
0xc0: {  	_ =	task.clear_ibuf [dreg:s6], $0x2FFFF;
	_ =	strace $0x9FFFFFFF  }
0xc1: {  	(tm) =	ssettm $0x7FFFFFFF  }
tec
execute0_lowered:
.L_overlay_start_1:
0x0: {  	(tag) =	ssettag $0x1  }
0x1: {  	s1 =	srdreg.scid;
	s0 =	stileid.u32  }
0x2: {  	s4 =	rddreg [dreg:$0x0];
	s3 =	sand.u32 $0x1, s1;
	s30 =	sshll.u32 s0, $0x1  }
0x3: {  	s2 =	simm.s32 $0x0;
	s8 =	simm.s32 $0x0;
	s5 =	sor.u32 s3, s30  }
0x4: {  	s1 =	rddreg [dreg:$0x1];
	s3 =	ssub.s32 $0x2, s3;
	s6 =	smul.u32 $0x4E2, s5  }
0x5: {  	[smem:$0x7FF] =	sst s2;
	s5 =	smul.u32 $0x500, s5;
	s7 =	sshrl.u32 s3, $0x1  }
0x6: {  	_ =	strace $0x80000047;
	s31 =	ssub.s32 s3, s7;
	s7 =	simm.s32 $0x2780  }
0x7: {  	s6 =	sadd.s32 s6, s4;
	s4 =	sadd.s32 s5, s4;
	s5 =	smax.u32 s31, $0x1  }
0x8: {  	v0 =	vimm.f32 $0.0e+00;
	v1 =	vimm.f32 $1.000000000e+00;
	s3 =	sadd.s32 $0x3800, s6;
	s4 =	sadd.s32 $0x17400, s4;
	s6 =	simm.s32 $0x1  }
.LBB2_1:
0x9: {  	s9 =	simm.s32 $0x40;
	s10 =	simm.s32 $0x0  }
.LBB2_2:
0xa: {  	p0 =	sne.s32 s9, $0x9FC0;
	[tilespmem:s10+$0x2780] =	vst v0;
	s10 =	smov.u32 s9;
	s9 =	sadd.s32 $0x40, s9  }
.Ltmp0:
0xb: {  	(pc) =	sbr.rel @p0 .LBB2_2-.Ltmp0, $2  }
0xc: {  	_ =	sdelay $0x2  }
0xd: {  	s10 =	sshra.s32 s10, $0x2  }
0xe: {  	[tilespmem:s10+$0x2780] =	vst v0;
	s9 =	simm.s32 $0x0  }
0xf: {  	[tilespmem:s9], [sflag:$0x1] =	stream.linear.gather [hbm4b:s3+s9], $0x2710, $0x38;
	[tilespmem:$0x4F80] =	vst v63  }
0x10: {  	_ =	swait.ge [sflag:s6], $0x2710  }
0x11: {  	[sflag:s6] =	ssyncset.done $0x0  }
0x12: {  	s10 =	simm.s32 $0x0;
	s9 =	simm.s32 $0x40;
	[sflag:s6] =	ssyncadd.s32 $0xFFFFD8F0  }
.LBB2_4:
0x13: {  	p0 =	sne.s32 s9, $0x9C00;
	v2 =	vld [tilespmem:s10+$0x0];
	_ =	sdelay $0x3  }
.Ltmp1:
0x14: {  	(pc) =	sbr.rel @p0 .LBB2_4-.Ltmp1, $2  }
0x15: {  	_ =	sdelay $0x2  }
0x16: {  	s10 =	sshra.s32 s9, $0x2;
	s9 =	sadd.s32 $0x40, s9;
	[tilespmem:v2+s7+$0x0] =	vst.idx.add.f32.msk $0xffff, v1  }
0x17: {  	v2 =	vld [tilespmem:s10+$0x0];
	_ =	sdelay $0x5  }
0x18: {  	s8 =	sadd.s32 $0x1, s8  }
0x19: {  	p0 =	sne.s32 s8, s5  }
.Ltmp2:
0x1a: {  	[tilespmem:v2+s7+$0x0] =	vst.idx.add.f32.msk $0xffff, v1;
	(pc) =	sbr.rel @p0 .LBB2_1-.Ltmp2, $4  }
0x1b: {  	[hbm4b:s4+s2] =	stream.linear.scatter [tilespmem:s7], [sflag:$0x1], $0x2800, $0x38;
	[tilespmem:$0x4F80] =	vst v63  }
0x1c: {  	_ =	swait.ge [sflag:s6], $0x2800  }
0x1d: {  	[sflag:s6] =	ssyncset.done $0x0  }
0x1e: {  	[sflag:s6] =	ssyncadd.s32 $0xFFFFD800  }
0x1f: {  	_ =	sfence.sel $0x180000  }
0x20: {  	[bflag:$0x0] =	sbarrier.arrive $0xFFFF  }
0x21: {  	p0 =	sne.s32 s0, $0x0;
	_ =	strace $0x90000047  }
0x22: {  	s0 =	sadd.s32 @!p0 $0x100000, s1;
	[bflag:$0x2] =	sbarrier.arrive $0xFFFF  }
0x23: {  	[sflag:s0] =	ssyncadd.tile.s32 @!p0 $0x1;
	_ =	shalt  }
.Lfunc_end2:
_tile_overlayer_lowered:
.L_overlay_start_2:
0x24: {  	(tag) =	ssettag $0x2  }
0x25: {  	s0 =	rddreg [dreg:$0x0];
	s2 =	stileid.u32  }
0x26: {  	s1 =	rddreg [dreg:$0x1];
	p0 =	sne.s32 s2, $0x0  }
0x27: {  	s3 =	rddreg [dreg:$0x2];
	[bflag:$0x3] =	sbarrier.arrive $0xFFFF;
	s2 =	simm.s32 @!p0 $0x1C01  }
0x28: {  	[timem:s3], [sflag:s2] =	dma.local @!p0 [hbm:s0], s1  }
0x29: {  	s0 =	simm.s32 @!p0 $0x1  }
0x2a: {  	_ =	swait.ge @!p0 [sflag:s0], s1  }
0x2b: {  	s1 =	ssub.s32 @!p0 $0x0, s1;
	[sflag:s0] =	ssyncset.done @!p0 $0x0  }
0x2c: {  	[sflag:s0] =	ssyncadd.s32 @!p0 s1  }
0x2d: {  	[bflag:$0x3] =	sbarrier.arrive $0xFFFF  }
0x2e: {  	_ =	shalt  }

</sc_bundles>
